<compile_context>
chip_gen: v7x
topology: tpu7x:2x2x1
jax: 0.10.2.dev20260603
libtpu: 0.0.44.dev20260713+nightly
codegen_flags: <defaults>
</compile_context>

<pallas_src>
import functools

import jax
import jax.numpy as jnp
from jax import lax
from jax.experimental import pallas as pl
from jax.experimental.pallas import tpu as pltpu
from jax.experimental.pallas import tpu_sc as plsc

B, F = 4096, 26
V, D = 100000, 64
FP = 32
NCH = 4
CH = L * 26 // NCH if False else 104
CHF = 128
L = 16
NC, NS = 2, 16
NW = NC * NS
ROWS_W = B // NW
NBLK = ROWS_W // L
DCH = D // L


def _sc_body(ids_hbm, vs_hbm, so_hbm,
             pooled_hbm, sumsq_hbm,
             ids_v, vs_v, emb_v, pooled_v, sumsq_v,
             sem_e):
    wid = lax.axis_index("s") * NC + lax.axis_index("c")
    row0 = wid * ROWS_W
    pltpu.sync_copy(ids_hbm.at[pl.ds(row0 * F, ROWS_W * F)], ids_v)
    pltpu.sync_copy(vs_hbm.at[pl.ds(row0, ROWS_W)], vs_v)

    def block_body(blk, carry):
        for c in range(NCH):
            pltpu.async_copy(
                so_hbm.at[ids_v.at[pl.ds(blk * (L * F) + c * CH, CH)]],
                emb_v.at[pl.ds(c * CH, CH)], sem_e)
        for c in range(NCH):
            pltpu.make_async_copy(
                so_hbm.at[ids_v.at[pl.ds(blk * (L * F) + c * CH, CH)]],
                emb_v.at[pl.ds(c * CH, CH)], sem_e).wait()
        def row_body(rl, rc):
            row = blk * L + rl
            accs = [jnp.zeros((L,), jnp.float32) for _ in range(2 * DCH)]
            wr = blk * L + rl
            for f in range(F):
                vv = vs_v[wr, pl.ds(f * L, L)]
                for c in range(DCH):
                    t = emb_v[rl * F + f, pl.ds(c * L, L)] * vv
                    accs[c] = accs[c] + t
                    accs[DCH + c] = accs[DCH + c] + t * t
            for c in range(DCH):
                pooled_v[row, pl.ds(c * L, L)] = accs[c]
                sumsq_v[row, pl.ds(c * L, L)] = accs[DCH + c]
            return rc

        lax.fori_loop(0, L, row_body, 0)
        return carry

    lax.fori_loop(0, NBLK, block_body, 0)

    pltpu.sync_copy(pooled_v, pooled_hbm.at[pl.ds(row0, ROWS_W)])
    pltpu.sync_copy(sumsq_v, sumsq_hbm.at[pl.ds(row0, ROWS_W)])


def _sc_fo_body(ids_hbm, fo_hbm, fow_hbm, ids_v, fow_v, sem_f):
    wid = lax.axis_index("s") * NC + lax.axis_index("c")
    base = wid * (ROWS_W * F)
    pltpu.sync_copy(ids_hbm.at[pl.ds(base, ROWS_W * F)], ids_v)
    for k in range(ROWS_W * F // CHF):
        pltpu.async_copy(fo_hbm.at[ids_v.at[pl.ds(k * CHF, CHF)]],
                         fow_v.at[pl.ds(k * CHF, CHF)], sem_f)
    for k in range(ROWS_W * F // CHF):
        pltpu.make_async_copy(fo_hbm.at[ids_v.at[pl.ds(k * CHF, CHF)]],
                              fow_v.at[pl.ds(k * CHF, CHF)], sem_f).wait()
    pltpu.sync_copy(fow_v, fow_hbm.at[pl.ds(base, ROWS_W * F)])


@functools.cache
def _get_sc_call():
    return pl.kernel(
        _sc_body,
        out_type=(
            jax.ShapeDtypeStruct((B, D), jnp.float32),
            jax.ShapeDtypeStruct((B, D), jnp.float32),
        ),
        mesh=plsc.VectorSubcoreMesh(core_axis_name="c", subcore_axis_name="s"),
        compiler_params=pltpu.CompilerParams(use_tc_tiling_on_sc=False),
        scratch_types=(
            pltpu.VMEM((ROWS_W * F,), jnp.int32),
            pltpu.VMEM((ROWS_W, FP * L), jnp.float32),
            pltpu.VMEM((L * F, D), jnp.float32),
            pltpu.VMEM((ROWS_W, D), jnp.float32),
            pltpu.VMEM((ROWS_W, D), jnp.float32),
            pltpu.SemaphoreType.DMA,
        ),
    )


@functools.cache
def _get_sc_fo_call():
    return pl.kernel(
        _sc_fo_body,
        out_type=(jax.ShapeDtypeStruct((B * F,), jnp.float32),),
        mesh=plsc.VectorSubcoreMesh(core_axis_name="c", subcore_axis_name="s"),
        compiler_params=pltpu.CompilerParams(use_tc_tiling_on_sc=False),
        scratch_types=(
            pltpu.VMEM((ROWS_W * F,), jnp.int32),
            pltpu.VMEM((ROWS_W * F,), jnp.float32),
            pltpu.SemaphoreType.DMA,
        ),
    )


def _tc_body(pooled_ref, sumsq_ref, fow_ref, fv_ref,
             W0_ref, b0_ref, g0_ref, be0_ref,
             W1_ref, b1_ref, g1_ref, be1_ref,
             W2_ref, b2_ref, g2_ref, be2_ref,
             Wo_ref, bo_ref, out_ref):
    p = pooled_ref[:]
    second = 0.5 * jnp.sum(p * p - sumsq_ref[:], axis=1)
    first = jnp.sum(fow_ref[:] * fv_ref[:], axis=1)
    x = p
    for W_ref, b_ref, g_ref, be_ref in (
            (W0_ref, b0_ref, g0_ref, be0_ref),
            (W1_ref, b1_ref, g1_ref, be1_ref),
            (W2_ref, b2_ref, g2_ref, be2_ref)):
        x = lax.dot_general(x, W_ref[:], (((1,), (1,)), ((), ())),
                            preferred_element_type=jnp.float32) + b_ref[:]
        x = jnp.maximum(x, 0.0)
        mean = jnp.mean(x, axis=0, keepdims=True)
        var = jnp.mean((x - mean) ** 2, axis=0, keepdims=True)
        x = g_ref[:] * (x - mean) * lax.rsqrt(var + 1e-5) + be_ref[:]
    deep = lax.dot_general(x, Wo_ref[:], (((1,), (1,)), ((), ())),
                           preferred_element_type=jnp.float32)[:, 0]
    logit = first + second + deep + bo_ref[0]
    out_ref[:] = 1.0 / (1.0 + jnp.exp(-logit))


def kernel(feature_ids, feature_values, first_order_table, second_order_table,
           W0, b0, gamma0, beta0, W1, b1, gamma1, beta1, W2, b2, gamma2, beta2,
           W_out, b_out):
    g_mat = jnp.repeat(jnp.eye(F, FP, dtype=jnp.float32), L, axis=1)
    vs = lax.dot_general(feature_values, g_mat, (((1,), (0,)), ((), ())),
                         preferred_element_type=jnp.float32)

    ids1d = feature_ids.reshape(B * F)
    pooled, sumsq = _get_sc_call()(ids1d, vs, second_order_table)
    (fow,) = _get_sc_fo_call()(ids1d, first_order_table.reshape(V))

    return pl.pallas_call(
        _tc_body,
        out_shape=jax.ShapeDtypeStruct((B,), jnp.float32),
    )(pooled, sumsq, fow.reshape(B, F), feature_values,
      W0, b0, gamma0, beta0, W1, b1, gamma1, beta1,
      W2, b2, gamma2, beta2, W_out, b_out)

# --- scband reference (transcript-rebuilt; emitter-appended) ---
"""Pipeline reference for scband-deep-fmlayer-60601988547076 (READ-ONLY COPY).

The authoritative reference and input builder live on the scoring server;
editing this copy changes nothing except your own understanding.
"""

import jax, jax.numpy as jnp
import numpy as np

B, F = 4096, 26
V, D = 100000, 64
HIDDEN = [512, 256, 128]


def _batchnorm(x, gamma, beta, eps=1e-5):
    mean = jnp.mean(x, axis=0, keepdims=True)
    var = jnp.var(x, axis=0, keepdims=True)
    return gamma * (x - mean) / jnp.sqrt(var + eps) + beta


def setup_inputs(seed: int = 0) -> dict:
    key = jax.random.key(seed)
    ks = jax.random.split(key, 32)
    inp = {}
    inp['feature_ids'] = jax.random.randint(ks[0], (B, F), 0, V, dtype=jnp.int32)
    inp['feature_values'] = jax.random.uniform(ks[1], (B, F), dtype=jnp.float32)
    inp['first_order_table'] = jax.random.normal(ks[2], (V, 1), dtype=jnp.float32) * 0.01
    inp['second_order_table'] = jax.random.normal(ks[3], (V, D), dtype=jnp.float32) * 0.01
    dims = [D] + HIDDEN
    for i, h in enumerate(HIDDEN):
        fan_in = dims[i]
        inp[f'W{i}'] = jax.random.normal(ks[4 + 4 * i], (h, fan_in), dtype=jnp.float32) * (1.0 / np.sqrt(fan_in))
        inp[f'b{i}'] = jnp.zeros((h,), dtype=jnp.float32)
        inp[f'gamma{i}'] = jnp.ones((h,), dtype=jnp.float32)
        inp[f'beta{i}'] = jnp.zeros((h,), dtype=jnp.float32)
    inp['W_out'] = jax.random.normal(ks[20], (1, HIDDEN[-1]), dtype=jnp.float32) * (1.0 / np.sqrt(HIDDEN[-1]))
    inp['b_out'] = jnp.zeros((1,), dtype=jnp.float32)
    return inp


def reference(feature_ids, feature_values, first_order_table, second_order_table,
              W0, b0, gamma0, beta0, W1, b1, gamma1, beta1, W2, b2, gamma2, beta2,
              W_out, b_out):
    # first order: Embedding(num_features, 1) gather + squeeze
    fo_w = jnp.take(first_order_table, feature_ids, axis=0)[..., 0]  # (B, F)
    first_order = jnp.sum(fo_w * feature_values, axis=1)  # (B,)
    # second order: Embedding(num_features, D) gather
    emb = jnp.take(second_order_table, feature_ids, axis=0)  # (B, F, D)
    emb = emb * feature_values[..., None]
    pooled = jnp.sum(emb, axis=1)  # (B, D)
    square_sum = pooled ** 2
    sum_square = jnp.sum(emb ** 2, axis=1)
    second_order = 0.5 * jnp.sum(square_sum - sum_square, axis=1)  # (B,)
    # deep tower: Linear -> ReLU -> BatchNorm (batch stats, track_running_stats=False) -> Dropout (identity, eval)
    deep = pooled
    for (W, b, g, be) in [(W0, b0, gamma0, beta0), (W1, b1, gamma1, beta1), (W2, b2, gamma2, beta2)]:
        deep = deep @ W.T + b
        deep = jax.nn.relu(deep)
        deep = _batchnorm(deep, g, be)
    deep = deep @ W_out.T + b_out  # (B, 1)
    deep = deep[:, 0]
    return jax.nn.sigmoid(first_order + second_order + deep)

if __name__ == "__main__":
    import jax
    _d = setup_inputs()
    print(jax.jit(kernel)(*tuple(_d.values())))

</pallas_src>

<mosaic_0001>
#map = affine_map<(d0, d1) -> (0)>
module attributes {stable_mosaic.version = 14 : i64} {
  func.func @_sc_fo_body(%arg0: i32, %arg1: i32, %arg2: memref<106496xi32, #tpu.memory_space<hbm>>, %arg3: memref<100000xf32, #tpu.memory_space<hbm>>, %arg4: memref<106496xf32, #tpu.memory_space<hbm>>, %arg5: memref<3328xi32, #tpu.memory_space<vmem>>, %arg6: memref<3328xf32, #tpu.memory_space<vmem>>, %arg7: memref<!tpu.dma_semaphore, #tpu.memory_space<semaphore_mem>>) attributes {dimension_semantics = [#tpu.dimension_semantics<core_parallel>, #tpu.dimension_semantics<subcore_parallel>], iteration_bounds = array<i64: 2, 16>, scalar_prefetch = 0 : i64, scratch_operands = 3 : i64, tpu.core_type = #tpu.core_type<sc_vector_subcore>, window_params = [{transform_indices = #map}, {transform_indices = #map}, {transform_indices = #map}]} {
    %mul3A = arith.constant 2 : i32
    %mul3A_0 = arith.muli %arg1, %mul3A : i32
    %add3A = arith.addi %mul3A_0, %arg0 : i32
    %mul3A_1 = arith.constant 3328 : i32
    %mul3A_2 = arith.muli %add3A, %mul3A_1 : i32
    "tpu.region"() ({
      %run_scoped3A = tpu.sem_alloc : memref<!tpu.dma_semaphore, #tpu.memory_space<semaphore_mem>>
      %dma_start3A_313 = tpu.memref_slice %arg2[%mul3A_2] : memref<106496xi32, #tpu.memory_space<hbm>> -> memref<3328xi32, #tpu.memory_space<hbm>>
      %dma_start3A_314 = tpu.memref_slice %arg2[%mul3A_2] : memref<106496xi32, #tpu.memory_space<hbm>> -> memref<3328xi32, #tpu.memory_space<hbm>>
      tpu.enqueue_dma source(%dma_start3A_314 : memref<3328xi32, #tpu.memory_space<hbm>>) target(%arg5 : memref<3328xi32, #tpu.memory_space<vmem>>) target_semaphore(%run_scoped3A : memref<!tpu.dma_semaphore, #tpu.memory_space<semaphore_mem>>)
      %dma_wait3A_315 = tpu.memref_slice %arg2[%mul3A_2] : memref<106496xi32, #tpu.memory_space<hbm>> -> memref<3328xi32, #tpu.memory_space<hbm>>
      %dma_wait3A_316 = tpu.memref_slice %arg2[%mul3A_2] : memref<106496xi32, #tpu.memory_space<hbm>> -> memref<3328xi32, #tpu.memory_space<hbm>>
      tpu.wait_dma2 semaphore(%run_scoped3A : memref<!tpu.dma_semaphore, #tpu.memory_space<semaphore_mem>>) src(%dma_wait3A_316 : memref<3328xi32, #tpu.memory_space<hbm>>) dst(%arg5 : memref<3328xi32, #tpu.memory_space<vmem>>)
      tpu.yield
    }) : () -> ()
    %dma_start3A = arith.constant 0 : i32
    %dma_start3A_3 = tpu.memref_slice %arg6[%dma_start3A] : memref<3328xf32, #tpu.memory_space<vmem>> -> memref<128xf32, #tpu.memory_space<vmem>>
    %dma_start3A_4 = arith.constant 0 : i32
    %dma_start3A_5 = tpu.memref_slice %arg5[%dma_start3A_4] : memref<3328xi32, #tpu.memory_space<vmem>> -> memref<128xi32, #tpu.memory_space<vmem>>
    %dma_start3A_6 = arith.constant 0 : i32
    %dma_start3A_7 = tpu.memref_slice %arg3[%dma_start3A_6] : memref<100000xf32, #tpu.memory_space<hbm>> -> memref<100000xf32, #tpu.memory_space<hbm>>
    tpu.enqueue_indirect_dma source(%dma_start3A_7 : memref<100000xf32, #tpu.memory_space<hbm>>) target(%dma_start3A_3 : memref<128xf32, #tpu.memory_space<vmem>>) offsets(%dma_start3A_5 : memref<128xi32, #tpu.memory_space<vmem>>) semaphore(%arg7 : memref<!tpu.dma_semaphore, #tpu.memory_space<semaphore_mem>>)
    %dma_start3A_8 = arith.constant 128 : i32
    %dma_start3A_9 = tpu.memref_slice %arg6[%dma_start3A_8] : memref<3328xf32, #tpu.memory_space<vmem>> -> memref<128xf32, #tpu.memory_space<vmem>>
    %dma_start3A_10 = arith.constant 128 : i32
    %dma_start3A_11 = tpu.memref_slice %arg5[%dma_start3A_10] : memref<3328xi32, #tpu.memory_space<vmem>> -> memref<128xi32, #tpu.memory_space<vmem>>
    %dma_start3A_12 = arith.constant 0 : i32
    %dma_start3A_13 = tpu.memref_slice %arg3[%dma_start3A_12] : memref<100000xf32, #tpu.memory_space<hbm>> -> memref<100000xf32, #tpu.memory_space<hbm>>
    tpu.enqueue_indirect_dma source(%dma_start3A_13 : memref<100000xf32, #tpu.memory_space<hbm>>) target(%dma_start3A_9 : memref<128xf32, #tpu.memory_space<vmem>>) offsets(%dma_start3A_11 : memref<128xi32, #tpu.memory_space<vmem>>) semaphore(%arg7 : memref<!tpu.dma_semaphore, #tpu.memory_space<semaphore_mem>>)
    %dma_start3A_14 = arith.constant 256 : i32
    %dma_start3A_15 = tpu.memref_slice %arg6[%dma_start3A_14] : memref<3328xf32, #tpu.memory_space<vmem>> -> memref<128xf32, #tpu.memory_space<vmem>>
    %dma_start3A_16 = arith.constant 256 : i32
    %dma_start3A_17 = tpu.memref_slice %arg5[%dma_start3A_16] : memref<3328xi32, #tpu.memory_space<vmem>> -> memref<128xi32, #tpu.memory_space<vmem>>
    %dma_start3A_18 = arith.constant 0 : i32
    %dma_start3A_19 = tpu.memref_slice %arg3[%dma_start3A_18] : memref<100000xf32, #tpu.memory_space<hbm>> -> memref<100000xf32, #tpu.memory_space<hbm>>
    tpu.enqueue_indirect_dma source(%dma_start3A_19 : memref<100000xf32, #tpu.memory_space<hbm>>) target(%dma_start3A_15 : memref<128xf32, #tpu.memory_space<vmem>>) offsets(%dma_start3A_17 : memref<128xi32, #tpu.memory_space<vmem>>) semaphore(%arg7 : memref<!tpu.dma_semaphore, #tpu.memory_space<semaphore_mem>>)
    %dma_start3A_20 = arith.constant 384 : i32
    %dma_start3A_21 = tpu.memref_slice %arg6[%dma_start3A_20] : memref<3328xf32, #tpu.memory_space<vmem>> -> memref<128xf32, #tpu.memory_space<vmem>>
    %dma_start3A_22 = arith.constant 384 : i32
    %dma_start3A_23 = tpu.memref_slice %arg5[%dma_start3A_22] : memref<3328xi32, #tpu.memory_space<vmem>> -> memref<128xi32, #tpu.memory_space<vmem>>
    %dma_start3A_24 = arith.constant 0 : i32
    %dma_start3A_25 = tpu.memref_slice %arg3[%dma_start3A_24] : memref<100000xf32, #tpu.memory_space<hbm>> -> memref<100000xf32, #tpu.memory_space<hbm>>
    tpu.enqueue_indirect_dma source(%dma_start3A_25 : memref<100000xf32, #tpu.memory_space<hbm>>) target(%dma_start3A_21 : memref<128xf32, #tpu.memory_space<vmem>>) offsets(%dma_start3A_23 : memref<128xi32, #tpu.memory_space<vmem>>) semaphore(%arg7 : memref<!tpu.dma_semaphore, #tpu.memory_space<semaphore_mem>>)
    %dma_start3A_26 = arith.constant 512 : i32
    %dma_start3A_27 = tpu.memref_slice %arg6[%dma_start3A_26] : memref<3328xf32, #tpu.memory_space<vmem>> -> memref<128xf32, #tpu.memory_space<vmem>>
    %dma_start3A_28 = arith.constant 512 : i32
    %dma_start3A_29 = tpu.memref_slice %arg5[%dma_start3A_28] : memref<3328xi32, #tpu.memory_space<vmem>> -> memref<128xi32, #tpu.memory_space<vmem>>
    %dma_start3A_30 = arith.constant 0 : i32
    %dma_start3A_31 = tpu.memref_slice %arg3[%dma_start3A_30] : memref<100000xf32, #tpu.memory_space<hbm>> -> memref<100000xf32, #tpu.memory_space<hbm>>
    tpu.enqueue_indirect_dma source(%dma_start3A_31 : memref<100000xf32, #tpu.memory_space<hbm>>) target(%dma_start3A_27 : memref<128xf32, #tpu.memory_space<vmem>>) offsets(%dma_start3A_29 : memref<128xi32, #tpu.memory_space<vmem>>) semaphore(%arg7 : memref<!tpu.dma_semaphore, #tpu.memory_space<semaphore_mem>>)
    %dma_start3A_32 = arith.constant 640 : i32
    %dma_start3A_33 = tpu.memref_slice %arg6[%dma_start3A_32] : memref<3328xf32, #tpu.memory_space<vmem>> -> memref<128xf32, #tpu.memory_space<vmem>>
    %dma_start3A_34 = arith.constant 640 : i32
    %dma_start3A_35 = tpu.memref_slice %arg5[%dma_start3A_34] : memref<3328xi32, #tpu.memory_space<vmem>> -> memref<128xi32, #tpu.memory_space<vmem>>
    %dma_start3A_36 = arith.constant 0 : i32
    %dma_start3A_37 = tpu.memref_slice %arg3[%dma_start3A_36] : memref<100000xf32, #tpu.memory_space<hbm>> -> memref<100000xf32, #tpu.memory_space<hbm>>
    tpu.enqueue_indirect_dma source(%dma_start3A_37 : memref<100000xf32, #tpu.memory_space<hbm>>) target(%dma_start3A_33 : memref<128xf32, #tpu.memory_space<vmem>>) offsets(%dma_start3A_35 : memref<128xi32, #tpu.memory_space<vmem>>) semaphore(%arg7 : memref<!tpu.dma_semaphore, #tpu.memory_space<semaphore_mem>>)
    %dma_start3A_38 = arith.constant 768 : i32
    %dma_start3A_39 = tpu.memref_slice %arg6[%dma_start3A_38] : memref<3328xf32, #tpu.memory_space<vmem>> -> memref<128xf32, #tpu.memory_space<vmem>>
    %dma_start3A_40 = arith.constant 768 : i32
    %dma_start3A_41 = tpu.memref_slice %arg5[%dma_start3A_40] : memref<3328xi32, #tpu.memory_space<vmem>> -> memref<128xi32, #tpu.memory_space<vmem>>
    %dma_start3A_42 = arith.constant 0 : i32
    %dma_start3A_43 = tpu.memref_slice %arg3[%dma_start3A_42] : memref<100000xf32, #tpu.memory_space<hbm>> -> memref<100000xf32, #tpu.memory_space<hbm>>
    tpu.enqueue_indirect_dma source(%dma_start3A_43 : memref<100000xf32, #tpu.memory_space<hbm>>) target(%dma_start3A_39 : memref<128xf32, #tpu.memory_space<vmem>>) offsets(%dma_start3A_41 : memref<128xi32, #tpu.memory_space<vmem>>) semaphore(%arg7 : memref<!tpu.dma_semaphore, #tpu.memory_space<semaphore_mem>>)
    %dma_start3A_44 = arith.constant 896 : i32
    %dma_start3A_45 = tpu.memref_slice %arg6[%dma_start3A_44] : memref<3328xf32, #tpu.memory_space<vmem>> -> memref<128xf32, #tpu.memory_space<vmem>>
    %dma_start3A_46 = arith.constant 896 : i32
    %dma_start3A_47 = tpu.memref_slice %arg5[%dma_start3A_46] : memref<3328xi32, #tpu.memory_space<vmem>> -> memref<128xi32, #tpu.memory_space<vmem>>
    %dma_start3A_48 = arith.constant 0 : i32
    %dma_start3A_49 = tpu.memref_slice %arg3[%dma_start3A_48] : memref<100000xf32, #tpu.memory_space<hbm>> -> memref<100000xf32, #tpu.memory_space<hbm>>
    tpu.enqueue_indirect_dma source(%dma_start3A_49 : memref<100000xf32, #tpu.memory_space<hbm>>) target(%dma_start3A_45 : memref<128xf32, #tpu.memory_space<vmem>>) offsets(%dma_start3A_47 : memref<128xi32, #tpu.memory_space<vmem>>) semaphore(%arg7 : memref<!tpu.dma_semaphore, #tpu.memory_space<semaphore_mem>>)
    %dma_start3A_50 = arith.constant 1024 : i32
    %dma_start3A_51 = tpu.memref_slice %arg6[%dma_start3A_50] : memref<3328xf32, #tpu.memory_space<vmem>> -> memref<128xf32, #tpu.memory_space<vmem>>
    %dma_start3A_52 = arith.constant 1024 : i32
    %dma_start3A_53 = tpu.memref_slice %arg5[%dma_start3A_52] : memref<3328xi32, #tpu.memory_space<vmem>> -> memref<128xi32, #tpu.memory_space<vmem>>
    %dma_start3A_54 = arith.constant 0 : i32
    %dma_start3A_55 = tpu.memref_slice %arg3[%dma_start3A_54] : memref<100000xf32, #tpu.memory_space<hbm>> -> memref<100000xf32, #tpu.memory_space<hbm>>
    tpu.enqueue_indirect_dma source(%dma_start3A_55 : memref<100000xf32, #tpu.memory_space<hbm>>) target(%dma_start3A_51 : memref<128xf32, #tpu.memory_space<vmem>>) offsets(%dma_start3A_53 : memref<128xi32, #tpu.memory_space<vmem>>) semaphore(%arg7 : memref<!tpu.dma_semaphore, #tpu.memory_space<semaphore_mem>>)
    %dma_start3A_56 = arith.constant 1152 : i32
    %dma_start3A_57 = tpu.memref_slice %arg6[%dma_start3A_56] : memref<3328xf32, #tpu.memory_space<vmem>> -> memref<128xf32, #tpu.memory_space<vmem>>
    %dma_start3A_58 = arith.constant 1152 : i32
    %dma_start3A_59 = tpu.memref_slice %arg5[%dma_start3A_58] : memref<3328xi32, #tpu.memory_space<vmem>> -> memref<128xi32, #tpu.memory_space<vmem>>
    %dma_start3A_60 = arith.constant 0 : i32
    %dma_start3A_61 = tpu.memref_slice %arg3[%dma_start3A_60] : memref<100000xf32, #tpu.memory_space<hbm>> -> memref<100000xf32, #tpu.memory_space<hbm>>
    tpu.enqueue_indirect_dma source(%dma_start3A_61 : memref<100000xf32, #tpu.memory_space<hbm>>) target(%dma_start3A_57 : memref<128xf32, #tpu.memory_space<vmem>>) offsets(%dma_start3A_59 : memref<128xi32, #tpu.memory_space<vmem>>) semaphore(%arg7 : memref<!tpu.dma_semaphore, #tpu.memory_space<semaphore_mem>>)
    %dma_start3A_62 = arith.constant 1280 : i32
    %dma_start3A_63 = tpu.memref_slice %arg6[%dma_start3A_62] : memref<3328xf32, #tpu.memory_space<vmem>> -> memref<128xf32, #tpu.memory_space<vmem>>
    %dma_start3A_64 = arith.constant 1280 : i32
    %dma_start3A_65 = tpu.memref_slice %arg5[%dma_start3A_64] : memref<3328xi32, #tpu.memory_space<vmem>> -> memref<128xi32, #tpu.memory_space<vmem>>
    %dma_start3A_66 = arith.constant 0 : i32
    %dma_start3A_67 = tpu.memref_slice %arg3[%dma_start3A_66] : memref<100000xf32, #tpu.memory_space<hbm>> -> memref<100000xf32, #tpu.memory_space<hbm>>
    tpu.enqueue_indirect_dma source(%dma_start3A_67 : memref<100000xf32, #tpu.memory_space<hbm>>) target(%dma_start3A_63 : memref<128xf32, #tpu.memory_space<vmem>>) offsets(%dma_start3A_65 : memref<128xi32, #tpu.memory_space<vmem>>) semaphore(%arg7 : memref<!tpu.dma_semaphore, #tpu.memory_space<semaphore_mem>>)
    %dma_start3A_68 = arith.constant 1408 : i32
    %dma_start3A_69 = tpu.memref_slice %arg6[%dma_start3A_68] : memref<3328xf32, #tpu.memory_space<vmem>> -> memref<128xf32, #tpu.memory_space<vmem>>
    %dma_start3A_70 = arith.constant 1408 : i32
    %dma_start3A_71 = tpu.memref_slice %arg5[%dma_start3A_70] : memref<3328xi32, #tpu.memory_space<vmem>> -> memref<128xi32, #tpu.memory_space<vmem>>
    %dma_start3A_72 = arith.constant 0 : i32
    %dma_start3A_73 = tpu.memref_slice %arg3[%dma_start3A_72] : memref<100000xf32, #tpu.memory_space<hbm>> -> memref<100000xf32, #tpu.memory_space<hbm>>
    tpu.enqueue_indirect_dma source(%dma_start3A_73 : memref<100000xf32, #tpu.memory_space<hbm>>) target(%dma_start3A_69 : memref<128xf32, #tpu.memory_space<vmem>>) offsets(%dma_start3A_71 : memref<128xi32, #tpu.memory_space<vmem>>) semaphore(%arg7 : memref<!tpu.dma_semaphore, #tpu.memory_space<semaphore_mem>>)
    %dma_start3A_74 = arith.constant 1536 : i32
    %dma_start3A_75 = tpu.memref_slice %arg6[%dma_start3A_74] : memref<3328xf32, #tpu.memory_space<vmem>> -> memref<128xf32, #tpu.memory_space<vmem>>
    %dma_start3A_76 = arith.constant 1536 : i32
    %dma_start3A_77 = tpu.memref_slice %arg5[%dma_start3A_76] : memref<3328xi32, #tpu.memory_space<vmem>> -> memref<128xi32, #tpu.memory_space<vmem>>
    %dma_start3A_78 = arith.constant 0 : i32
    %dma_start3A_79 = tpu.memref_slice %arg3[%dma_start3A_78] : memref<100000xf32, #tpu.memory_space<hbm>> -> memref<100000xf32, #tpu.memory_space<hbm>>
    tpu.enqueue_indirect_dma source(%dma_start3A_79 : memref<100000xf32, #tpu.memory_space<hbm>>) target(%dma_start3A_75 : memref<128xf32, #tpu.memory_space<vmem>>) offsets(%dma_start3A_77 : memref<128xi32, #tpu.memory_space<vmem>>) semaphore(%arg7 : memref<!tpu.dma_semaphore, #tpu.memory_space<semaphore_mem>>)
    %dma_start3A_80 = arith.constant 1664 : i32
    %dma_start3A_81 = tpu.memref_slice %arg6[%dma_start3A_80] : memref<3328xf32, #tpu.memory_space<vmem>> -> memref<128xf32, #tpu.memory_space<vmem>>
    %dma_start3A_82 = arith.constant 1664 : i32
    %dma_start3A_83 = tpu.memref_slice %arg5[%dma_start3A_82] : memref<3328xi32, #tpu.memory_space<vmem>> -> memref<128xi32, #tpu.memory_space<vmem>>
    %dma_start3A_84 = arith.constant 0 : i32
    %dma_start3A_85 = tpu.memref_slice %arg3[%dma_start3A_84] : memref<100000xf32, #tpu.memory_space<hbm>> -> memref<100000xf32, #tpu.memory_space<hbm>>
    tpu.enqueue_indirect_dma source(%dma_start3A_85 : memref<100000xf32, #tpu.memory_space<hbm>>) target(%dma_start3A_81 : memref<128xf32, #tpu.memory_space<vmem>>) offsets(%dma_start3A_83 : memref<128xi32, #tpu.memory_space<vmem>>) semaphore(%arg7 : memref<!tpu.dma_semaphore, #tpu.memory_space<semaphore_mem>>)
    %dma_start3A_86 = arith.constant 1792 : i32
    %dma_start3A_87 = tpu.memref_slice %arg6[%dma_start3A_86] : memref<3328xf32, #tpu.memory_space<vmem>> -> memref<128xf32, #tpu.memory_space<vmem>>
    %dma_start3A_88 = arith.constant 1792 : i32
    %dma_start3A_89 = tpu.memref_slice %arg5[%dma_start3A_88] : memref<3328xi32, #tpu.memory_space<vmem>> -> memref<128xi32, #tpu.memory_space<vmem>>
    %dma_start3A_90 = arith.constant 0 : i32
    %dma_start3A_91 = tpu.memref_slice %arg3[%dma_start3A_90] : memref<100000xf32, #tpu.memory_space<hbm>> -> memref<100000xf32, #tpu.memory_space<hbm>>
    tpu.enqueue_indirect_dma source(%dma_start3A_91 : memref<100000xf32, #tpu.memory_space<hbm>>) target(%dma_start3A_87 : memref<128xf32, #tpu.memory_space<vmem>>) offsets(%dma_start3A_89 : memref<128xi32, #tpu.memory_space<vmem>>) semaphore(%arg7 : memref<!tpu.dma_semaphore, #tpu.memory_space<semaphore_mem>>)
    %dma_start3A_92 = arith.constant 1920 : i32
    %dma_start3A_93 = tpu.memref_slice %arg6[%dma_start3A_92] : memref<3328xf32, #tpu.memory_space<vmem>> -> memref<128xf32, #tpu.memory_space<vmem>>
    %dma_start3A_94 = arith.constant 1920 : i32
    %dma_start3A_95 = tpu.memref_slice %arg5[%dma_start3A_94] : memref<3328xi32, #tpu.memory_space<vmem>> -> memref<128xi32, #tpu.memory_space<vmem>>
    %dma_start3A_96 = arith.constant 0 : i32
    %dma_start3A_97 = tpu.memref_slice %arg3[%dma_start3A_96] : memref<100000xf32, #tpu.memory_space<hbm>> -> memref<100000xf32, #tpu.memory_space<hbm>>
    tpu.enqueue_indirect_dma source(%dma_start3A_97 : memref<100000xf32, #tpu.memory_space<hbm>>) target(%dma_start3A_93 : memref<128xf32, #tpu.memory_space<vmem>>) offsets(%dma_start3A_95 : memref<128xi32, #tpu.memory_space<vmem>>) semaphore(%arg7 : memref<!tpu.dma_semaphore, #tpu.memory_space<semaphore_mem>>)
    %dma_start3A_98 = arith.constant 2048 : i32
    %dma_start3A_99 = tpu.memref_slice %arg6[%dma_start3A_98] : memref<3328xf32, #tpu.memory_space<vmem>> -> memref<128xf32, #tpu.memory_space<vmem>>
    %dma_start3A_100 = arith.constant 2048 : i32
    %dma_start3A_101 = tpu.memref_slice %arg5[%dma_start3A_100] : memref<3328xi32, #tpu.memory_space<vmem>> -> memref<128xi32, #tpu.memory_space<vmem>>
    %dma_start3A_102 = arith.constant 0 : i32
    %dma_start3A_103 = tpu.memref_slice %arg3[%dma_start3A_102] : memref<100000xf32, #tpu.memory_space<hbm>> -> memref<100000xf32, #tpu.memory_space<hbm>>
    tpu.enqueue_indirect_dma source(%dma_start3A_103 : memref<100000xf32, #tpu.memory_space<hbm>>) target(%dma_start3A_99 : memref<128xf32, #tpu.memory_space<vmem>>) offsets(%dma_start3A_101 : memref<128xi32, #tpu.memory_space<vmem>>) semaphore(%arg7 : memref<!tpu.dma_semaphore, #tpu.memory_space<semaphore_mem>>)
    %dma_start3A_104 = arith.constant 2176 : i32
    %dma_start3A_105 = tpu.memref_slice %arg6[%dma_start3A_104] : memref<3328xf32, #tpu.memory_space<vmem>> -> memref<128xf32, #tpu.memory_space<vmem>>
    %dma_start3A_106 = arith.constant 2176 : i32
    %dma_start3A_107 = tpu.memref_slice %arg5[%dma_start3A_106] : memref<3328xi32, #tpu.memory_space<vmem>> -> memref<128xi32, #tpu.memory_space<vmem>>
    %dma_start3A_108 = arith.constant 0 : i32
    %dma_start3A_109 = tpu.memref_slice %arg3[%dma_start3A_108] : memref<100000xf32, #tpu.memory_space<hbm>> -> memref<100000xf32, #tpu.memory_space<hbm>>
    tpu.enqueue_indirect_dma source(%dma_start3A_109 : memref<100000xf32, #tpu.memory_space<hbm>>) target(%dma_start3A_105 : memref<128xf32, #tpu.memory_space<vmem>>) offsets(%dma_start3A_107 : memref<128xi32, #tpu.memory_space<vmem>>) semaphore(%arg7 : memref<!tpu.dma_semaphore, #tpu.memory_space<semaphore_mem>>)
    %dma_start3A_110 = arith.constant 2304 : i32
    %dma_start3A_111 = tpu.memref_slice %arg6[%dma_start3A_110] : memref<3328xf32, #tpu.memory_space<vmem>> -> memref<128xf32, #tpu.memory_space<vmem>>
    %dma_start3A_112 = arith.constant 2304 : i32
    %dma_start3A_113 = tpu.memref_slice %arg5[%dma_start3A_112] : memref<3328xi32, #tpu.memory_space<vmem>> -> memref<128xi32, #tpu.memory_space<vmem>>
    %dma_start3A_114 = arith.constant 0 : i32
    %dma_start3A_115 = tpu.memref_slice %arg3[%dma_start3A_114] : memref<100000xf32, #tpu.memory_space<hbm>> -> memref<100000xf32, #tpu.memory_space<hbm>>
    tpu.enqueue_indirect_dma source(%dma_start3A_115 : memref<100000xf32, #tpu.memory_space<hbm>>) target(%dma_start3A_111 : memref<128xf32, #tpu.memory_space<vmem>>) offsets(%dma_start3A_113 : memref<128xi32, #tpu.memory_space<vmem>>) semaphore(%arg7 : memref<!tpu.dma_semaphore, #tpu.memory_space<semaphore_mem>>)
    %dma_start3A_116 = arith.constant 2432 : i32
    %dma_start3A_117 = tpu.memref_slice %arg6[%dma_start3A_116] : memref<3328xf32, #tpu.memory_space<vmem>> -> memref<128xf32, #tpu.memory_space<vmem>>
    %dma_start3A_118 = arith.constant 2432 : i32
    %dma_start3A_119 = tpu.memref_slice %arg5[%dma_start3A_118] : memref<3328xi32, #tpu.memory_space<vmem>> -> memref<128xi32, #tpu.memory_space<vmem>>
    %dma_start3A_120 = arith.constant 0 : i32
    %dma_start3A_121 = tpu.memref_slice %arg3[%dma_start3A_120] : memref<100000xf32, #tpu.memory_space<hbm>> -> memref<100000xf32, #tpu.memory_space<hbm>>
    tpu.enqueue_indirect_dma source(%dma_start3A_121 : memref<100000xf32, #tpu.memory_space<hbm>>) target(%dma_start3A_117 : memref<128xf32, #tpu.memory_space<vmem>>) offsets(%dma_start3A_119 : memref<128xi32, #tpu.memory_space<vmem>>) semaphore(%arg7 : memref<!tpu.dma_semaphore, #tpu.memory_space<semaphore_mem>>)
    %dma_start3A_122 = arith.constant 2560 : i32
    %dma_start3A_123 = tpu.memref_slice %arg6[%dma_start3A_122] : memref<3328xf32, #tpu.memory_space<vmem>> -> memref<128xf32, #tpu.memory_space<vmem>>
    %dma_start3A_124 = arith.constant 2560 : i32
    %dma_start3A_125 = tpu.memref_slice %arg5[%dma_start3A_124] : memref<3328xi32, #tpu.memory_space<vmem>> -> memref<128xi32, #tpu.memory_space<vmem>>
    %dma_start3A_126 = arith.constant 0 : i32
    %dma_start3A_127 = tpu.memref_slice %arg3[%dma_start3A_126] : memref<100000xf32, #tpu.memory_space<hbm>> -> memref<100000xf32, #tpu.memory_space<hbm>>
    tpu.enqueue_indirect_dma source(%dma_start3A_127 : memref<100000xf32, #tpu.memory_space<hbm>>) target(%dma_start3A_123 : memref<128xf32, #tpu.memory_space<vmem>>) offsets(%dma_start3A_125 : memref<128xi32, #tpu.memory_space<vmem>>) semaphore(%arg7 : memref<!tpu.dma_semaphore, #tpu.memory_space<semaphore_mem>>)
    %dma_start3A_128 = arith.constant 2688 : i32
    %dma_start3A_129 = tpu.memref_slice %arg6[%dma_start3A_128] : memref<3328xf32, #tpu.memory_space<vmem>> -> memref<128xf32, #tpu.memory_space<vmem>>
    %dma_start3A_130 = arith.constant 2688 : i32
    %dma_start3A_131 = tpu.memref_slice %arg5[%dma_start3A_130] : memref<3328xi32, #tpu.memory_space<vmem>> -> memref<128xi32, #tpu.memory_space<vmem>>
    %dma_start3A_132 = arith.constant 0 : i32
    %dma_start3A_133 = tpu.memref_slice %arg3[%dma_start3A_132] : memref<100000xf32, #tpu.memory_space<hbm>> -> memref<100000xf32, #tpu.memory_space<hbm>>
    tpu.enqueue_indirect_dma source(%dma_start3A_133 : memref<100000xf32, #tpu.memory_space<hbm>>) target(%dma_start3A_129 : memref<128xf32, #tpu.memory_space<vmem>>) offsets(%dma_start3A_131 : memref<128xi32, #tpu.memory_space<vmem>>) semaphore(%arg7 : memref<!tpu.dma_semaphore, #tpu.memory_space<semaphore_mem>>)
    %dma_start3A_134 = arith.constant 2816 : i32
    %dma_start3A_135 = tpu.memref_slice %arg6[%dma_start3A_134] : memref<3328xf32, #tpu.memory_space<vmem>> -> memref<128xf32, #tpu.memory_space<vmem>>
    %dma_start3A_136 = arith.constant 2816 : i32
    %dma_start3A_137 = tpu.memref_slice %arg5[%dma_start3A_136] : memref<3328xi32, #tpu.memory_space<vmem>> -> memref<128xi32, #tpu.memory_space<vmem>>
    %dma_start3A_138 = arith.constant 0 : i32
    %dma_start3A_139 = tpu.memref_slice %arg3[%dma_start3A_138] : memref<100000xf32, #tpu.memory_space<hbm>> -> memref<100000xf32, #tpu.memory_space<hbm>>
    tpu.enqueue_indirect_dma source(%dma_start3A_139 : memref<100000xf32, #tpu.memory_space<hbm>>) target(%dma_start3A_135 : memref<128xf32, #tpu.memory_space<vmem>>) offsets(%dma_start3A_137 : memref<128xi32, #tpu.memory_space<vmem>>) semaphore(%arg7 : memref<!tpu.dma_semaphore, #tpu.memory_space<semaphore_mem>>)
    %dma_start3A_140 = arith.constant 2944 : i32
    %dma_start3A_141 = tpu.memref_slice %arg6[%dma_start3A_140] : memref<3328xf32, #tpu.memory_space<vmem>> -> memref<128xf32, #tpu.memory_space<vmem>>
    %dma_start3A_142 = arith.constant 2944 : i32
    %dma_start3A_143 = tpu.memref_slice %arg5[%dma_start3A_142] : memref<3328xi32, #tpu.memory_space<vmem>> -> memref<128xi32, #tpu.memory_space<vmem>>
    %dma_start3A_144 = arith.constant 0 : i32
    %dma_start3A_145 = tpu.memref_slice %arg3[%dma_start3A_144] : memref<100000xf32, #tpu.memory_space<hbm>> -> memref<100000xf32, #tpu.memory_space<hbm>>
    tpu.enqueue_indirect_dma source(%dma_start3A_145 : memref<100000xf32, #tpu.memory_space<hbm>>) target(%dma_start3A_141 : memref<128xf32, #tpu.memory_space<vmem>>) offsets(%dma_start3A_143 : memref<128xi32, #tpu.memory_space<vmem>>) semaphore(%arg7 : memref<!tpu.dma_semaphore, #tpu.memory_space<semaphore_mem>>)
    %dma_start3A_146 = arith.constant 3072 : i32
    %dma_start3A_147 = tpu.memref_slice %arg6[%dma_start3A_146] : memref<3328xf32, #tpu.memory_space<vmem>> -> memref<128xf32, #tpu.memory_space<vmem>>
    %dma_start3A_148 = arith.constant 3072 : i32
    %dma_start3A_149 = tpu.memref_slice %arg5[%dma_start3A_148] : memref<3328xi32, #tpu.memory_space<vmem>> -> memref<128xi32, #tpu.memory_space<vmem>>
    %dma_start3A_150 = arith.constant 0 : i32
    %dma_start3A_151 = tpu.memref_slice %arg3[%dma_start3A_150] : memref<100000xf32, #tpu.memory_space<hbm>> -> memref<100000xf32, #tpu.memory_space<hbm>>
    tpu.enqueue_indirect_dma source(%dma_start3A_151 : memref<100000xf32, #tpu.memory_space<hbm>>) target(%dma_start3A_147 : memref<128xf32, #tpu.memory_space<vmem>>) offsets(%dma_start3A_149 : memref<128xi32, #tpu.memory_space<vmem>>) semaphore(%arg7 : memref<!tpu.dma_semaphore, #tpu.memory_space<semaphore_mem>>)
    %dma_start3A_152 = arith.constant 3200 : i32
    %dma_start3A_153 = tpu.memref_slice %arg6[%dma_start3A_152] : memref<3328xf32, #tpu.memory_space<vmem>> -> memref<128xf32, #tpu.memory_space<vmem>>
    %dma_start3A_154 = arith.constant 3200 : i32
    %dma_start3A_155 = tpu.memref_slice %arg5[%dma_start3A_154] : memref<3328xi32, #tpu.memory_space<vmem>> -> memref<128xi32, #tpu.memory_space<vmem>>
    %dma_start3A_156 = arith.constant 0 : i32
    %dma_start3A_157 = tpu.memref_slice %arg3[%dma_start3A_156] : memref<100000xf32, #tpu.memory_space<hbm>> -> memref<100000xf32, #tpu.memory_space<hbm>>
    tpu.enqueue_indirect_dma source(%dma_start3A_157 : memref<100000xf32, #tpu.memory_space<hbm>>) target(%dma_start3A_153 : memref<128xf32, #tpu.memory_space<vmem>>) offsets(%dma_start3A_155 : memref<128xi32, #tpu.memory_space<vmem>>) semaphore(%arg7 : memref<!tpu.dma_semaphore, #tpu.memory_space<semaphore_mem>>)
    %dma_wait3A = arith.constant 0 : i32
    %dma_wait3A_158 = tpu.memref_slice %arg6[%dma_wait3A] : memref<3328xf32, #tpu.memory_space<vmem>> -> memref<128xf32, #tpu.memory_space<vmem>>
    %dma_wait3A_159 = arith.constant 0 : i32
    %dma_wait3A_160 = tpu.memref_slice %arg5[%dma_wait3A_159] : memref<3328xi32, #tpu.memory_space<vmem>> -> memref<128xi32, #tpu.memory_space<vmem>>
    %dma_wait3A_161 = arith.constant 0 : i32
    %dma_wait3A_162 = tpu.memref_slice %arg3[%dma_wait3A_161] : memref<100000xf32, #tpu.memory_space<hbm>> -> memref<100000xf32, #tpu.memory_space<hbm>>
    tpu.wait_indirect_dma semaphore(%arg7 : memref<!tpu.dma_semaphore, #tpu.memory_space<semaphore_mem>>) src(%dma_wait3A_162 : memref<100000xf32, #tpu.memory_space<hbm>>) dst(%dma_wait3A_158 : memref<128xf32, #tpu.memory_space<vmem>>)
    %dma_wait3A_163 = arith.constant 128 : i32
    %dma_wait3A_164 = tpu.memref_slice %arg6[%dma_wait3A_163] : memref<3328xf32, #tpu.memory_space<vmem>> -> memref<128xf32, #tpu.memory_space<vmem>>
    %dma_wait3A_165 = arith.constant 128 : i32
    %dma_wait3A_166 = tpu.memref_slice %arg5[%dma_wait3A_165] : memref<3328xi32, #tpu.memory_space<vmem>> -> memref<128xi32, #tpu.memory_space<vmem>>
    %dma_wait3A_167 = arith.constant 0 : i32
    %dma_wait3A_168 = tpu.memref_slice %arg3[%dma_wait3A_167] : memref<100000xf32, #tpu.memory_space<hbm>> -> memref<100000xf32, #tpu.memory_space<hbm>>
    tpu.wait_indirect_dma semaphore(%arg7 : memref<!tpu.dma_semaphore, #tpu.memory_space<semaphore_mem>>) src(%dma_wait3A_168 : memref<100000xf32, #tpu.memory_space<hbm>>) dst(%dma_wait3A_164 : memref<128xf32, #tpu.memory_space<vmem>>)
    %dma_wait3A_169 = arith.constant 256 : i32
    %dma_wait3A_170 = tpu.memref_slice %arg6[%dma_wait3A_169] : memref<3328xf32, #tpu.memory_space<vmem>> -> memref<128xf32, #tpu.memory_space<vmem>>
    %dma_wait3A_171 = arith.constant 256 : i32
    %dma_wait3A_172 = tpu.memref_slice %arg5[%dma_wait3A_171] : memref<3328xi32, #tpu.memory_space<vmem>> -> memref<128xi32, #tpu.memory_space<vmem>>
    %dma_wait3A_173 = arith.constant 0 : i32
    %dma_wait3A_174 = tpu.memref_slice %arg3[%dma_wait3A_173] : memref<100000xf32, #tpu.memory_space<hbm>> -> memref<100000xf32, #tpu.memory_space<hbm>>
    tpu.wait_indirect_dma semaphore(%arg7 : memref<!tpu.dma_semaphore, #tpu.memory_space<semaphore_mem>>) src(%dma_wait3A_174 : memref<100000xf32, #tpu.memory_space<hbm>>) dst(%dma_wait3A_170 : memref<128xf32, #tpu.memory_space<vmem>>)
    %dma_wait3A_175 = arith.constant 384 : i32
    %dma_wait3A_176 = tpu.memref_slice %arg6[%dma_wait3A_175] : memref<3328xf32, #tpu.memory_space<vmem>> -> memref<128xf32, #tpu.memory_space<vmem>>
    %dma_wait3A_177 = arith.constant 384 : i32
    %dma_wait3A_178 = tpu.memref_slice %arg5[%dma_wait3A_177] : memref<3328xi32, #tpu.memory_space<vmem>> -> memref<128xi32, #tpu.memory_space<vmem>>
    %dma_wait3A_179 = arith.constant 0 : i32
    %dma_wait3A_180 = tpu.memref_slice %arg3[%dma_wait3A_179] : memref<100000xf32, #tpu.memory_space<hbm>> -> memref<100000xf32, #tpu.memory_space<hbm>>
    tpu.wait_indirect_dma semaphore(%arg7 : memref<!tpu.dma_semaphore, #tpu.memory_space<semaphore_mem>>) src(%dma_wait3A_180 : memref<100000xf32, #tpu.memory_space<hbm>>) dst(%dma_wait3A_176 : memref<128xf32, #tpu.memory_space<vmem>>)
    %dma_wait3A_181 = arith.constant 512 : i32
    %dma_wait3A_182 = tpu.memref_slice %arg6[%dma_wait3A_181] : memref<3328xf32, #tpu.memory_space<vmem>> -> memref<128xf32, #tpu.memory_space<vmem>>
    %dma_wait3A_183 = arith.constant 512 : i32
    %dma_wait3A_184 = tpu.memref_slice %arg5[%dma_wait3A_183] : memref<3328xi32, #tpu.memory_space<vmem>> -> memref<128xi32, #tpu.memory_space<vmem>>
    %dma_wait3A_185 = arith.constant 0 : i32
    %dma_wait3A_186 = tpu.memref_slice %arg3[%dma_wait3A_185] : memref<100000xf32, #tpu.memory_space<hbm>> -> memref<100000xf32, #tpu.memory_space<hbm>>
    tpu.wait_indirect_dma semaphore(%arg7 : memref<!tpu.dma_semaphore, #tpu.memory_space<semaphore_mem>>) src(%dma_wait3A_186 : memref<100000xf32, #tpu.memory_space<hbm>>) dst(%dma_wait3A_182 : memref<128xf32, #tpu.memory_space<vmem>>)
    %dma_wait3A_187 = arith.constant 640 : i32
    %dma_wait3A_188 = tpu.memref_slice %arg6[%dma_wait3A_187] : memref<3328xf32, #tpu.memory_space<vmem>> -> memref<128xf32, #tpu.memory_space<vmem>>
    %dma_wait3A_189 = arith.constant 640 : i32
    %dma_wait3A_190 = tpu.memref_slice %arg5[%dma_wait3A_189] : memref<3328xi32, #tpu.memory_space<vmem>> -> memref<128xi32, #tpu.memory_space<vmem>>
    %dma_wait3A_191 = arith.constant 0 : i32
    %dma_wait3A_192 = tpu.memref_slice %arg3[%dma_wait3A_191] : memref<100000xf32, #tpu.memory_space<hbm>> -> memref<100000xf32, #tpu.memory_space<hbm>>
    tpu.wait_indirect_dma semaphore(%arg7 : memref<!tpu.dma_semaphore, #tpu.memory_space<semaphore_mem>>) src(%dma_wait3A_192 : memref<100000xf32, #tpu.memory_space<hbm>>) dst(%dma_wait3A_188 : memref<128xf32, #tpu.memory_space<vmem>>)
    %dma_wait3A_193 = arith.constant 768 : i32
    %dma_wait3A_194 = tpu.memref_slice %arg6[%dma_wait3A_193] : memref<3328xf32, #tpu.memory_space<vmem>> -> memref<128xf32, #tpu.memory_space<vmem>>
    %dma_wait3A_195 = arith.constant 768 : i32
    %dma_wait3A_196 = tpu.memref_slice %arg5[%dma_wait3A_195] : memref<3328xi32, #tpu.memory_space<vmem>> -> memref<128xi32, #tpu.memory_space<vmem>>
    %dma_wait3A_197 = arith.constant 0 : i32
    %dma_wait3A_198 = tpu.memref_slice %arg3[%dma_wait3A_197] : memref<100000xf32, #tpu.memory_space<hbm>> -> memref<100000xf32, #tpu.memory_space<hbm>>
    tpu.wait_indirect_dma semaphore(%arg7 : memref<!tpu.dma_semaphore, #tpu.memory_space<semaphore_mem>>) src(%dma_wait3A_198 : memref<100000xf32, #tpu.memory_space<hbm>>) dst(%dma_wait3A_194 : memref<128xf32, #tpu.memory_space<vmem>>)
    %dma_wait3A_199 = arith.constant 896 : i32
    %dma_wait3A_200 = tpu.memref_slice %arg6[%dma_wait3A_199] : memref<3328xf32, #tpu.memory_space<vmem>> -> memref<128xf32, #tpu.memory_space<vmem>>
    %dma_wait3A_201 = arith.constant 896 : i32
    %dma_wait3A_202 = tpu.memref_slice %arg5[%dma_wait3A_201] : memref<3328xi32, #tpu.memory_space<vmem>> -> memref<128xi32, #tpu.memory_space<vmem>>
    %dma_wait3A_203 = arith.constant 0 : i32
    %dma_wait3A_204 = tpu.memref_slice %arg3[%dma_wait3A_203] : memref<100000xf32, #tpu.memory_space<hbm>> -> memref<100000xf32, #tpu.memory_space<hbm>>
    tpu.wait_indirect_dma semaphore(%arg7 : memref<!tpu.dma_semaphore, #tpu.memory_space<semaphore_mem>>) src(%dma_wait3A_204 : memref<100000xf32, #tpu.memory_space<hbm>>) dst(%dma_wait3A_200 : memref<128xf32, #tpu.memory_space<vmem>>)
    %dma_wait3A_205 = arith.constant 1024 : i32
    %dma_wait3A_206 = tpu.memref_slice %arg6[%dma_wait3A_205] : memref<3328xf32, #tpu.memory_space<vmem>> -> memref<128xf32, #tpu.memory_space<vmem>>
    %dma_wait3A_207 = arith.constant 1024 : i32
    %dma_wait3A_208 = tpu.memref_slice %arg5[%dma_wait3A_207] : memref<3328xi32, #tpu.memory_space<vmem>> -> memref<128xi32, #tpu.memory_space<vmem>>
    %dma_wait3A_209 = arith.constant 0 : i32
    %dma_wait3A_210 = tpu.memref_slice %arg3[%dma_wait3A_209] : memref<100000xf32, #tpu.memory_space<hbm>> -> memref<100000xf32, #tpu.memory_space<hbm>>
    tpu.wait_indirect_dma semaphore(%arg7 : memref<!tpu.dma_semaphore, #tpu.memory_space<semaphore_mem>>) src(%dma_wait3A_210 : memref<100000xf32, #tpu.memory_space<hbm>>) dst(%dma_wait3A_206 : memref<128xf32, #tpu.memory_space<vmem>>)
    %dma_wait3A_211 = arith.constant 1152 : i32
    %dma_wait3A_212 = tpu.memref_slice %arg6[%dma_wait3A_211] : memref<3328xf32, #tpu.memory_space<vmem>> -> memref<128xf32, #tpu.memory_space<vmem>>
    %dma_wait3A_213 = arith.constant 1152 : i32
    %dma_wait3A_214 = tpu.memref_slice %arg5[%dma_wait3A_213] : memref<3328xi32, #tpu.memory_space<vmem>> -> memref<128xi32, #tpu.memory_space<vmem>>
    %dma_wait3A_215 = arith.constant 0 : i32
    %dma_wait3A_216 = tpu.memref_slice %arg3[%dma_wait3A_215] : memref<100000xf32, #tpu.memory_space<hbm>> -> memref<100000xf32, #tpu.memory_space<hbm>>
    tpu.wait_indirect_dma semaphore(%arg7 : memref<!tpu.dma_semaphore, #tpu.memory_space<semaphore_mem>>) src(%dma_wait3A_216 : memref<100000xf32, #tpu.memory_space<hbm>>) dst(%dma_wait3A_212 : memref<128xf32, #tpu.memory_space<vmem>>)
    %dma_wait3A_217 = arith.constant 1280 : i32
    %dma_wait3A_218 = tpu.memref_slice %arg6[%dma_wait3A_217] : memref<3328xf32, #tpu.memory_space<vmem>> -> memref<128xf32, #tpu.memory_space<vmem>>
    %dma_wait3A_219 = arith.constant 1280 : i32
    %dma_wait3A_220 = tpu.memref_slice %arg5[%dma_wait3A_219] : memref<3328xi32, #tpu.memory_space<vmem>> -> memref<128xi32, #tpu.memory_space<vmem>>
    %dma_wait3A_221 = arith.constant 0 : i32
    %dma_wait3A_222 = tpu.memref_slice %arg3[%dma_wait3A_221] : memref<100000xf32, #tpu.memory_space<hbm>> -> memref<100000xf32, #tpu.memory_space<hbm>>
    tpu.wait_indirect_dma semaphore(%arg7 : memref<!tpu.dma_semaphore, #tpu.memory_space<semaphore_mem>>) src(%dma_wait3A_222 : memref<100000xf32, #tpu.memory_space<hbm>>) dst(%dma_wait3A_218 : memref<128xf32, #tpu.memory_space<vmem>>)
    %dma_wait3A_223 = arith.constant 1408 : i32
    %dma_wait3A_224 = tpu.memref_slice %arg6[%dma_wait3A_223] : memref<3328xf32, #tpu.memory_space<vmem>> -> memref<128xf32, #tpu.memory_space<vmem>>
    %dma_wait3A_225 = arith.constant 1408 : i32
    %dma_wait3A_226 = tpu.memref_slice %arg5[%dma_wait3A_225] : memref<3328xi32, #tpu.memory_space<vmem>> -> memref<128xi32, #tpu.memory_space<vmem>>
    %dma_wait3A_227 = arith.constant 0 : i32
    %dma_wait3A_228 = tpu.memref_slice %arg3[%dma_wait3A_227] : memref<100000xf32, #tpu.memory_space<hbm>> -> memref<100000xf32, #tpu.memory_space<hbm>>
    tpu.wait_indirect_dma semaphore(%arg7 : memref<!tpu.dma_semaphore, #tpu.memory_space<semaphore_mem>>) src(%dma_wait3A_228 : memref<100000xf32, #tpu.memory_space<hbm>>) dst(%dma_wait3A_224 : memref<128xf32, #tpu.memory_space<vmem>>)
    %dma_wait3A_229 = arith.constant 1536 : i32
    %dma_wait3A_230 = tpu.memref_slice %arg6[%dma_wait3A_229] : memref<3328xf32, #tpu.memory_space<vmem>> -> memref<128xf32, #tpu.memory_space<vmem>>
    %dma_wait3A_231 = arith.constant 1536 : i32
    %dma_wait3A_232 = tpu.memref_slice %arg5[%dma_wait3A_231] : memref<3328xi32, #tpu.memory_space<vmem>> -> memref<128xi32, #tpu.memory_space<vmem>>
    %dma_wait3A_233 = arith.constant 0 : i32
    %dma_wait3A_234 = tpu.memref_slice %arg3[%dma_wait3A_233] : memref<100000xf32, #tpu.memory_space<hbm>> -> memref<100000xf32, #tpu.memory_space<hbm>>
    tpu.wait_indirect_dma semaphore(%arg7 : memref<!tpu.dma_semaphore, #tpu.memory_space<semaphore_mem>>) src(%dma_wait3A_234 : memref<100000xf32, #tpu.memory_space<hbm>>) dst(%dma_wait3A_230 : memref<128xf32, #tpu.memory_space<vmem>>)
    %dma_wait3A_235 = arith.constant 1664 : i32
    %dma_wait3A_236 = tpu.memref_slice %arg6[%dma_wait3A_235] : memref<3328xf32, #tpu.memory_space<vmem>> -> memref<128xf32, #tpu.memory_space<vmem>>
    %dma_wait3A_237 = arith.constant 1664 : i32
    %dma_wait3A_238 = tpu.memref_slice %arg5[%dma_wait3A_237] : memref<3328xi32, #tpu.memory_space<vmem>> -> memref<128xi32, #tpu.memory_space<vmem>>
    %dma_wait3A_239 = arith.constant 0 : i32
    %dma_wait3A_240 = tpu.memref_slice %arg3[%dma_wait3A_239] : memref<100000xf32, #tpu.memory_space<hbm>> -> memref<100000xf32, #tpu.memory_space<hbm>>
    tpu.wait_indirect_dma semaphore(%arg7 : memref<!tpu.dma_semaphore, #tpu.memory_space<semaphore_mem>>) src(%dma_wait3A_240 : memref<100000xf32, #tpu.memory_space<hbm>>) dst(%dma_wait3A_236 : memref<128xf32, #tpu.memory_space<vmem>>)
    %dma_wait3A_241 = arith.constant 1792 : i32
    %dma_wait3A_242 = tpu.memref_slice %arg6[%dma_wait3A_241] : memref<3328xf32, #tpu.memory_space<vmem>> -> memref<128xf32, #tpu.memory_space<vmem>>
    %dma_wait3A_243 = arith.constant 1792 : i32
    %dma_wait3A_244 = tpu.memref_slice %arg5[%dma_wait3A_243] : memref<3328xi32, #tpu.memory_space<vmem>> -> memref<128xi32, #tpu.memory_space<vmem>>
    %dma_wait3A_245 = arith.constant 0 : i32
    %dma_wait3A_246 = tpu.memref_slice %arg3[%dma_wait3A_245] : memref<100000xf32, #tpu.memory_space<hbm>> -> memref<100000xf32, #tpu.memory_space<hbm>>
    tpu.wait_indirect_dma semaphore(%arg7 : memref<!tpu.dma_semaphore, #tpu.memory_space<semaphore_mem>>) src(%dma_wait3A_246 : memref<100000xf32, #tpu.memory_space<hbm>>) dst(%dma_wait3A_242 : memref<128xf32, #tpu.memory_space<vmem>>)
    %dma_wait3A_247 = arith.constant 1920 : i32
    %dma_wait3A_248 = tpu.memref_slice %arg6[%dma_wait3A_247] : memref<3328xf32, #tpu.memory_space<vmem>> -> memref<128xf32, #tpu.memory_space<vmem>>
    %dma_wait3A_249 = arith.constant 1920 : i32
    %dma_wait3A_250 = tpu.memref_slice %arg5[%dma_wait3A_249] : memref<3328xi32, #tpu.memory_space<vmem>> -> memref<128xi32, #tpu.memory_space<vmem>>
    %dma_wait3A_251 = arith.constant 0 : i32
    %dma_wait3A_252 = tpu.memref_slice %arg3[%dma_wait3A_251] : memref<100000xf32, #tpu.memory_space<hbm>> -> memref<100000xf32, #tpu.memory_space<hbm>>
    tpu.wait_indirect_dma semaphore(%arg7 : memref<!tpu.dma_semaphore, #tpu.memory_space<semaphore_mem>>) src(%dma_wait3A_252 : memref<100000xf32, #tpu.memory_space<hbm>>) dst(%dma_wait3A_248 : memref<128xf32, #tpu.memory_space<vmem>>)
    %dma_wait3A_253 = arith.constant 2048 : i32
    %dma_wait3A_254 = tpu.memref_slice %arg6[%dma_wait3A_253] : memref<3328xf32, #tpu.memory_space<vmem>> -> memref<128xf32, #tpu.memory_space<vmem>>
    %dma_wait3A_255 = arith.constant 2048 : i32
    %dma_wait3A_256 = tpu.memref_slice %arg5[%dma_wait3A_255] : memref<3328xi32, #tpu.memory_space<vmem>> -> memref<128xi32, #tpu.memory_space<vmem>>
    %dma_wait3A_257 = arith.constant 0 : i32
    %dma_wait3A_258 = tpu.memref_slice %arg3[%dma_wait3A_257] : memref<100000xf32, #tpu.memory_space<hbm>> -> memref<100000xf32, #tpu.memory_space<hbm>>
    tpu.wait_indirect_dma semaphore(%arg7 : memref<!tpu.dma_semaphore, #tpu.memory_space<semaphore_mem>>) src(%dma_wait3A_258 : memref<100000xf32, #tpu.memory_space<hbm>>) dst(%dma_wait3A_254 : memref<128xf32, #tpu.memory_space<vmem>>)
    %dma_wait3A_259 = arith.constant 2176 : i32
    %dma_wait3A_260 = tpu.memref_slice %arg6[%dma_wait3A_259] : memref<3328xf32, #tpu.memory_space<vmem>> -> memref<128xf32, #tpu.memory_space<vmem>>
    %dma_wait3A_261 = arith.constant 2176 : i32
    %dma_wait3A_262 = tpu.memref_slice %arg5[%dma_wait3A_261] : memref<3328xi32, #tpu.memory_space<vmem>> -> memref<128xi32, #tpu.memory_space<vmem>>
    %dma_wait3A_263 = arith.constant 0 : i32
    %dma_wait3A_264 = tpu.memref_slice %arg3[%dma_wait3A_263] : memref<100000xf32, #tpu.memory_space<hbm>> -> memref<100000xf32, #tpu.memory_space<hbm>>
    tpu.wait_indirect_dma semaphore(%arg7 : memref<!tpu.dma_semaphore, #tpu.memory_space<semaphore_mem>>) src(%dma_wait3A_264 : memref<100000xf32, #tpu.memory_space<hbm>>) dst(%dma_wait3A_260 : memref<128xf32, #tpu.memory_space<vmem>>)
    %dma_wait3A_265 = arith.constant 2304 : i32
    %dma_wait3A_266 = tpu.memref_slice %arg6[%dma_wait3A_265] : memref<3328xf32, #tpu.memory_space<vmem>> -> memref<128xf32, #tpu.memory_space<vmem>>
    %dma_wait3A_267 = arith.constant 2304 : i32
    %dma_wait3A_268 = tpu.memref_slice %arg5[%dma_wait3A_267] : memref<3328xi32, #tpu.memory_space<vmem>> -> memref<128xi32, #tpu.memory_space<vmem>>
    %dma_wait3A_269 = arith.constant 0 : i32
    %dma_wait3A_270 = tpu.memref_slice %arg3[%dma_wait3A_269] : memref<100000xf32, #tpu.memory_space<hbm>> -> memref<100000xf32, #tpu.memory_space<hbm>>
    tpu.wait_indirect_dma semaphore(%arg7 : memref<!tpu.dma_semaphore, #tpu.memory_space<semaphore_mem>>) src(%dma_wait3A_270 : memref<100000xf32, #tpu.memory_space<hbm>>) dst(%dma_wait3A_266 : memref<128xf32, #tpu.memory_space<vmem>>)
    %dma_wait3A_271 = arith.constant 2432 : i32
    %dma_wait3A_272 = tpu.memref_slice %arg6[%dma_wait3A_271] : memref<3328xf32, #tpu.memory_space<vmem>> -> memref<128xf32, #tpu.memory_space<vmem>>
    %dma_wait3A_273 = arith.constant 2432 : i32
    %dma_wait3A_274 = tpu.memref_slice %arg5[%dma_wait3A_273] : memref<3328xi32, #tpu.memory_space<vmem>> -> memref<128xi32, #tpu.memory_space<vmem>>
    %dma_wait3A_275 = arith.constant 0 : i32
    %dma_wait3A_276 = tpu.memref_slice %arg3[%dma_wait3A_275] : memref<100000xf32, #tpu.memory_space<hbm>> -> memref<100000xf32, #tpu.memory_space<hbm>>
    tpu.wait_indirect_dma semaphore(%arg7 : memref<!tpu.dma_semaphore, #tpu.memory_space<semaphore_mem>>) src(%dma_wait3A_276 : memref<100000xf32, #tpu.memory_space<hbm>>) dst(%dma_wait3A_272 : memref<128xf32, #tpu.memory_space<vmem>>)
    %dma_wait3A_277 = arith.constant 2560 : i32
    %dma_wait3A_278 = tpu.memref_slice %arg6[%dma_wait3A_277] : memref<3328xf32, #tpu.memory_space<vmem>> -> memref<128xf32, #tpu.memory_space<vmem>>
    %dma_wait3A_279 = arith.constant 2560 : i32
    %dma_wait3A_280 = tpu.memref_slice %arg5[%dma_wait3A_279] : memref<3328xi32, #tpu.memory_space<vmem>> -> memref<128xi32, #tpu.memory_space<vmem>>
    %dma_wait3A_281 = arith.constant 0 : i32
    %dma_wait3A_282 = tpu.memref_slice %arg3[%dma_wait3A_281] : memref<100000xf32, #tpu.memory_space<hbm>> -> memref<100000xf32, #tpu.memory_space<hbm>>
    tpu.wait_indirect_dma semaphore(%arg7 : memref<!tpu.dma_semaphore, #tpu.memory_space<semaphore_mem>>) src(%dma_wait3A_282 : memref<100000xf32, #tpu.memory_space<hbm>>) dst(%dma_wait3A_278 : memref<128xf32, #tpu.memory_space<vmem>>)
    %dma_wait3A_283 = arith.constant 2688 : i32
    %dma_wait3A_284 = tpu.memref_slice %arg6[%dma_wait3A_283] : memref<3328xf32, #tpu.memory_space<vmem>> -> memref<128xf32, #tpu.memory_space<vmem>>
    %dma_wait3A_285 = arith.constant 2688 : i32
    %dma_wait3A_286 = tpu.memref_slice %arg5[%dma_wait3A_285] : memref<3328xi32, #tpu.memory_space<vmem>> -> memref<128xi32, #tpu.memory_space<vmem>>
    %dma_wait3A_287 = arith.constant 0 : i32
    %dma_wait3A_288 = tpu.memref_slice %arg3[%dma_wait3A_287] : memref<100000xf32, #tpu.memory_space<hbm>> -> memref<100000xf32, #tpu.memory_space<hbm>>
    tpu.wait_indirect_dma semaphore(%arg7 : memref<!tpu.dma_semaphore, #tpu.memory_space<semaphore_mem>>) src(%dma_wait3A_288 : memref<100000xf32, #tpu.memory_space<hbm>>) dst(%dma_wait3A_284 : memref<128xf32, #tpu.memory_space<vmem>>)
    %dma_wait3A_289 = arith.constant 2816 : i32
    %dma_wait3A_290 = tpu.memref_slice %arg6[%dma_wait3A_289] : memref<3328xf32, #tpu.memory_space<vmem>> -> memref<128xf32, #tpu.memory_space<vmem>>
    %dma_wait3A_291 = arith.constant 2816 : i32
    %dma_wait3A_292 = tpu.memref_slice %arg5[%dma_wait3A_291] : memref<3328xi32, #tpu.memory_space<vmem>> -> memref<128xi32, #tpu.memory_space<vmem>>
    %dma_wait3A_293 = arith.constant 0 : i32
    %dma_wait3A_294 = tpu.memref_slice %arg3[%dma_wait3A_293] : memref<100000xf32, #tpu.memory_space<hbm>> -> memref<100000xf32, #tpu.memory_space<hbm>>
    tpu.wait_indirect_dma semaphore(%arg7 : memref<!tpu.dma_semaphore, #tpu.memory_space<semaphore_mem>>) src(%dma_wait3A_294 : memref<100000xf32, #tpu.memory_space<hbm>>) dst(%dma_wait3A_290 : memref<128xf32, #tpu.memory_space<vmem>>)
    %dma_wait3A_295 = arith.constant 2944 : i32
    %dma_wait3A_296 = tpu.memref_slice %arg6[%dma_wait3A_295] : memref<3328xf32, #tpu.memory_space<vmem>> -> memref<128xf32, #tpu.memory_space<vmem>>
    %dma_wait3A_297 = arith.constant 2944 : i32
    %dma_wait3A_298 = tpu.memref_slice %arg5[%dma_wait3A_297] : memref<3328xi32, #tpu.memory_space<vmem>> -> memref<128xi32, #tpu.memory_space<vmem>>
    %dma_wait3A_299 = arith.constant 0 : i32
    %dma_wait3A_300 = tpu.memref_slice %arg3[%dma_wait3A_299] : memref<100000xf32, #tpu.memory_space<hbm>> -> memref<100000xf32, #tpu.memory_space<hbm>>
    tpu.wait_indirect_dma semaphore(%arg7 : memref<!tpu.dma_semaphore, #tpu.memory_space<semaphore_mem>>) src(%dma_wait3A_300 : memref<100000xf32, #tpu.memory_space<hbm>>) dst(%dma_wait3A_296 : memref<128xf32, #tpu.memory_space<vmem>>)
    %dma_wait3A_301 = arith.constant 3072 : i32
    %dma_wait3A_302 = tpu.memref_slice %arg6[%dma_wait3A_301] : memref<3328xf32, #tpu.memory_space<vmem>> -> memref<128xf32, #tpu.memory_space<vmem>>
    %dma_wait3A_303 = arith.constant 3072 : i32
    %dma_wait3A_304 = tpu.memref_slice %arg5[%dma_wait3A_303] : memref<3328xi32, #tpu.memory_space<vmem>> -> memref<128xi32, #tpu.memory_space<vmem>>
    %dma_wait3A_305 = arith.constant 0 : i32
    %dma_wait3A_306 = tpu.memref_slice %arg3[%dma_wait3A_305] : memref<100000xf32, #tpu.memory_space<hbm>> -> memref<100000xf32, #tpu.memory_space<hbm>>
    tpu.wait_indirect_dma semaphore(%arg7 : memref<!tpu.dma_semaphore, #tpu.memory_space<semaphore_mem>>) src(%dma_wait3A_306 : memref<100000xf32, #tpu.memory_space<hbm>>) dst(%dma_wait3A_302 : memref<128xf32, #tpu.memory_space<vmem>>)
    %dma_wait3A_307 = arith.constant 3200 : i32
    %dma_wait3A_308 = tpu.memref_slice %arg6[%dma_wait3A_307] : memref<3328xf32, #tpu.memory_space<vmem>> -> memref<128xf32, #tpu.memory_space<vmem>>
    %dma_wait3A_309 = arith.constant 3200 : i32
    %dma_wait3A_310 = tpu.memref_slice %arg5[%dma_wait3A_309] : memref<3328xi32, #tpu.memory_space<vmem>> -> memref<128xi32, #tpu.memory_space<vmem>>
    %dma_wait3A_311 = arith.constant 0 : i32
    %dma_wait3A_312 = tpu.memref_slice %arg3[%dma_wait3A_311] : memref<100000xf32, #tpu.memory_space<hbm>> -> memref<100000xf32, #tpu.memory_space<hbm>>
    tpu.wait_indirect_dma semaphore(%arg7 : memref<!tpu.dma_semaphore, #tpu.memory_space<semaphore_mem>>) src(%dma_wait3A_312 : memref<100000xf32, #tpu.memory_space<hbm>>) dst(%dma_wait3A_308 : memref<128xf32, #tpu.memory_space<vmem>>)
    "tpu.region"() ({
      %run_scoped3A = tpu.sem_alloc : memref<!tpu.dma_semaphore, #tpu.memory_space<semaphore_mem>>
      %dma_start3A_313 = tpu.memref_slice %arg4[%mul3A_2] : memref<106496xf32, #tpu.memory_space<hbm>> -> memref<3328xf32, #tpu.memory_space<hbm>>
      %dma_start3A_314 = tpu.memref_slice %arg4[%mul3A_2] : memref<106496xf32, #tpu.memory_space<hbm>> -> memref<3328xf32, #tpu.memory_space<hbm>>
      tpu.enqueue_dma source(%arg6 : memref<3328xf32, #tpu.memory_space<vmem>>) target(%dma_start3A_314 : memref<3328xf32, #tpu.memory_space<hbm>>) target_semaphore(%run_scoped3A : memref<!tpu.dma_semaphore, #tpu.memory_space<semaphore_mem>>)
      %dma_wait3A_315 = tpu.memref_slice %arg4[%mul3A_2] : memref<106496xf32, #tpu.memory_space<hbm>> -> memref<3328xf32, #tpu.memory_space<hbm>>
      %dma_wait3A_316 = tpu.memref_slice %arg4[%mul3A_2] : memref<106496xf32, #tpu.memory_space<hbm>> -> memref<3328xf32, #tpu.memory_space<hbm>>
      tpu.wait_dma2 semaphore(%run_scoped3A : memref<!tpu.dma_semaphore, #tpu.memory_space<semaphore_mem>>) src(%arg6 : memref<3328xf32, #tpu.memory_space<vmem>>) dst(%dma_wait3A_316 : memref<3328xf32, #tpu.memory_space<hbm>>)
      tpu.yield
    }) : () -> ()
    return
  }
}

#map = affine_map<(d0, d1) -> (0)>
#map1 = affine_map<(d0, d1) -> (0, 0)>
module attributes {stable_mosaic.version = 14 : i64} {
  func.func @_sc_body(%arg0: i32, %arg1: i32, %arg2: memref<106496xi32, #tpu.memory_space<hbm>>, %arg3: memref<4096x512xf32, #tpu.memory_space<hbm>>, %arg4: memref<100000x64xf32, #tpu.memory_space<hbm>>, %arg5: memref<4096x64xf32, #tpu.memory_space<hbm>>, %arg6: memref<4096x64xf32, #tpu.memory_space<hbm>>, %arg7: memref<3328xi32, #tpu.memory_space<vmem>>, %arg8: memref<128x512xf32, #tpu.memory_space<vmem>>, %arg9: memref<416x64xf32, #tpu.memory_space<vmem>>, %arg10: memref<128x64xf32, #tpu.memory_space<vmem>>, %arg11: memref<128x64xf32, #tpu.memory_space<vmem>>, %arg12: memref<!tpu.dma_semaphore, #tpu.memory_space<semaphore_mem>>) attributes {dimension_semantics = [#tpu.dimension_semantics<core_parallel>, #tpu.dimension_semantics<subcore_parallel>], iteration_bounds = array<i64: 2, 16>, scalar_prefetch = 0 : i64, scratch_operands = 6 : i64, tpu.core_type = #tpu.core_type<sc_vector_subcore>, window_params = [{transform_indices = #map}, {transform_indices = #map1}, {transform_indices = #map1}, {transform_indices = #map1}, {transform_indices = #map1}]} {
    %mul3A = arith.constant 2 : i32
    %mul3A_0 = arith.muli %arg1, %mul3A : i32
    %add3A = arith.addi %mul3A_0, %arg0 : i32
    %mul3A_1 = arith.constant 128 : i32
    %mul3A_2 = arith.muli %add3A, %mul3A_1 : i32
    %mul3A_3 = arith.constant 26 : i32
    %mul3A_4 = arith.muli %mul3A_2, %mul3A_3 : i32
    "tpu.region"() ({
      %run_scoped3A = tpu.sem_alloc : memref<!tpu.dma_semaphore, #tpu.memory_space<semaphore_mem>>
      %dma_start3A = tpu.memref_slice %arg2[%mul3A_4] : memref<106496xi32, #tpu.memory_space<hbm>> -> memref<3328xi32, #tpu.memory_space<hbm>>
      %dma_start3A_10 = tpu.memref_slice %arg2[%mul3A_4] : memref<106496xi32, #tpu.memory_space<hbm>> -> memref<3328xi32, #tpu.memory_space<hbm>>
      tpu.enqueue_dma source(%dma_start3A_10 : memref<3328xi32, #tpu.memory_space<hbm>>) target(%arg7 : memref<3328xi32, #tpu.memory_space<vmem>>) target_semaphore(%run_scoped3A : memref<!tpu.dma_semaphore, #tpu.memory_space<semaphore_mem>>)
      %dma_wait3A = tpu.memref_slice %arg2[%mul3A_4] : memref<106496xi32, #tpu.memory_space<hbm>> -> memref<3328xi32, #tpu.memory_space<hbm>>
      %dma_wait3A_11 = tpu.memref_slice %arg2[%mul3A_4] : memref<106496xi32, #tpu.memory_space<hbm>> -> memref<3328xi32, #tpu.memory_space<hbm>>
      tpu.wait_dma2 semaphore(%run_scoped3A : memref<!tpu.dma_semaphore, #tpu.memory_space<semaphore_mem>>) src(%dma_wait3A_11 : memref<3328xi32, #tpu.memory_space<hbm>>) dst(%arg7 : memref<3328xi32, #tpu.memory_space<vmem>>)
      tpu.yield
    }) : () -> ()
    "tpu.region"() ({
      %run_scoped3A = tpu.sem_alloc : memref<!tpu.dma_semaphore, #tpu.memory_space<semaphore_mem>>
      %dma_start3A = arith.constant 0 : i32
      %dma_start3A_10 = tpu.memref_slice %arg3[%mul3A_2, %dma_start3A] : memref<4096x512xf32, #tpu.memory_space<hbm>> -> memref<128x512xf32, #tpu.memory_space<hbm>>
      %dma_start3A_11 = arith.constant 0 : i32
      %dma_start3A_12 = tpu.memref_slice %arg3[%mul3A_2, %dma_start3A_11] : memref<4096x512xf32, #tpu.memory_space<hbm>> -> memref<128x512xf32, #tpu.memory_space<hbm>>
      tpu.enqueue_dma source(%dma_start3A_12 : memref<128x512xf32, #tpu.memory_space<hbm>>) target(%arg8 : memref<128x512xf32, #tpu.memory_space<vmem>>) target_semaphore(%run_scoped3A : memref<!tpu.dma_semaphore, #tpu.memory_space<semaphore_mem>>)
      %dma_wait3A = arith.constant 0 : i32
      %dma_wait3A_13 = tpu.memref_slice %arg3[%mul3A_2, %dma_wait3A] : memref<4096x512xf32, #tpu.memory_space<hbm>> -> memref<128x512xf32, #tpu.memory_space<hbm>>
      %dma_wait3A_14 = arith.constant 0 : i32
      %dma_wait3A_15 = tpu.memref_slice %arg3[%mul3A_2, %dma_wait3A_14] : memref<4096x512xf32, #tpu.memory_space<hbm>> -> memref<128x512xf32, #tpu.memory_space<hbm>>
      tpu.wait_dma2 semaphore(%run_scoped3A : memref<!tpu.dma_semaphore, #tpu.memory_space<semaphore_mem>>) src(%dma_wait3A_15 : memref<128x512xf32, #tpu.memory_space<hbm>>) dst(%arg8 : memref<128x512xf32, #tpu.memory_space<vmem>>)
      tpu.yield
    }) : () -> ()
    %scan3A = arith.constant 0 : i32
    %scan3A_5 = arith.constant 0 : i32
    %scan3A_6 = arith.constant 8 : i32
    %scan3A_7 = arith.addi %scan3A_5, %scan3A_6 : i32
    %scan3A_8 = arith.constant 1 : i32
    scf.for %scan3A_10 = %scan3A_5 to %scan3A_7 step %scan3A_8  : i32 {
      %mul3A_11 = arith.constant 416 : i32
      %mul3A_12 = arith.muli %scan3A_10, %mul3A_11 : i32
      %add3A_13 = arith.constant 0 : i32
      %add3A_14 = arith.addi %mul3A_12, %add3A_13 : i32
      %dma_start3A = arith.constant 0 : i32
      %dma_start3A_15 = arith.constant 0 : i32
      %dma_start3A_16 = tpu.memref_slice %arg9[%dma_start3A, %dma_start3A_15] : memref<416x64xf32, #tpu.memory_space<vmem>> -> memref<104x64xf32, #tpu.memory_space<vmem>>
      %dma_start3A_17 = tpu.memref_slice %arg7[%add3A_14] : memref<3328xi32, #tpu.memory_space<vmem>> -> memref<104xi32, #tpu.memory_space<vmem>>
      %dma_start3A_18 = arith.constant 0 : i32
      %dma_start3A_19 = arith.constant 0 : i32
      %dma_start3A_20 = tpu.memref_slice %arg4[%dma_start3A_18, %dma_start3A_19] : memref<100000x64xf32, #tpu.memory_space<hbm>> -> memref<100000x64xf32, #tpu.memory_space<hbm>>
      tpu.enqueue_indirect_dma source(%dma_start3A_20 : memref<100000x64xf32, #tpu.memory_space<hbm>>) target(%dma_start3A_16 : memref<104x64xf32, #tpu.memory_space<vmem>>) offsets(%dma_start3A_17 : memref<104xi32, #tpu.memory_space<vmem>>) semaphore(%arg12 : memref<!tpu.dma_semaphore, #tpu.memory_space<semaphore_mem>>)
      %mul3A_21 = arith.constant 416 : i32
      %mul3A_22 = arith.muli %scan3A_10, %mul3A_21 : i32
      %add3A_23 = arith.constant 104 : i32
      %add3A_24 = arith.addi %mul3A_22, %add3A_23 : i32
      %dma_start3A_25 = arith.constant 104 : i32
      %dma_start3A_26 = arith.constant 0 : i32
      %dma_start3A_27 = tpu.memref_slice %arg9[%dma_start3A_25, %dma_start3A_26] : memref<416x64xf32, #tpu.memory_space<vmem>> -> memref<104x64xf32, #tpu.memory_space<vmem>>
      %dma_start3A_28 = tpu.memref_slice %arg7[%add3A_24] : memref<3328xi32, #tpu.memory_space<vmem>> -> memref<104xi32, #tpu.memory_space<vmem>>
      %dma_start3A_29 = arith.constant 0 : i32
      %dma_start3A_30 = arith.constant 0 : i32
      %dma_start3A_31 = tpu.memref_slice %arg4[%dma_start3A_29, %dma_start3A_30] : memref<100000x64xf32, #tpu.memory_space<hbm>> -> memref<100000x64xf32, #tpu.memory_space<hbm>>
      tpu.enqueue_indirect_dma source(%dma_start3A_31 : memref<100000x64xf32, #tpu.memory_space<hbm>>) target(%dma_start3A_27 : memref<104x64xf32, #tpu.memory_space<vmem>>) offsets(%dma_start3A_28 : memref<104xi32, #tpu.memory_space<vmem>>) semaphore(%arg12 : memref<!tpu.dma_semaphore, #tpu.memory_space<semaphore_mem>>)
      %mul3A_32 = arith.constant 416 : i32
      %mul3A_33 = arith.muli %scan3A_10, %mul3A_32 : i32
      %add3A_34 = arith.constant 208 : i32
      %add3A_35 = arith.addi %mul3A_33, %add3A_34 : i32
      %dma_start3A_36 = arith.constant 208 : i32
      %dma_start3A_37 = arith.constant 0 : i32
      %dma_start3A_38 = tpu.memref_slice %arg9[%dma_start3A_36, %dma_start3A_37] : memref<416x64xf32, #tpu.memory_space<vmem>> -> memref<104x64xf32, #tpu.memory_space<vmem>>
      %dma_start3A_39 = tpu.memref_slice %arg7[%add3A_35] : memref<3328xi32, #tpu.memory_space<vmem>> -> memref<104xi32, #tpu.memory_space<vmem>>
      %dma_start3A_40 = arith.constant 0 : i32
      %dma_start3A_41 = arith.constant 0 : i32
      %dma_start3A_42 = tpu.memref_slice %arg4[%dma_start3A_40, %dma_start3A_41] : memref<100000x64xf32, #tpu.memory_space<hbm>> -> memref<100000x64xf32, #tpu.memory_space<hbm>>
      tpu.enqueue_indirect_dma source(%dma_start3A_42 : memref<100000x64xf32, #tpu.memory_space<hbm>>) target(%dma_start3A_38 : memref<104x64xf32, #tpu.memory_space<vmem>>) offsets(%dma_start3A_39 : memref<104xi32, #tpu.memory_space<vmem>>) semaphore(%arg12 : memref<!tpu.dma_semaphore, #tpu.memory_space<semaphore_mem>>)
      %mul3A_43 = arith.constant 416 : i32
      %mul3A_44 = arith.muli %scan3A_10, %mul3A_43 : i32
      %add3A_45 = arith.constant 312 : i32
      %add3A_46 = arith.addi %mul3A_44, %add3A_45 : i32
      %dma_start3A_47 = arith.constant 312 : i32
      %dma_start3A_48 = arith.constant 0 : i32
      %dma_start3A_49 = tpu.memref_slice %arg9[%dma_start3A_47, %dma_start3A_48] : memref<416x64xf32, #tpu.memory_space<vmem>> -> memref<104x64xf32, #tpu.memory_space<vmem>>
      %dma_start3A_50 = tpu.memref_slice %arg7[%add3A_46] : memref<3328xi32, #tpu.memory_space<vmem>> -> memref<104xi32, #tpu.memory_space<vmem>>
      %dma_start3A_51 = arith.constant 0 : i32
      %dma_start3A_52 = arith.constant 0 : i32
      %dma_start3A_53 = tpu.memref_slice %arg4[%dma_start3A_51, %dma_start3A_52] : memref<100000x64xf32, #tpu.memory_space<hbm>> -> memref<100000x64xf32, #tpu.memory_space<hbm>>
      tpu.enqueue_indirect_dma source(%dma_start3A_53 : memref<100000x64xf32, #tpu.memory_space<hbm>>) target(%dma_start3A_49 : memref<104x64xf32, #tpu.memory_space<vmem>>) offsets(%dma_start3A_50 : memref<104xi32, #tpu.memory_space<vmem>>) semaphore(%arg12 : memref<!tpu.dma_semaphore, #tpu.memory_space<semaphore_mem>>)
      %mul3A_54 = arith.constant 416 : i32
      %mul3A_55 = arith.muli %scan3A_10, %mul3A_54 : i32
      %add3A_56 = arith.constant 0 : i32
      %add3A_57 = arith.addi %mul3A_55, %add3A_56 : i32
      %dma_wait3A = arith.constant 0 : i32
      %dma_wait3A_58 = arith.constant 0 : i32
      %dma_wait3A_59 = tpu.memref_slice %arg9[%dma_wait3A, %dma_wait3A_58] : memref<416x64xf32, #tpu.memory_space<vmem>> -> memref<104x64xf32, #tpu.memory_space<vmem>>
      %dma_wait3A_60 = tpu.memref_slice %arg7[%add3A_57] : memref<3328xi32, #tpu.memory_space<vmem>> -> memref<104xi32, #tpu.memory_space<vmem>>
      %dma_wait3A_61 = arith.constant 0 : i32
      %dma_wait3A_62 = arith.constant 0 : i32
      %dma_wait3A_63 = tpu.memref_slice %arg4[%dma_wait3A_61, %dma_wait3A_62] : memref<100000x64xf32, #tpu.memory_space<hbm>> -> memref<100000x64xf32, #tpu.memory_space<hbm>>
      tpu.wait_indirect_dma semaphore(%arg12 : memref<!tpu.dma_semaphore, #tpu.memory_space<semaphore_mem>>) src(%dma_wait3A_63 : memref<100000x64xf32, #tpu.memory_space<hbm>>) dst(%dma_wait3A_59 : memref<104x64xf32, #tpu.memory_space<vmem>>)
      %mul3A_64 = arith.constant 416 : i32
      %mul3A_65 = arith.muli %scan3A_10, %mul3A_64 : i32
      %add3A_66 = arith.constant 104 : i32
      %add3A_67 = arith.addi %mul3A_65, %add3A_66 : i32
      %dma_wait3A_68 = arith.constant 104 : i32
      %dma_wait3A_69 = arith.constant 0 : i32
      %dma_wait3A_70 = tpu.memref_slice %arg9[%dma_wait3A_68, %dma_wait3A_69] : memref<416x64xf32, #tpu.memory_space<vmem>> -> memref<104x64xf32, #tpu.memory_space<vmem>>
      %dma_wait3A_71 = tpu.memref_slice %arg7[%add3A_67] : memref<3328xi32, #tpu.memory_space<vmem>> -> memref<104xi32, #tpu.memory_space<vmem>>
      %dma_wait3A_72 = arith.constant 0 : i32
      %dma_wait3A_73 = arith.constant 0 : i32
      %dma_wait3A_74 = tpu.memref_slice %arg4[%dma_wait3A_72, %dma_wait3A_73] : memref<100000x64xf32, #tpu.memory_space<hbm>> -> memref<100000x64xf32, #tpu.memory_space<hbm>>
      tpu.wait_indirect_dma semaphore(%arg12 : memref<!tpu.dma_semaphore, #tpu.memory_space<semaphore_mem>>) src(%dma_wait3A_74 : memref<100000x64xf32, #tpu.memory_space<hbm>>) dst(%dma_wait3A_70 : memref<104x64xf32, #tpu.memory_space<vmem>>)
      %mul3A_75 = arith.constant 416 : i32
      %mul3A_76 = arith.muli %scan3A_10, %mul3A_75 : i32
      %add3A_77 = arith.constant 208 : i32
      %add3A_78 = arith.addi %mul3A_76, %add3A_77 : i32
      %dma_wait3A_79 = arith.constant 208 : i32
      %dma_wait3A_80 = arith.constant 0 : i32
      %dma_wait3A_81 = tpu.memref_slice %arg9[%dma_wait3A_79, %dma_wait3A_80] : memref<416x64xf32, #tpu.memory_space<vmem>> -> memref<104x64xf32, #tpu.memory_space<vmem>>
      %dma_wait3A_82 = tpu.memref_slice %arg7[%add3A_78] : memref<3328xi32, #tpu.memory_space<vmem>> -> memref<104xi32, #tpu.memory_space<vmem>>
      %dma_wait3A_83 = arith.constant 0 : i32
      %dma_wait3A_84 = arith.constant 0 : i32
      %dma_wait3A_85 = tpu.memref_slice %arg4[%dma_wait3A_83, %dma_wait3A_84] : memref<100000x64xf32, #tpu.memory_space<hbm>> -> memref<100000x64xf32, #tpu.memory_space<hbm>>
      tpu.wait_indirect_dma semaphore(%arg12 : memref<!tpu.dma_semaphore, #tpu.memory_space<semaphore_mem>>) src(%dma_wait3A_85 : memref<100000x64xf32, #tpu.memory_space<hbm>>) dst(%dma_wait3A_81 : memref<104x64xf32, #tpu.memory_space<vmem>>)
      %mul3A_86 = arith.constant 416 : i32
      %mul3A_87 = arith.muli %scan3A_10, %mul3A_86 : i32
      %add3A_88 = arith.constant 312 : i32
      %add3A_89 = arith.addi %mul3A_87, %add3A_88 : i32
      %dma_wait3A_90 = arith.constant 312 : i32
      %dma_wait3A_91 = arith.constant 0 : i32
      %dma_wait3A_92 = tpu.memref_slice %arg9[%dma_wait3A_90, %dma_wait3A_91] : memref<416x64xf32, #tpu.memory_space<vmem>> -> memref<104x64xf32, #tpu.memory_space<vmem>>
      %dma_wait3A_93 = tpu.memref_slice %arg7[%add3A_89] : memref<3328xi32, #tpu.memory_space<vmem>> -> memref<104xi32, #tpu.memory_space<vmem>>
      %dma_wait3A_94 = arith.constant 0 : i32
      %dma_wait3A_95 = arith.constant 0 : i32
      %dma_wait3A_96 = tpu.memref_slice %arg4[%dma_wait3A_94, %dma_wait3A_95] : memref<100000x64xf32, #tpu.memory_space<hbm>> -> memref<100000x64xf32, #tpu.memory_space<hbm>>
      tpu.wait_indirect_dma semaphore(%arg12 : memref<!tpu.dma_semaphore, #tpu.memory_space<semaphore_mem>>) src(%dma_wait3A_96 : memref<100000x64xf32, #tpu.memory_space<hbm>>) dst(%dma_wait3A_92 : memref<104x64xf32, #tpu.memory_space<vmem>>)
      %scan3A_97 = arith.constant 0 : i32
      %scan3A_98 = arith.constant 0 : i32
      %scan3A_99 = arith.constant 16 : i32
      %scan3A_100 = arith.addi %scan3A_98, %scan3A_99 : i32
      %scan3A_101 = arith.constant 1 : i32
      scf.for %scan3A_103 = %scan3A_98 to %scan3A_100 step %scan3A_101  : i32 {
        %mul3A_104 = arith.constant 16 : i32
        %mul3A_105 = arith.muli %scan3A_10, %mul3A_104 : i32
        %add3A_106 = arith.addi %mul3A_105, %scan3A_103 : i32
        %broadcast_in_dim3A = arith.constant 0.000000e+00 : f32
        %broadcast_in_dim3A_107 = vector.broadcast %broadcast_in_dim3A : f32 to vector<16xf32>
        %broadcast_in_dim3A_108 = arith.constant 0.000000e+00 : f32
        %broadcast_in_dim3A_109 = vector.broadcast %broadcast_in_dim3A_108 : f32 to vector<16xf32>
        %broadcast_in_dim3A_110 = arith.constant 0.000000e+00 : f32
        %broadcast_in_dim3A_111 = vector.broadcast %broadcast_in_dim3A_110 : f32 to vector<16xf32>
        %broadcast_in_dim3A_112 = arith.constant 0.000000e+00 : f32
        %broadcast_in_dim3A_113 = vector.broadcast %broadcast_in_dim3A_112 : f32 to vector<16xf32>
        %broadcast_in_dim3A_114 = arith.constant 0.000000e+00 : f32
        %broadcast_in_dim3A_115 = vector.broadcast %broadcast_in_dim3A_114 : f32 to vector<16xf32>
        %broadcast_in_dim3A_116 = arith.constant 0.000000e+00 : f32
        %broadcast_in_dim3A_117 = vector.broadcast %broadcast_in_dim3A_116 : f32 to vector<16xf32>
        %broadcast_in_dim3A_118 = arith.constant 0.000000e+00 : f32
        %broadcast_in_dim3A_119 = vector.broadcast %broadcast_in_dim3A_118 : f32 to vector<16xf32>
        %broadcast_in_dim3A_120 = arith.constant 0.000000e+00 : f32
        %broadcast_in_dim3A_121 = vector.broadcast %broadcast_in_dim3A_120 : f32 to vector<16xf32>
        %mul3A_122 = arith.constant 16 : i32
        %mul3A_123 = arith.muli %scan3A_10, %mul3A_122 : i32
        %add3A_124 = arith.addi %mul3A_123, %scan3A_103 : i32
        %get3A = arith.index_cast %add3A_124 : i32 to index
        %get3A_125 = arith.constant 0 : index
        %get3A_126 = tpu.vector_load %arg8[%get3A, %get3A_125] {strides = array<i32>} : memref<128x512xf32, #tpu.memory_space<vmem>>, vector<1x16xf32>,
        %get3A_127 = vector.shape_cast %get3A_126 : vector<1x16xf32> to vector<16xf32>
        %mul3A_128 = arith.constant 26 : i32
        %mul3A_129 = arith.muli %scan3A_103, %mul3A_128 : i32
        %add3A_130 = arith.constant 0 : i32
        %add3A_131 = arith.addi %mul3A_129, %add3A_130 : i32
        %get3A_132 = arith.index_cast %add3A_131 : i32 to index
        %get3A_133 = arith.constant 0 : index
        %get3A_134 = tpu.vector_load %arg9[%get3A_132, %get3A_133] {strides = array<i32>} : memref<416x64xf32, #tpu.memory_space<vmem>>, vector<1x16xf32>,
        %get3A_135 = vector.shape_cast %get3A_134 : vector<1x16xf32> to vector<16xf32>
        %mul3A_136 = arith.mulf %get3A_135, %get3A_127 : vector<16xf32>
        %add3A_137 = arith.addf %broadcast_in_dim3A_107, %mul3A_136 : vector<16xf32>
        %mul3A_138 = arith.mulf %mul3A_136, %mul3A_136 : vector<16xf32>
        %add3A_139 = arith.addf %broadcast_in_dim3A_115, %mul3A_138 : vector<16xf32>
        %mul3A_140 = arith.constant 26 : i32
        %mul3A_141 = arith.muli %scan3A_103, %mul3A_140 : i32
        %add3A_142 = arith.constant 0 : i32
        %add3A_143 = arith.addi %mul3A_141, %add3A_142 : i32
        %get3A_144 = arith.index_cast %add3A_143 : i32 to index
        %get3A_145 = arith.constant 16 : index
        %get3A_146 = tpu.vector_load %arg9[%get3A_144, %get3A_145] {strides = array<i32>} : memref<416x64xf32, #tpu.memory_space<vmem>>, vector<1x16xf32>,
        %get3A_147 = vector.shape_cast %get3A_146 : vector<1x16xf32> to vector<16xf32>
        %mul3A_148 = arith.mulf %get3A_147, %get3A_127 : vector<16xf32>
        %add3A_149 = arith.addf %broadcast_in_dim3A_109, %mul3A_148 : vector<16xf32>
        %mul3A_150 = arith.mulf %mul3A_148, %mul3A_148 : vector<16xf32>
        %add3A_151 = arith.addf %broadcast_in_dim3A_117, %mul3A_150 : vector<16xf32>
        %mul3A_152 = arith.constant 26 : i32
        %mul3A_153 = arith.muli %scan3A_103, %mul3A_152 : i32
        %add3A_154 = arith.constant 0 : i32
        %add3A_155 = arith.addi %mul3A_153, %add3A_154 : i32
        %get3A_156 = arith.index_cast %add3A_155 : i32 to index
        %get3A_157 = arith.constant 32 : index
        %get3A_158 = tpu.vector_load %arg9[%get3A_156, %get3A_157] {strides = array<i32>} : memref<416x64xf32, #tpu.memory_space<vmem>>, vector<1x16xf32>,
        %get3A_159 = vector.shape_cast %get3A_158 : vector<1x16xf32> to vector<16xf32>
        %mul3A_160 = arith.mulf %get3A_159, %get3A_127 : vector<16xf32>
        %add3A_161 = arith.addf %broadcast_in_dim3A_111, %mul3A_160 : vector<16xf32>
        %mul3A_162 = arith.mulf %mul3A_160, %mul3A_160 : vector<16xf32>
        %add3A_163 = arith.addf %broadcast_in_dim3A_119, %mul3A_162 : vector<16xf32>
        %mul3A_164 = arith.constant 26 : i32
        %mul3A_165 = arith.muli %scan3A_103, %mul3A_164 : i32
        %add3A_166 = arith.constant 0 : i32
        %add3A_167 = arith.addi %mul3A_165, %add3A_166 : i32
        %get3A_168 = arith.index_cast %add3A_167 : i32 to index
        %get3A_169 = arith.constant 48 : index
        %get3A_170 = tpu.vector_load %arg9[%get3A_168, %get3A_169] {strides = array<i32>} : memref<416x64xf32, #tpu.memory_space<vmem>>, vector<1x16xf32>,
        %get3A_171 = vector.shape_cast %get3A_170 : vector<1x16xf32> to vector<16xf32>
        %mul3A_172 = arith.mulf %get3A_171, %get3A_127 : vector<16xf32>
        %add3A_173 = arith.addf %broadcast_in_dim3A_113, %mul3A_172 : vector<16xf32>
        %mul3A_174 = arith.mulf %mul3A_172, %mul3A_172 : vector<16xf32>
        %add3A_175 = arith.addf %broadcast_in_dim3A_121, %mul3A_174 : vector<16xf32>
        %get3A_176 = arith.index_cast %add3A_124 : i32 to index
        %get3A_177 = arith.constant 16 : index
        %get3A_178 = tpu.vector_load %arg8[%get3A_176, %get3A_177] {strides = array<i32>} : memref<128x512xf32, #tpu.memory_space<vmem>>, vector<1x16xf32>,
        %get3A_179 = vector.shape_cast %get3A_178 : vector<1x16xf32> to vector<16xf32>
        %mul3A_180 = arith.constant 26 : i32
        %mul3A_181 = arith.muli %scan3A_103, %mul3A_180 : i32
        %add3A_182 = arith.constant 1 : i32
        %add3A_183 = arith.addi %mul3A_181, %add3A_182 : i32
        %get3A_184 = arith.index_cast %add3A_183 : i32 to index
        %get3A_185 = arith.constant 0 : index
        %get3A_186 = tpu.vector_load %arg9[%get3A_184, %get3A_185] {strides = array<i32>} : memref<416x64xf32, #tpu.memory_space<vmem>>, vector<1x16xf32>,
        %get3A_187 = vector.shape_cast %get3A_186 : vector<1x16xf32> to vector<16xf32>
        %mul3A_188 = arith.mulf %get3A_187, %get3A_179 : vector<16xf32>
        %add3A_189 = arith.addf %add3A_137, %mul3A_188 : vector<16xf32>
        %mul3A_190 = arith.mulf %mul3A_188, %mul3A_188 : vector<16xf32>
        %add3A_191 = arith.addf %add3A_139, %mul3A_190 : vector<16xf32>
        %mul3A_192 = arith.constant 26 : i32
        %mul3A_193 = arith.muli %scan3A_103, %mul3A_192 : i32
        %add3A_194 = arith.constant 1 : i32
        %add3A_195 = arith.addi %mul3A_193, %add3A_194 : i32
        %get3A_196 = arith.index_cast %add3A_195 : i32 to index
        %get3A_197 = arith.constant 16 : index
        %get3A_198 = tpu.vector_load %arg9[%get3A_196, %get3A_197] {strides = array<i32>} : memref<416x64xf32, #tpu.memory_space<vmem>>, vector<1x16xf32>,
        %get3A_199 = vector.shape_cast %get3A_198 : vector<1x16xf32> to vector<16xf32>
        %mul3A_200 = arith.mulf %get3A_199, %get3A_179 : vector<16xf32>
        %add3A_201 = arith.addf %add3A_149, %mul3A_200 : vector<16xf32>
        %mul3A_202 = arith.mulf %mul3A_200, %mul3A_200 : vector<16xf32>
        %add3A_203 = arith.addf %add3A_151, %mul3A_202 : vector<16xf32>
        %mul3A_204 = arith.constant 26 : i32
        %mul3A_205 = arith.muli %scan3A_103, %mul3A_204 : i32
        %add3A_206 = arith.constant 1 : i32
        %add3A_207 = arith.addi %mul3A_205, %add3A_206 : i32
        %get3A_208 = arith.index_cast %add3A_207 : i32 to index
        %get3A_209 = arith.constant 32 : index
        %get3A_210 = tpu.vector_load %arg9[%get3A_208, %get3A_209] {strides = array<i32>} : memref<416x64xf32, #tpu.memory_space<vmem>>, vector<1x16xf32>,
        %get3A_211 = vector.shape_cast %get3A_210 : vector<1x16xf32> to vector<16xf32>
        %mul3A_212 = arith.mulf %get3A_211, %get3A_179 : vector<16xf32>
        %add3A_213 = arith.addf %add3A_161, %mul3A_212 : vector<16xf32>
        %mul3A_214 = arith.mulf %mul3A_212, %mul3A_212 : vector<16xf32>
        %add3A_215 = arith.addf %add3A_163, %mul3A_214 : vector<16xf32>
        %mul3A_216 = arith.constant 26 : i32
        %mul3A_217 = arith.muli %scan3A_103, %mul3A_216 : i32
        %add3A_218 = arith.constant 1 : i32
        %add3A_219 = arith.addi %mul3A_217, %add3A_218 : i32
        %get3A_220 = arith.index_cast %add3A_219 : i32 to index
        %get3A_221 = arith.constant 48 : index
        %get3A_222 = tpu.vector_load %arg9[%get3A_220, %get3A_221] {strides = array<i32>} : memref<416x64xf32, #tpu.memory_space<vmem>>, vector<1x16xf32>,
        %get3A_223 = vector.shape_cast %get3A_222 : vector<1x16xf32> to vector<16xf32>
        %mul3A_224 = arith.mulf %get3A_223, %get3A_179 : vector<16xf32>
        %add3A_225 = arith.addf %add3A_173, %mul3A_224 : vector<16xf32>
        %mul3A_226 = arith.mulf %mul3A_224, %mul3A_224 : vector<16xf32>
        %add3A_227 = arith.addf %add3A_175, %mul3A_226 : vector<16xf32>
        %get3A_228 = arith.index_cast %add3A_124 : i32 to index
        %get3A_229 = arith.constant 32 : index
        %get3A_230 = tpu.vector_load %arg8[%get3A_228, %get3A_229] {strides = array<i32>} : memref<128x512xf32, #tpu.memory_space<vmem>>, vector<1x16xf32>,
        %get3A_231 = vector.shape_cast %get3A_230 : vector<1x16xf32> to vector<16xf32>
        %mul3A_232 = arith.constant 26 : i32
        %mul3A_233 = arith.muli %scan3A_103, %mul3A_232 : i32
        %add3A_234 = arith.constant 2 : i32
        %add3A_235 = arith.addi %mul3A_233, %add3A_234 : i32
        %get3A_236 = arith.index_cast %add3A_235 : i32 to index
        %get3A_237 = arith.constant 0 : index
        %get3A_238 = tpu.vector_load %arg9[%get3A_236, %get3A_237] {strides = array<i32>} : memref<416x64xf32, #tpu.memory_space<vmem>>, vector<1x16xf32>,
        %get3A_239 = vector.shape_cast %get3A_238 : vector<1x16xf32> to vector<16xf32>
        %mul3A_240 = arith.mulf %get3A_239, %get3A_231 : vector<16xf32>
        %add3A_241 = arith.addf %add3A_189, %mul3A_240 : vector<16xf32>
        %mul3A_242 = arith.mulf %mul3A_240, %mul3A_240 : vector<16xf32>
        %add3A_243 = arith.addf %add3A_191, %mul3A_242 : vector<16xf32>
        %mul3A_244 = arith.constant 26 : i32
        %mul3A_245 = arith.muli %scan3A_103, %mul3A_244 : i32
        %add3A_246 = arith.constant 2 : i32
        %add3A_247 = arith.addi %mul3A_245, %add3A_246 : i32
        %get3A_248 = arith.index_cast %add3A_247 : i32 to index
        %get3A_249 = arith.constant 16 : index
        %get3A_250 = tpu.vector_load %arg9[%get3A_248, %get3A_249] {strides = array<i32>} : memref<416x64xf32, #tpu.memory_space<vmem>>, vector<1x16xf32>,
        %get3A_251 = vector.shape_cast %get3A_250 : vector<1x16xf32> to vector<16xf32>
        %mul3A_252 = arith.mulf %get3A_251, %get3A_231 : vector<16xf32>
        %add3A_253 = arith.addf %add3A_201, %mul3A_252 : vector<16xf32>
        %mul3A_254 = arith.mulf %mul3A_252, %mul3A_252 : vector<16xf32>
        %add3A_255 = arith.addf %add3A_203, %mul3A_254 : vector<16xf32>
        %mul3A_256 = arith.constant 26 : i32
        %mul3A_257 = arith.muli %scan3A_103, %mul3A_256 : i32
        %add3A_258 = arith.constant 2 : i32
        %add3A_259 = arith.addi %mul3A_257, %add3A_258 : i32
        %get3A_260 = arith.index_cast %add3A_259 : i32 to index
        %get3A_261 = arith.constant 32 : index
        %get3A_262 = tpu.vector_load %arg9[%get3A_260, %get3A_261] {strides = array<i32>} : memref<416x64xf32, #tpu.memory_space<vmem>>, vector<1x16xf32>,
        %get3A_263 = vector.shape_cast %get3A_262 : vector<1x16xf32> to vector<16xf32>
        %mul3A_264 = arith.mulf %get3A_263, %get3A_231 : vector<16xf32>
        %add3A_265 = arith.addf %add3A_213, %mul3A_264 : vector<16xf32>
        %mul3A_266 = arith.mulf %mul3A_264, %mul3A_264 : vector<16xf32>
        %add3A_267 = arith.addf %add3A_215, %mul3A_266 : vector<16xf32>
        %mul3A_268 = arith.constant 26 : i32
        %mul3A_269 = arith.muli %scan3A_103, %mul3A_268 : i32
        %add3A_270 = arith.constant 2 : i32
        %add3A_271 = arith.addi %mul3A_269, %add3A_270 : i32
        %get3A_272 = arith.index_cast %add3A_271 : i32 to index
        %get3A_273 = arith.constant 48 : index
        %get3A_274 = tpu.vector_load %arg9[%get3A_272, %get3A_273] {strides = array<i32>} : memref<416x64xf32, #tpu.memory_space<vmem>>, vector<1x16xf32>,
        %get3A_275 = vector.shape_cast %get3A_274 : vector<1x16xf32> to vector<16xf32>
        %mul3A_276 = arith.mulf %get3A_275, %get3A_231 : vector<16xf32>
        %add3A_277 = arith.addf %add3A_225, %mul3A_276 : vector<16xf32>
        %mul3A_278 = arith.mulf %mul3A_276, %mul3A_276 : vector<16xf32>
        %add3A_279 = arith.addf %add3A_227, %mul3A_278 : vector<16xf32>
        %get3A_280 = arith.index_cast %add3A_124 : i32 to index
        %get3A_281 = arith.constant 48 : index
        %get3A_282 = tpu.vector_load %arg8[%get3A_280, %get3A_281] {strides = array<i32>} : memref<128x512xf32, #tpu.memory_space<vmem>>, vector<1x16xf32>,
        %get3A_283 = vector.shape_cast %get3A_282 : vector<1x16xf32> to vector<16xf32>
        %mul3A_284 = arith.constant 26 : i32
        %mul3A_285 = arith.muli %scan3A_103, %mul3A_284 : i32
        %add3A_286 = arith.constant 3 : i32
        %add3A_287 = arith.addi %mul3A_285, %add3A_286 : i32
        %get3A_288 = arith.index_cast %add3A_287 : i32 to index
        %get3A_289 = arith.constant 0 : index
        %get3A_290 = tpu.vector_load %arg9[%get3A_288, %get3A_289] {strides = array<i32>} : memref<416x64xf32, #tpu.memory_space<vmem>>, vector<1x16xf32>,
        %get3A_291 = vector.shape_cast %get3A_290 : vector<1x16xf32> to vector<16xf32>
        %mul3A_292 = arith.mulf %get3A_291, %get3A_283 : vector<16xf32>
        %add3A_293 = arith.addf %add3A_241, %mul3A_292 : vector<16xf32>
        %mul3A_294 = arith.mulf %mul3A_292, %mul3A_292 : vector<16xf32>
        %add3A_295 = arith.addf %add3A_243, %mul3A_294 : vector<16xf32>
        %mul3A_296 = arith.constant 26 : i32
        %mul3A_297 = arith.muli %scan3A_103, %mul3A_296 : i32
        %add3A_298 = arith.constant 3 : i32
        %add3A_299 = arith.addi %mul3A_297, %add3A_298 : i32
        %get3A_300 = arith.index_cast %add3A_299 : i32 to index
        %get3A_301 = arith.constant 16 : index
        %get3A_302 = tpu.vector_load %arg9[%get3A_300, %get3A_301] {strides = array<i32>} : memref<416x64xf32, #tpu.memory_space<vmem>>, vector<1x16xf32>,
        %get3A_303 = vector.shape_cast %get3A_302 : vector<1x16xf32> to vector<16xf32>
        %mul3A_304 = arith.mulf %get3A_303, %get3A_283 : vector<16xf32>
        %add3A_305 = arith.addf %add3A_253, %mul3A_304 : vector<16xf32>
        %mul3A_306 = arith.mulf %mul3A_304, %mul3A_304 : vector<16xf32>
        %add3A_307 = arith.addf %add3A_255, %mul3A_306 : vector<16xf32>
        %mul3A_308 = arith.constant 26 : i32
        %mul3A_309 = arith.muli %scan3A_103, %mul3A_308 : i32
        %add3A_310 = arith.constant 3 : i32
        %add3A_311 = arith.addi %mul3A_309, %add3A_310 : i32
        %get3A_312 = arith.index_cast %add3A_311 : i32 to index
        %get3A_313 = arith.constant 32 : index
        %get3A_314 = tpu.vector_load %arg9[%get3A_312, %get3A_313] {strides = array<i32>} : memref<416x64xf32, #tpu.memory_space<vmem>>, vector<1x16xf32>,
        %get3A_315 = vector.shape_cast %get3A_314 : vector<1x16xf32> to vector<16xf32>
        %mul3A_316 = arith.mulf %get3A_315, %get3A_283 : vector<16xf32>
        %add3A_317 = arith.addf %add3A_265, %mul3A_316 : vector<16xf32>
        %mul3A_318 = arith.mulf %mul3A_316, %mul3A_316 : vector<16xf32>
        %add3A_319 = arith.addf %add3A_267, %mul3A_318 : vector<16xf32>
        %mul3A_320 = arith.constant 26 : i32
        %mul3A_321 = arith.muli %scan3A_103, %mul3A_320 : i32
        %add3A_322 = arith.constant 3 : i32
        %add3A_323 = arith.addi %mul3A_321, %add3A_322 : i32
        %get3A_324 = arith.index_cast %add3A_323 : i32 to index
        %get3A_325 = arith.constant 48 : index
        %get3A_326 = tpu.vector_load %arg9[%get3A_324, %get3A_325] {strides = array<i32>} : memref<416x64xf32, #tpu.memory_space<vmem>>, vector<1x16xf32>,
        %get3A_327 = vector.shape_cast %get3A_326 : vector<1x16xf32> to vector<16xf32>
        %mul3A_328 = arith.mulf %get3A_327, %get3A_283 : vector<16xf32>
        %add3A_329 = arith.addf %add3A_277, %mul3A_328 : vector<16xf32>
        %mul3A_330 = arith.mulf %mul3A_328, %mul3A_328 : vector<16xf32>
        %add3A_331 = arith.addf %add3A_279, %mul3A_330 : vector<16xf32>
        %get3A_332 = arith.index_cast %add3A_124 : i32 to index
        %get3A_333 = arith.constant 64 : index
        %get3A_334 = tpu.vector_load %arg8[%get3A_332, %get3A_333] {strides = array<i32>} : memref<128x512xf32, #tpu.memory_space<vmem>>, vector<1x16xf32>,
        %get3A_335 = vector.shape_cast %get3A_334 : vector<1x16xf32> to vector<16xf32>
        %mul3A_336 = arith.constant 26 : i32
        %mul3A_337 = arith.muli %scan3A_103, %mul3A_336 : i32
        %add3A_338 = arith.constant 4 : i32
        %add3A_339 = arith.addi %mul3A_337, %add3A_338 : i32
        %get3A_340 = arith.index_cast %add3A_339 : i32 to index
        %get3A_341 = arith.constant 0 : index
        %get3A_342 = tpu.vector_load %arg9[%get3A_340, %get3A_341] {strides = array<i32>} : memref<416x64xf32, #tpu.memory_space<vmem>>, vector<1x16xf32>,
        %get3A_343 = vector.shape_cast %get3A_342 : vector<1x16xf32> to vector<16xf32>
        %mul3A_344 = arith.mulf %get3A_343, %get3A_335 : vector<16xf32>
        %add3A_345 = arith.addf %add3A_293, %mul3A_344 : vector<16xf32>
        %mul3A_346 = arith.mulf %mul3A_344, %mul3A_344 : vector<16xf32>
        %add3A_347 = arith.addf %add3A_295, %mul3A_346 : vector<16xf32>
        %mul3A_348 = arith.constant 26 : i32
        %mul3A_349 = arith.muli %scan3A_103, %mul3A_348 : i32
        %add3A_350 = arith.constant 4 : i32
        %add3A_351 = arith.addi %mul3A_349, %add3A_350 : i32
        %get3A_352 = arith.index_cast %add3A_351 : i32 to index
        %get3A_353 = arith.constant 16 : index
        %get3A_354 = tpu.vector_load %arg9[%get3A_352, %get3A_353] {strides = array<i32>} : memref<416x64xf32, #tpu.memory_space<vmem>>, vector<1x16xf32>,
        %get3A_355 = vector.shape_cast %get3A_354 : vector<1x16xf32> to vector<16xf32>
        %mul3A_356 = arith.mulf %get3A_355, %get3A_335 : vector<16xf32>
        %add3A_357 = arith.addf %add3A_305, %mul3A_356 : vector<16xf32>
        %mul3A_358 = arith.mulf %mul3A_356, %mul3A_356 : vector<16xf32>
        %add3A_359 = arith.addf %add3A_307, %mul3A_358 : vector<16xf32>
        %mul3A_360 = arith.constant 26 : i32
        %mul3A_361 = arith.muli %scan3A_103, %mul3A_360 : i32
        %add3A_362 = arith.constant 4 : i32
        %add3A_363 = arith.addi %mul3A_361, %add3A_362 : i32
        %get3A_364 = arith.index_cast %add3A_363 : i32 to index
        %get3A_365 = arith.constant 32 : index
        %get3A_366 = tpu.vector_load %arg9[%get3A_364, %get3A_365] {strides = array<i32>} : memref<416x64xf32, #tpu.memory_space<vmem>>, vector<1x16xf32>,
        %get3A_367 = vector.shape_cast %get3A_366 : vector<1x16xf32> to vector<16xf32>
        %mul3A_368 = arith.mulf %get3A_367, %get3A_335 : vector<16xf32>
        %add3A_369 = arith.addf %add3A_317, %mul3A_368 : vector<16xf32>
        %mul3A_370 = arith.mulf %mul3A_368, %mul3A_368 : vector<16xf32>
        %add3A_371 = arith.addf %add3A_319, %mul3A_370 : vector<16xf32>
        %mul3A_372 = arith.constant 26 : i32
        %mul3A_373 = arith.muli %scan3A_103, %mul3A_372 : i32
        %add3A_374 = arith.constant 4 : i32
        %add3A_375 = arith.addi %mul3A_373, %add3A_374 : i32
        %get3A_376 = arith.index_cast %add3A_375 : i32 to index
        %get3A_377 = arith.constant 48 : index
        %get3A_378 = tpu.vector_load %arg9[%get3A_376, %get3A_377] {strides = array<i32>} : memref<416x64xf32, #tpu.memory_space<vmem>>, vector<1x16xf32>,
        %get3A_379 = vector.shape_cast %get3A_378 : vector<1x16xf32> to vector<16xf32>
        %mul3A_380 = arith.mulf %get3A_379, %get3A_335 : vector<16xf32>
        %add3A_381 = arith.addf %add3A_329, %mul3A_380 : vector<16xf32>
        %mul3A_382 = arith.mulf %mul3A_380, %mul3A_380 : vector<16xf32>
        %add3A_383 = arith.addf %add3A_331, %mul3A_382 : vector<16xf32>
        %get3A_384 = arith.index_cast %add3A_124 : i32 to index
        %get3A_385 = arith.constant 80 : index
        %get3A_386 = tpu.vector_load %arg8[%get3A_384, %get3A_385] {strides = array<i32>} : memref<128x512xf32, #tpu.memory_space<vmem>>, vector<1x16xf32>,
        %get3A_387 = vector.shape_cast %get3A_386 : vector<1x16xf32> to vector<16xf32>
        %mul3A_388 = arith.constant 26 : i32
        %mul3A_389 = arith.muli %scan3A_103, %mul3A_388 : i32
        %add3A_390 = arith.constant 5 : i32
        %add3A_391 = arith.addi %mul3A_389, %add3A_390 : i32
        %get3A_392 = arith.index_cast %add3A_391 : i32 to index
        %get3A_393 = arith.constant 0 : index
        %get3A_394 = tpu.vector_load %arg9[%get3A_392, %get3A_393] {strides = array<i32>} : memref<416x64xf32, #tpu.memory_space<vmem>>, vector<1x16xf32>,
        %get3A_395 = vector.shape_cast %get3A_394 : vector<1x16xf32> to vector<16xf32>
        %mul3A_396 = arith.mulf %get3A_395, %get3A_387 : vector<16xf32>
        %add3A_397 = arith.addf %add3A_345, %mul3A_396 : vector<16xf32>
        %mul3A_398 = arith.mulf %mul3A_396, %mul3A_396 : vector<16xf32>
        %add3A_399 = arith.addf %add3A_347, %mul3A_398 : vector<16xf32>
        %mul3A_400 = arith.constant 26 : i32
        %mul3A_401 = arith.muli %scan3A_103, %mul3A_400 : i32
        %add3A_402 = arith.constant 5 : i32
        %add3A_403 = arith.addi %mul3A_401, %add3A_402 : i32
        %get3A_404 = arith.index_cast %add3A_403 : i32 to index
        %get3A_405 = arith.constant 16 : index
        %get3A_406 = tpu.vector_load %arg9[%get3A_404, %get3A_405] {strides = array<i32>} : memref<416x64xf32, #tpu.memory_space<vmem>>, vector<1x16xf32>,
        %get3A_407 = vector.shape_cast %get3A_406 : vector<1x16xf32> to vector<16xf32>
        %mul3A_408 = arith.mulf %get3A_407, %get3A_387 : vector<16xf32>
        %add3A_409 = arith.addf %add3A_357, %mul3A_408 : vector<16xf32>
        %mul3A_410 = arith.mulf %mul3A_408, %mul3A_408 : vector<16xf32>
        %add3A_411 = arith.addf %add3A_359, %mul3A_410 : vector<16xf32>
        %mul3A_412 = arith.constant 26 : i32
        %mul3A_413 = arith.muli %scan3A_103, %mul3A_412 : i32
        %add3A_414 = arith.constant 5 : i32
        %add3A_415 = arith.addi %mul3A_413, %add3A_414 : i32
        %get3A_416 = arith.index_cast %add3A_415 : i32 to index
        %get3A_417 = arith.constant 32 : index
        %get3A_418 = tpu.vector_load %arg9[%get3A_416, %get3A_417] {strides = array<i32>} : memref<416x64xf32, #tpu.memory_space<vmem>>, vector<1x16xf32>,
        %get3A_419 = vector.shape_cast %get3A_418 : vector<1x16xf32> to vector<16xf32>
        %mul3A_420 = arith.mulf %get3A_419, %get3A_387 : vector<16xf32>
        %add3A_421 = arith.addf %add3A_369, %mul3A_420 : vector<16xf32>
        %mul3A_422 = arith.mulf %mul3A_420, %mul3A_420 : vector<16xf32>
        %add3A_423 = arith.addf %add3A_371, %mul3A_422 : vector<16xf32>
        %mul3A_424 = arith.constant 26 : i32
        %mul3A_425 = arith.muli %scan3A_103, %mul3A_424 : i32
        %add3A_426 = arith.constant 5 : i32
        %add3A_427 = arith.addi %mul3A_425, %add3A_426 : i32
        %get3A_428 = arith.index_cast %add3A_427 : i32 to index
        %get3A_429 = arith.constant 48 : index
        %get3A_430 = tpu.vector_load %arg9[%get3A_428, %get3A_429] {strides = array<i32>} : memref<416x64xf32, #tpu.memory_space<vmem>>, vector<1x16xf32>,
        %get3A_431 = vector.shape_cast %get3A_430 : vector<1x16xf32> to vector<16xf32>
        %mul3A_432 = arith.mulf %get3A_431, %get3A_387 : vector<16xf32>
        %add3A_433 = arith.addf %add3A_381, %mul3A_432 : vector<16xf32>
        %mul3A_434 = arith.mulf %mul3A_432, %mul3A_432 : vector<16xf32>
        %add3A_435 = arith.addf %add3A_383, %mul3A_434 : vector<16xf32>
        %get3A_436 = arith.index_cast %add3A_124 : i32 to index
        %get3A_437 = arith.constant 96 : index
        %get3A_438 = tpu.vector_load %arg8[%get3A_436, %get3A_437] {strides = array<i32>} : memref<128x512xf32, #tpu.memory_space<vmem>>, vector<1x16xf32>,
        %get3A_439 = vector.shape_cast %get3A_438 : vector<1x16xf32> to vector<16xf32>
        %mul3A_440 = arith.constant 26 : i32
        %mul3A_441 = arith.muli %scan3A_103, %mul3A_440 : i32
        %add3A_442 = arith.constant 6 : i32
        %add3A_443 = arith.addi %mul3A_441, %add3A_442 : i32
        %get3A_444 = arith.index_cast %add3A_443 : i32 to index
        %get3A_445 = arith.constant 0 : index
        %get3A_446 = tpu.vector_load %arg9[%get3A_444, %get3A_445] {strides = array<i32>} : memref<416x64xf32, #tpu.memory_space<vmem>>, vector<1x16xf32>,
        %get3A_447 = vector.shape_cast %get3A_446 : vector<1x16xf32> to vector<16xf32>
        %mul3A_448 = arith.mulf %get3A_447, %get3A_439 : vector<16xf32>
        %add3A_449 = arith.addf %add3A_397, %mul3A_448 : vector<16xf32>
        %mul3A_450 = arith.mulf %mul3A_448, %mul3A_448 : vector<16xf32>
        %add3A_451 = arith.addf %add3A_399, %mul3A_450 : vector<16xf32>
        %mul3A_452 = arith.constant 26 : i32
        %mul3A_453 = arith.muli %scan3A_103, %mul3A_452 : i32
        %add3A_454 = arith.constant 6 : i32
        %add3A_455 = arith.addi %mul3A_453, %add3A_454 : i32
        %get3A_456 = arith.index_cast %add3A_455 : i32 to index
        %get3A_457 = arith.constant 16 : index
        %get3A_458 = tpu.vector_load %arg9[%get3A_456, %get3A_457] {strides = array<i32>} : memref<416x64xf32, #tpu.memory_space<vmem>>, vector<1x16xf32>,
        %get3A_459 = vector.shape_cast %get3A_458 : vector<1x16xf32> to vector<16xf32>
        %mul3A_460 = arith.mulf %get3A_459, %get3A_439 : vector<16xf32>
        %add3A_461 = arith.addf %add3A_409, %mul3A_460 : vector<16xf32>
        %mul3A_462 = arith.mulf %mul3A_460, %mul3A_460 : vector<16xf32>
        %add3A_463 = arith.addf %add3A_411, %mul3A_462 : vector<16xf32>
        %mul3A_464 = arith.constant 26 : i32
        %mul3A_465 = arith.muli %scan3A_103, %mul3A_464 : i32
        %add3A_466 = arith.constant 6 : i32
        %add3A_467 = arith.addi %mul3A_465, %add3A_466 : i32
        %get3A_468 = arith.index_cast %add3A_467 : i32 to index
        %get3A_469 = arith.constant 32 : index
        %get3A_470 = tpu.vector_load %arg9[%get3A_468, %get3A_469] {strides = array<i32>} : memref<416x64xf32, #tpu.memory_space<vmem>>, vector<1x16xf32>,
        %get3A_471 = vector.shape_cast %get3A_470 : vector<1x16xf32> to vector<16xf32>
        %mul3A_472 = arith.mulf %get3A_471, %get3A_439 : vector<16xf32>
        %add3A_473 = arith.addf %add3A_421, %mul3A_472 : vector<16xf32>
        %mul3A_474 = arith.mulf %mul3A_472, %mul3A_472 : vector<16xf32>
        %add3A_475 = arith.addf %add3A_423, %mul3A_474 : vector<16xf32>
        %mul3A_476 = arith.constant 26 : i32
        %mul3A_477 = arith.muli %scan3A_103, %mul3A_476 : i32
        %add3A_478 = arith.constant 6 : i32
        %add3A_479 = arith.addi %mul3A_477, %add3A_478 : i32
        %get3A_480 = arith.index_cast %add3A_479 : i32 to index
        %get3A_481 = arith.constant 48 : index
        %get3A_482 = tpu.vector_load %arg9[%get3A_480, %get3A_481] {strides = array<i32>} : memref<416x64xf32, #tpu.memory_space<vmem>>, vector<1x16xf32>,
        %get3A_483 = vector.shape_cast %get3A_482 : vector<1x16xf32> to vector<16xf32>
        %mul3A_484 = arith.mulf %get3A_483, %get3A_439 : vector<16xf32>
        %add3A_485 = arith.addf %add3A_433, %mul3A_484 : vector<16xf32>
        %mul3A_486 = arith.mulf %mul3A_484, %mul3A_484 : vector<16xf32>
        %add3A_487 = arith.addf %add3A_435, %mul3A_486 : vector<16xf32>
        %get3A_488 = arith.index_cast %add3A_124 : i32 to index
        %get3A_489 = arith.constant 112 : index
        %get3A_490 = tpu.vector_load %arg8[%get3A_488, %get3A_489] {strides = array<i32>} : memref<128x512xf32, #tpu.memory_space<vmem>>, vector<1x16xf32>,
        %get3A_491 = vector.shape_cast %get3A_490 : vector<1x16xf32> to vector<16xf32>
        %mul3A_492 = arith.constant 26 : i32
        %mul3A_493 = arith.muli %scan3A_103, %mul3A_492 : i32
        %add3A_494 = arith.constant 7 : i32
        %add3A_495 = arith.addi %mul3A_493, %add3A_494 : i32
        %get3A_496 = arith.index_cast %add3A_495 : i32 to index
        %get3A_497 = arith.constant 0 : index
        %get3A_498 = tpu.vector_load %arg9[%get3A_496, %get3A_497] {strides = array<i32>} : memref<416x64xf32, #tpu.memory_space<vmem>>, vector<1x16xf32>,
        %get3A_499 = vector.shape_cast %get3A_498 : vector<1x16xf32> to vector<16xf32>
        %mul3A_500 = arith.mulf %get3A_499, %get3A_491 : vector<16xf32>
        %add3A_501 = arith.addf %add3A_449, %mul3A_500 : vector<16xf32>
        %mul3A_502 = arith.mulf %mul3A_500, %mul3A_500 : vector<16xf32>
        %add3A_503 = arith.addf %add3A_451, %mul3A_502 : vector<16xf32>
        %mul3A_504 = arith.constant 26 : i32
        %mul3A_505 = arith.muli %scan3A_103, %mul3A_504 : i32
        %add3A_506 = arith.constant 7 : i32
        %add3A_507 = arith.addi %mul3A_505, %add3A_506 : i32
        %get3A_508 = arith.index_cast %add3A_507 : i32 to index
        %get3A_509 = arith.constant 16 : index
        %get3A_510 = tpu.vector_load %arg9[%get3A_508, %get3A_509] {strides = array<i32>} : memref<416x64xf32, #tpu.memory_space<vmem>>, vector<1x16xf32>,
        %get3A_511 = vector.shape_cast %get3A_510 : vector<1x16xf32> to vector<16xf32>
        %mul3A_512 = arith.mulf %get3A_511, %get3A_491 : vector<16xf32>
        %add3A_513 = arith.addf %add3A_461, %mul3A_512 : vector<16xf32>
        %mul3A_514 = arith.mulf %mul3A_512, %mul3A_512 : vector<16xf32>
        %add3A_515 = arith.addf %add3A_463, %mul3A_514 : vector<16xf32>
        %mul3A_516 = arith.constant 26 : i32
        %mul3A_517 = arith.muli %scan3A_103, %mul3A_516 : i32
        %add3A_518 = arith.constant 7 : i32
        %add3A_519 = arith.addi %mul3A_517, %add3A_518 : i32
        %get3A_520 = arith.index_cast %add3A_519 : i32 to index
        %get3A_521 = arith.constant 32 : index
        %get3A_522 = tpu.vector_load %arg9[%get3A_520, %get3A_521] {strides = array<i32>} : memref<416x64xf32, #tpu.memory_space<vmem>>, vector<1x16xf32>,
        %get3A_523 = vector.shape_cast %get3A_522 : vector<1x16xf32> to vector<16xf32>
        %mul3A_524 = arith.mulf %get3A_523, %get3A_491 : vector<16xf32>
        %add3A_525 = arith.addf %add3A_473, %mul3A_524 : vector<16xf32>
        %mul3A_526 = arith.mulf %mul3A_524, %mul3A_524 : vector<16xf32>
        %add3A_527 = arith.addf %add3A_475, %mul3A_526 : vector<16xf32>
        %mul3A_528 = arith.constant 26 : i32
        %mul3A_529 = arith.muli %scan3A_103, %mul3A_528 : i32
        %add3A_530 = arith.constant 7 : i32
        %add3A_531 = arith.addi %mul3A_529, %add3A_530 : i32
        %get3A_532 = arith.index_cast %add3A_531 : i32 to index
        %get3A_533 = arith.constant 48 : index
        %get3A_534 = tpu.vector_load %arg9[%get3A_532, %get3A_533] {strides = array<i32>} : memref<416x64xf32, #tpu.memory_space<vmem>>, vector<1x16xf32>,
        %get3A_535 = vector.shape_cast %get3A_534 : vector<1x16xf32> to vector<16xf32>
        %mul3A_536 = arith.mulf %get3A_535, %get3A_491 : vector<16xf32>
        %add3A_537 = arith.addf %add3A_485, %mul3A_536 : vector<16xf32>
        %mul3A_538 = arith.mulf %mul3A_536, %mul3A_536 : vector<16xf32>
        %add3A_539 = arith.addf %add3A_487, %mul3A_538 : vector<16xf32>
        %get3A_540 = arith.index_cast %add3A_124 : i32 to index
        %get3A_541 = arith.constant 128 : index
        %get3A_542 = tpu.vector_load %arg8[%get3A_540, %get3A_541] {strides = array<i32>} : memref<128x512xf32, #tpu.memory_space<vmem>>, vector<1x16xf32>,
        %get3A_543 = vector.shape_cast %get3A_542 : vector<1x16xf32> to vector<16xf32>
        %mul3A_544 = arith.constant 26 : i32
        %mul3A_545 = arith.muli %scan3A_103, %mul3A_544 : i32
        %add3A_546 = arith.constant 8 : i32
        %add3A_547 = arith.addi %mul3A_545, %add3A_546 : i32
        %get3A_548 = arith.index_cast %add3A_547 : i32 to index
        %get3A_549 = arith.constant 0 : index
        %get3A_550 = tpu.vector_load %arg9[%get3A_548, %get3A_549] {strides = array<i32>} : memref<416x64xf32, #tpu.memory_space<vmem>>, vector<1x16xf32>,
        %get3A_551 = vector.shape_cast %get3A_550 : vector<1x16xf32> to vector<16xf32>
        %mul3A_552 = arith.mulf %get3A_551, %get3A_543 : vector<16xf32>
        %add3A_553 = arith.addf %add3A_501, %mul3A_552 : vector<16xf32>
        %mul3A_554 = arith.mulf %mul3A_552, %mul3A_552 : vector<16xf32>
        %add3A_555 = arith.addf %add3A_503, %mul3A_554 : vector<16xf32>
        %mul3A_556 = arith.constant 26 : i32
        %mul3A_557 = arith.muli %scan3A_103, %mul3A_556 : i32
        %add3A_558 = arith.constant 8 : i32
        %add3A_559 = arith.addi %mul3A_557, %add3A_558 : i32
        %get3A_560 = arith.index_cast %add3A_559 : i32 to index
        %get3A_561 = arith.constant 16 : index
        %get3A_562 = tpu.vector_load %arg9[%get3A_560, %get3A_561] {strides = array<i32>} : memref<416x64xf32, #tpu.memory_space<vmem>>, vector<1x16xf32>,
        %get3A_563 = vector.shape_cast %get3A_562 : vector<1x16xf32> to vector<16xf32>
        %mul3A_564 = arith.mulf %get3A_563, %get3A_543 : vector<16xf32>
        %add3A_565 = arith.addf %add3A_513, %mul3A_564 : vector<16xf32>
        %mul3A_566 = arith.mulf %mul3A_564, %mul3A_564 : vector<16xf32>
        %add3A_567 = arith.addf %add3A_515, %mul3A_566 : vector<16xf32>
        %mul3A_568 = arith.constant 26 : i32
        %mul3A_569 = arith.muli %scan3A_103, %mul3A_568 : i32
        %add3A_570 = arith.constant 8 : i32
        %add3A_571 = arith.addi %mul3A_569, %add3A_570 : i32
        %get3A_572 = arith.index_cast %add3A_571 : i32 to index
        %get3A_573 = arith.constant 32 : index
        %get3A_574 = tpu.vector_load %arg9[%get3A_572, %get3A_573] {strides = array<i32>} : memref<416x64xf32, #tpu.memory_space<vmem>>, vector<1x16xf32>,
        %get3A_575 = vector.shape_cast %get3A_574 : vector<1x16xf32> to vector<16xf32>
        %mul3A_576 = arith.mulf %get3A_575, %get3A_543 : vector<16xf32>
        %add3A_577 = arith.addf %add3A_525, %mul3A_576 : vector<16xf32>
        %mul3A_578 = arith.mulf %mul3A_576, %mul3A_576 : vector<16xf32>
        %add3A_579 = arith.addf %add3A_527, %mul3A_578 : vector<16xf32>
        %mul3A_580 = arith.constant 26 : i32
        %mul3A_581 = arith.muli %scan3A_103, %mul3A_580 : i32
        %add3A_582 = arith.constant 8 : i32
        %add3A_583 = arith.addi %mul3A_581, %add3A_582 : i32
        %get3A_584 = arith.index_cast %add3A_583 : i32 to index
        %get3A_585 = arith.constant 48 : index
        %get3A_586 = tpu.vector_load %arg9[%get3A_584, %get3A_585] {strides = array<i32>} : memref<416x64xf32, #tpu.memory_space<vmem>>, vector<1x16xf32>,
        %get3A_587 = vector.shape_cast %get3A_586 : vector<1x16xf32> to vector<16xf32>
        %mul3A_588 = arith.mulf %get3A_587, %get3A_543 : vector<16xf32>
        %add3A_589 = arith.addf %add3A_537, %mul3A_588 : vector<16xf32>
        %mul3A_590 = arith.mulf %mul3A_588, %mul3A_588 : vector<16xf32>
        %add3A_591 = arith.addf %add3A_539, %mul3A_590 : vector<16xf32>
        %get3A_592 = arith.index_cast %add3A_124 : i32 to index
        %get3A_593 = arith.constant 144 : index
        %get3A_594 = tpu.vector_load %arg8[%get3A_592, %get3A_593] {strides = array<i32>} : memref<128x512xf32, #tpu.memory_space<vmem>>, vector<1x16xf32>,
        %get3A_595 = vector.shape_cast %get3A_594 : vector<1x16xf32> to vector<16xf32>
        %mul3A_596 = arith.constant 26 : i32
        %mul3A_597 = arith.muli %scan3A_103, %mul3A_596 : i32
        %add3A_598 = arith.constant 9 : i32
        %add3A_599 = arith.addi %mul3A_597, %add3A_598 : i32
        %get3A_600 = arith.index_cast %add3A_599 : i32 to index
        %get3A_601 = arith.constant 0 : index
        %get3A_602 = tpu.vector_load %arg9[%get3A_600, %get3A_601] {strides = array<i32>} : memref<416x64xf32, #tpu.memory_space<vmem>>, vector<1x16xf32>,
        %get3A_603 = vector.shape_cast %get3A_602 : vector<1x16xf32> to vector<16xf32>
        %mul3A_604 = arith.mulf %get3A_603, %get3A_595 : vector<16xf32>
        %add3A_605 = arith.addf %add3A_553, %mul3A_604 : vector<16xf32>
        %mul3A_606 = arith.mulf %mul3A_604, %mul3A_604 : vector<16xf32>
        %add3A_607 = arith.addf %add3A_555, %mul3A_606 : vector<16xf32>
        %mul3A_608 = arith.constant 26 : i32
        %mul3A_609 = arith.muli %scan3A_103, %mul3A_608 : i32
        %add3A_610 = arith.constant 9 : i32
        %add3A_611 = arith.addi %mul3A_609, %add3A_610 : i32
        %get3A_612 = arith.index_cast %add3A_611 : i32 to index
        %get3A_613 = arith.constant 16 : index
        %get3A_614 = tpu.vector_load %arg9[%get3A_612, %get3A_613] {strides = array<i32>} : memref<416x64xf32, #tpu.memory_space<vmem>>, vector<1x16xf32>,
        %get3A_615 = vector.shape_cast %get3A_614 : vector<1x16xf32> to vector<16xf32>
        %mul3A_616 = arith.mulf %get3A_615, %get3A_595 : vector<16xf32>
        %add3A_617 = arith.addf %add3A_565, %mul3A_616 : vector<16xf32>
        %mul3A_618 = arith.mulf %mul3A_616, %mul3A_616 : vector<16xf32>
        %add3A_619 = arith.addf %add3A_567, %mul3A_618 : vector<16xf32>
        %mul3A_620 = arith.constant 26 : i32
        %mul3A_621 = arith.muli %scan3A_103, %mul3A_620 : i32
        %add3A_622 = arith.constant 9 : i32
        %add3A_623 = arith.addi %mul3A_621, %add3A_622 : i32
        %get3A_624 = arith.index_cast %add3A_623 : i32 to index
        %get3A_625 = arith.constant 32 : index
        %get3A_626 = tpu.vector_load %arg9[%get3A_624, %get3A_625] {strides = array<i32>} : memref<416x64xf32, #tpu.memory_space<vmem>>, vector<1x16xf32>,
        %get3A_627 = vector.shape_cast %get3A_626 : vector<1x16xf32> to vector<16xf32>
        %mul3A_628 = arith.mulf %get3A_627, %get3A_595 : vector<16xf32>
        %add3A_629 = arith.addf %add3A_577, %mul3A_628 : vector<16xf32>
        %mul3A_630 = arith.mulf %mul3A_628, %mul3A_628 : vector<16xf32>
        %add3A_631 = arith.addf %add3A_579, %mul3A_630 : vector<16xf32>
        %mul3A_632 = arith.constant 26 : i32
        %mul3A_633 = arith.muli %scan3A_103, %mul3A_632 : i32
        %add3A_634 = arith.constant 9 : i32
        %add3A_635 = arith.addi %mul3A_633, %add3A_634 : i32
        %get3A_636 = arith.index_cast %add3A_635 : i32 to index
        %get3A_637 = arith.constant 48 : index
        %get3A_638 = tpu.vector_load %arg9[%get3A_636, %get3A_637] {strides = array<i32>} : memref<416x64xf32, #tpu.memory_space<vmem>>, vector<1x16xf32>,
        %get3A_639 = vector.shape_cast %get3A_638 : vector<1x16xf32> to vector<16xf32>
        %mul3A_640 = arith.mulf %get3A_639, %get3A_595 : vector<16xf32>
        %add3A_641 = arith.addf %add3A_589, %mul3A_640 : vector<16xf32>
        %mul3A_642 = arith.mulf %mul3A_640, %mul3A_640 : vector<16xf32>
        %add3A_643 = arith.addf %add3A_591, %mul3A_642 : vector<16xf32>
        %get3A_644 = arith.index_cast %add3A_124 : i32 to index
        %get3A_645 = arith.constant 160 : index
        %get3A_646 = tpu.vector_load %arg8[%get3A_644, %get3A_645] {strides = array<i32>} : memref<128x512xf32, #tpu.memory_space<vmem>>, vector<1x16xf32>,
        %get3A_647 = vector.shape_cast %get3A_646 : vector<1x16xf32> to vector<16xf32>
        %mul3A_648 = arith.constant 26 : i32
        %mul3A_649 = arith.muli %scan3A_103, %mul3A_648 : i32
        %add3A_650 = arith.constant 10 : i32
        %add3A_651 = arith.addi %mul3A_649, %add3A_650 : i32
        %get3A_652 = arith.index_cast %add3A_651 : i32 to index
        %get3A_653 = arith.constant 0 : index
        %get3A_654 = tpu.vector_load %arg9[%get3A_652, %get3A_653] {strides = array<i32>} : memref<416x64xf32, #tpu.memory_space<vmem>>, vector<1x16xf32>,
        %get3A_655 = vector.shape_cast %get3A_654 : vector<1x16xf32> to vector<16xf32>
        %mul3A_656 = arith.mulf %get3A_655, %get3A_647 : vector<16xf32>
        %add3A_657 = arith.addf %add3A_605, %mul3A_656 : vector<16xf32>
        %mul3A_658 = arith.mulf %mul3A_656, %mul3A_656 : vector<16xf32>
        %add3A_659 = arith.addf %add3A_607, %mul3A_658 : vector<16xf32>
        %mul3A_660 = arith.constant 26 : i32
        %mul3A_661 = arith.muli %scan3A_103, %mul3A_660 : i32
        %add3A_662 = arith.constant 10 : i32
        %add3A_663 = arith.addi %mul3A_661, %add3A_662 : i32
        %get3A_664 = arith.index_cast %add3A_663 : i32 to index
        %get3A_665 = arith.constant 16 : index
        %get3A_666 = tpu.vector_load %arg9[%get3A_664, %get3A_665] {strides = array<i32>} : memref<416x64xf32, #tpu.memory_space<vmem>>, vector<1x16xf32>,
        %get3A_667 = vector.shape_cast %get3A_666 : vector<1x16xf32> to vector<16xf32>
        %mul3A_668 = arith.mulf %get3A_667, %get3A_647 : vector<16xf32>
        %add3A_669 = arith.addf %add3A_617, %mul3A_668 : vector<16xf32>
        %mul3A_670 = arith.mulf %mul3A_668, %mul3A_668 : vector<16xf32>
        %add3A_671 = arith.addf %add3A_619, %mul3A_670 : vector<16xf32>
        %mul3A_672 = arith.constant 26 : i32
        %mul3A_673 = arith.muli %scan3A_103, %mul3A_672 : i32
        %add3A_674 = arith.constant 10 : i32
        %add3A_675 = arith.addi %mul3A_673, %add3A_674 : i32
        %get3A_676 = arith.index_cast %add3A_675 : i32 to index
        %get3A_677 = arith.constant 32 : index
        %get3A_678 = tpu.vector_load %arg9[%get3A_676, %get3A_677] {strides = array<i32>} : memref<416x64xf32, #tpu.memory_space<vmem>>, vector<1x16xf32>,
        %get3A_679 = vector.shape_cast %get3A_678 : vector<1x16xf32> to vector<16xf32>
        %mul3A_680 = arith.mulf %get3A_679, %get3A_647 : vector<16xf32>
        %add3A_681 = arith.addf %add3A_629, %mul3A_680 : vector<16xf32>
        %mul3A_682 = arith.mulf %mul3A_680, %mul3A_680 : vector<16xf32>
        %add3A_683 = arith.addf %add3A_631, %mul3A_682 : vector<16xf32>
        %mul3A_684 = arith.constant 26 : i32
        %mul3A_685 = arith.muli %scan3A_103, %mul3A_684 : i32
        %add3A_686 = arith.constant 10 : i32
        %add3A_687 = arith.addi %mul3A_685, %add3A_686 : i32
        %get3A_688 = arith.index_cast %add3A_687 : i32 to index
        %get3A_689 = arith.constant 48 : index
        %get3A_690 = tpu.vector_load %arg9[%get3A_688, %get3A_689] {strides = array<i32>} : memref<416x64xf32, #tpu.memory_space<vmem>>, vector<1x16xf32>,
        %get3A_691 = vector.shape_cast %get3A_690 : vector<1x16xf32> to vector<16xf32>
        %mul3A_692 = arith.mulf %get3A_691, %get3A_647 : vector<16xf32>
        %add3A_693 = arith.addf %add3A_641, %mul3A_692 : vector<16xf32>
        %mul3A_694 = arith.mulf %mul3A_692, %mul3A_692 : vector<16xf32>
        %add3A_695 = arith.addf %add3A_643, %mul3A_694 : vector<16xf32>
        %get3A_696 = arith.index_cast %add3A_124 : i32 to index
        %get3A_697 = arith.constant 176 : index
        %get3A_698 = tpu.vector_load %arg8[%get3A_696, %get3A_697] {strides = array<i32>} : memref<128x512xf32, #tpu.memory_space<vmem>>, vector<1x16xf32>,
        %get3A_699 = vector.shape_cast %get3A_698 : vector<1x16xf32> to vector<16xf32>
        %mul3A_700 = arith.constant 26 : i32
        %mul3A_701 = arith.muli %scan3A_103, %mul3A_700 : i32
        %add3A_702 = arith.constant 11 : i32
        %add3A_703 = arith.addi %mul3A_701, %add3A_702 : i32
        %get3A_704 = arith.index_cast %add3A_703 : i32 to index
        %get3A_705 = arith.constant 0 : index
        %get3A_706 = tpu.vector_load %arg9[%get3A_704, %get3A_705] {strides = array<i32>} : memref<416x64xf32, #tpu.memory_space<vmem>>, vector<1x16xf32>,
        %get3A_707 = vector.shape_cast %get3A_706 : vector<1x16xf32> to vector<16xf32>
        %mul3A_708 = arith.mulf %get3A_707, %get3A_699 : vector<16xf32>
        %add3A_709 = arith.addf %add3A_657, %mul3A_708 : vector<16xf32>
        %mul3A_710 = arith.mulf %mul3A_708, %mul3A_708 : vector<16xf32>
        %add3A_711 = arith.addf %add3A_659, %mul3A_710 : vector<16xf32>
        %mul3A_712 = arith.constant 26 : i32
        %mul3A_713 = arith.muli %scan3A_103, %mul3A_712 : i32
        %add3A_714 = arith.constant 11 : i32
        %add3A_715 = arith.addi %mul3A_713, %add3A_714 : i32
        %get3A_716 = arith.index_cast %add3A_715 : i32 to index
        %get3A_717 = arith.constant 16 : index
        %get3A_718 = tpu.vector_load %arg9[%get3A_716, %get3A_717] {strides = array<i32>} : memref<416x64xf32, #tpu.memory_space<vmem>>, vector<1x16xf32>,
        %get3A_719 = vector.shape_cast %get3A_718 : vector<1x16xf32> to vector<16xf32>
        %mul3A_720 = arith.mulf %get3A_719, %get3A_699 : vector<16xf32>
        %add3A_721 = arith.addf %add3A_669, %mul3A_720 : vector<16xf32>
        %mul3A_722 = arith.mulf %mul3A_720, %mul3A_720 : vector<16xf32>
        %add3A_723 = arith.addf %add3A_671, %mul3A_722 : vector<16xf32>
        %mul3A_724 = arith.constant 26 : i32
        %mul3A_725 = arith.muli %scan3A_103, %mul3A_724 : i32
        %add3A_726 = arith.constant 11 : i32
        %add3A_727 = arith.addi %mul3A_725, %add3A_726 : i32
        %get3A_728 = arith.index_cast %add3A_727 : i32 to index
        %get3A_729 = arith.constant 32 : index
        %get3A_730 = tpu.vector_load %arg9[%get3A_728, %get3A_729] {strides = array<i32>} : memref<416x64xf32, #tpu.memory_space<vmem>>, vector<1x16xf32>,
        %get3A_731 = vector.shape_cast %get3A_730 : vector<1x16xf32> to vector<16xf32>
        %mul3A_732 = arith.mulf %get3A_731, %get3A_699 : vector<16xf32>
        %add3A_733 = arith.addf %add3A_681, %mul3A_732 : vector<16xf32>
        %mul3A_734 = arith.mulf %mul3A_732, %mul3A_732 : vector<16xf32>
        %add3A_735 = arith.addf %add3A_683, %mul3A_734 : vector<16xf32>
        %mul3A_736 = arith.constant 26 : i32
        %mul3A_737 = arith.muli %scan3A_103, %mul3A_736 : i32
        %add3A_738 = arith.constant 11 : i32
        %add3A_739 = arith.addi %mul3A_737, %add3A_738 : i32
        %get3A_740 = arith.index_cast %add3A_739 : i32 to index
        %get3A_741 = arith.constant 48 : index
        %get3A_742 = tpu.vector_load %arg9[%get3A_740, %get3A_741] {strides = array<i32>} : memref<416x64xf32, #tpu.memory_space<vmem>>, vector<1x16xf32>,
        %get3A_743 = vector.shape_cast %get3A_742 : vector<1x16xf32> to vector<16xf32>
        %mul3A_744 = arith.mulf %get3A_743, %get3A_699 : vector<16xf32>
        %add3A_745 = arith.addf %add3A_693, %mul3A_744 : vector<16xf32>
        %mul3A_746 = arith.mulf %mul3A_744, %mul3A_744 : vector<16xf32>
        %add3A_747 = arith.addf %add3A_695, %mul3A_746 : vector<16xf32>
        %get3A_748 = arith.index_cast %add3A_124 : i32 to index
        %get3A_749 = arith.constant 192 : index
        %get3A_750 = tpu.vector_load %arg8[%get3A_748, %get3A_749] {strides = array<i32>} : memref<128x512xf32, #tpu.memory_space<vmem>>, vector<1x16xf32>,
        %get3A_751 = vector.shape_cast %get3A_750 : vector<1x16xf32> to vector<16xf32>
        %mul3A_752 = arith.constant 26 : i32
        %mul3A_753 = arith.muli %scan3A_103, %mul3A_752 : i32
        %add3A_754 = arith.constant 12 : i32
        %add3A_755 = arith.addi %mul3A_753, %add3A_754 : i32
        %get3A_756 = arith.index_cast %add3A_755 : i32 to index
        %get3A_757 = arith.constant 0 : index
        %get3A_758 = tpu.vector_load %arg9[%get3A_756, %get3A_757] {strides = array<i32>} : memref<416x64xf32, #tpu.memory_space<vmem>>, vector<1x16xf32>,
        %get3A_759 = vector.shape_cast %get3A_758 : vector<1x16xf32> to vector<16xf32>
        %mul3A_760 = arith.mulf %get3A_759, %get3A_751 : vector<16xf32>
        %add3A_761 = arith.addf %add3A_709, %mul3A_760 : vector<16xf32>
        %mul3A_762 = arith.mulf %mul3A_760, %mul3A_760 : vector<16xf32>
        %add3A_763 = arith.addf %add3A_711, %mul3A_762 : vector<16xf32>
        %mul3A_764 = arith.constant 26 : i32
        %mul3A_765 = arith.muli %scan3A_103, %mul3A_764 : i32
        %add3A_766 = arith.constant 12 : i32
        %add3A_767 = arith.addi %mul3A_765, %add3A_766 : i32
        %get3A_768 = arith.index_cast %add3A_767 : i32 to index
        %get3A_769 = arith.constant 16 : index
        %get3A_770 = tpu.vector_load %arg9[%get3A_768, %get3A_769] {strides = array<i32>} : memref<416x64xf32, #tpu.memory_space<vmem>>, vector<1x16xf32>,
        %get3A_771 = vector.shape_cast %get3A_770 : vector<1x16xf32> to vector<16xf32>
        %mul3A_772 = arith.mulf %get3A_771, %get3A_751 : vector<16xf32>
        %add3A_773 = arith.addf %add3A_721, %mul3A_772 : vector<16xf32>
        %mul3A_774 = arith.mulf %mul3A_772, %mul3A_772 : vector<16xf32>
        %add3A_775 = arith.addf %add3A_723, %mul3A_774 : vector<16xf32>
        %mul3A_776 = arith.constant 26 : i32
        %mul3A_777 = arith.muli %scan3A_103, %mul3A_776 : i32
        %add3A_778 = arith.constant 12 : i32
        %add3A_779 = arith.addi %mul3A_777, %add3A_778 : i32
        %get3A_780 = arith.index_cast %add3A_779 : i32 to index
        %get3A_781 = arith.constant 32 : index
        %get3A_782 = tpu.vector_load %arg9[%get3A_780, %get3A_781] {strides = array<i32>} : memref<416x64xf32, #tpu.memory_space<vmem>>, vector<1x16xf32>,
        %get3A_783 = vector.shape_cast %get3A_782 : vector<1x16xf32> to vector<16xf32>
        %mul3A_784 = arith.mulf %get3A_783, %get3A_751 : vector<16xf32>
        %add3A_785 = arith.addf %add3A_733, %mul3A_784 : vector<16xf32>
        %mul3A_786 = arith.mulf %mul3A_784, %mul3A_784 : vector<16xf32>
        %add3A_787 = arith.addf %add3A_735, %mul3A_786 : vector<16xf32>
        %mul3A_788 = arith.constant 26 : i32
        %mul3A_789 = arith.muli %scan3A_103, %mul3A_788 : i32
        %add3A_790 = arith.constant 12 : i32
        %add3A_791 = arith.addi %mul3A_789, %add3A_790 : i32
        %get3A_792 = arith.index_cast %add3A_791 : i32 to index
        %get3A_793 = arith.constant 48 : index
        %get3A_794 = tpu.vector_load %arg9[%get3A_792, %get3A_793] {strides = array<i32>} : memref<416x64xf32, #tpu.memory_space<vmem>>, vector<1x16xf32>,
        %get3A_795 = vector.shape_cast %get3A_794 : vector<1x16xf32> to vector<16xf32>
        %mul3A_796 = arith.mulf %get3A_795, %get3A_751 : vector<16xf32>
        %add3A_797 = arith.addf %add3A_745, %mul3A_796 : vector<16xf32>
        %mul3A_798 = arith.mulf %mul3A_796, %mul3A_796 : vector<16xf32>
        %add3A_799 = arith.addf %add3A_747, %mul3A_798 : vector<16xf32>
        %get3A_800 = arith.index_cast %add3A_124 : i32 to index
        %get3A_801 = arith.constant 208 : index
        %get3A_802 = tpu.vector_load %arg8[%get3A_800, %get3A_801] {strides = array<i32>} : memref<128x512xf32, #tpu.memory_space<vmem>>, vector<1x16xf32>,
        %get3A_803 = vector.shape_cast %get3A_802 : vector<1x16xf32> to vector<16xf32>
        %mul3A_804 = arith.constant 26 : i32
        %mul3A_805 = arith.muli %scan3A_103, %mul3A_804 : i32
        %add3A_806 = arith.constant 13 : i32
        %add3A_807 = arith.addi %mul3A_805, %add3A_806 : i32
        %get3A_808 = arith.index_cast %add3A_807 : i32 to index
        %get3A_809 = arith.constant 0 : index
        %get3A_810 = tpu.vector_load %arg9[%get3A_808, %get3A_809] {strides = array<i32>} : memref<416x64xf32, #tpu.memory_space<vmem>>, vector<1x16xf32>,
        %get3A_811 = vector.shape_cast %get3A_810 : vector<1x16xf32> to vector<16xf32>
        %mul3A_812 = arith.mulf %get3A_811, %get3A_803 : vector<16xf32>
        %add3A_813 = arith.addf %add3A_761, %mul3A_812 : vector<16xf32>
        %mul3A_814 = arith.mulf %mul3A_812, %mul3A_812 : vector<16xf32>
        %add3A_815 = arith.addf %add3A_763, %mul3A_814 : vector<16xf32>
        %mul3A_816 = arith.constant 26 : i32
        %mul3A_817 = arith.muli %scan3A_103, %mul3A_816 : i32
        %add3A_818 = arith.constant 13 : i32
        %add3A_819 = arith.addi %mul3A_817, %add3A_818 : i32
        %get3A_820 = arith.index_cast %add3A_819 : i32 to index
        %get3A_821 = arith.constant 16 : index
        %get3A_822 = tpu.vector_load %arg9[%get3A_820, %get3A_821] {strides = array<i32>} : memref<416x64xf32, #tpu.memory_space<vmem>>, vector<1x16xf32>,
        %get3A_823 = vector.shape_cast %get3A_822 : vector<1x16xf32> to vector<16xf32>
        %mul3A_824 = arith.mulf %get3A_823, %get3A_803 : vector<16xf32>
        %add3A_825 = arith.addf %add3A_773, %mul3A_824 : vector<16xf32>
        %mul3A_826 = arith.mulf %mul3A_824, %mul3A_824 : vector<16xf32>
        %add3A_827 = arith.addf %add3A_775, %mul3A_826 : vector<16xf32>
        %mul3A_828 = arith.constant 26 : i32
        %mul3A_829 = arith.muli %scan3A_103, %mul3A_828 : i32
        %add3A_830 = arith.constant 13 : i32
        %add3A_831 = arith.addi %mul3A_829, %add3A_830 : i32
        %get3A_832 = arith.index_cast %add3A_831 : i32 to index
        %get3A_833 = arith.constant 32 : index
        %get3A_834 = tpu.vector_load %arg9[%get3A_832, %get3A_833] {strides = array<i32>} : memref<416x64xf32, #tpu.memory_space<vmem>>, vector<1x16xf32>,
        %get3A_835 = vector.shape_cast %get3A_834 : vector<1x16xf32> to vector<16xf32>
        %mul3A_836 = arith.mulf %get3A_835, %get3A_803 : vector<16xf32>
        %add3A_837 = arith.addf %add3A_785, %mul3A_836 : vector<16xf32>
        %mul3A_838 = arith.mulf %mul3A_836, %mul3A_836 : vector<16xf32>
        %add3A_839 = arith.addf %add3A_787, %mul3A_838 : vector<16xf32>
        %mul3A_840 = arith.constant 26 : i32
        %mul3A_841 = arith.muli %scan3A_103, %mul3A_840 : i32
        %add3A_842 = arith.constant 13 : i32
        %add3A_843 = arith.addi %mul3A_841, %add3A_842 : i32
        %get3A_844 = arith.index_cast %add3A_843 : i32 to index
        %get3A_845 = arith.constant 48 : index
        %get3A_846 = tpu.vector_load %arg9[%get3A_844, %get3A_845] {strides = array<i32>} : memref<416x64xf32, #tpu.memory_space<vmem>>, vector<1x16xf32>,
        %get3A_847 = vector.shape_cast %get3A_846 : vector<1x16xf32> to vector<16xf32>
        %mul3A_848 = arith.mulf %get3A_847, %get3A_803 : vector<16xf32>
        %add3A_849 = arith.addf %add3A_797, %mul3A_848 : vector<16xf32>
        %mul3A_850 = arith.mulf %mul3A_848, %mul3A_848 : vector<16xf32>
        %add3A_851 = arith.addf %add3A_799, %mul3A_850 : vector<16xf32>
        %get3A_852 = arith.index_cast %add3A_124 : i32 to index
        %get3A_853 = arith.constant 224 : index
        %get3A_854 = tpu.vector_load %arg8[%get3A_852, %get3A_853] {strides = array<i32>} : memref<128x512xf32, #tpu.memory_space<vmem>>, vector<1x16xf32>,
        %get3A_855 = vector.shape_cast %get3A_854 : vector<1x16xf32> to vector<16xf32>
        %mul3A_856 = arith.constant 26 : i32
        %mul3A_857 = arith.muli %scan3A_103, %mul3A_856 : i32
        %add3A_858 = arith.constant 14 : i32
        %add3A_859 = arith.addi %mul3A_857, %add3A_858 : i32
        %get3A_860 = arith.index_cast %add3A_859 : i32 to index
        %get3A_861 = arith.constant 0 : index
        %get3A_862 = tpu.vector_load %arg9[%get3A_860, %get3A_861] {strides = array<i32>} : memref<416x64xf32, #tpu.memory_space<vmem>>, vector<1x16xf32>,
        %get3A_863 = vector.shape_cast %get3A_862 : vector<1x16xf32> to vector<16xf32>
        %mul3A_864 = arith.mulf %get3A_863, %get3A_855 : vector<16xf32>
        %add3A_865 = arith.addf %add3A_813, %mul3A_864 : vector<16xf32>
        %mul3A_866 = arith.mulf %mul3A_864, %mul3A_864 : vector<16xf32>
        %add3A_867 = arith.addf %add3A_815, %mul3A_866 : vector<16xf32>
        %mul3A_868 = arith.constant 26 : i32
        %mul3A_869 = arith.muli %scan3A_103, %mul3A_868 : i32
        %add3A_870 = arith.constant 14 : i32
        %add3A_871 = arith.addi %mul3A_869, %add3A_870 : i32
        %get3A_872 = arith.index_cast %add3A_871 : i32 to index
        %get3A_873 = arith.constant 16 : index
        %get3A_874 = tpu.vector_load %arg9[%get3A_872, %get3A_873] {strides = array<i32>} : memref<416x64xf32, #tpu.memory_space<vmem>>, vector<1x16xf32>,
        %get3A_875 = vector.shape_cast %get3A_874 : vector<1x16xf32> to vector<16xf32>
        %mul3A_876 = arith.mulf %get3A_875, %get3A_855 : vector<16xf32>
        %add3A_877 = arith.addf %add3A_825, %mul3A_876 : vector<16xf32>
        %mul3A_878 = arith.mulf %mul3A_876, %mul3A_876 : vector<16xf32>
        %add3A_879 = arith.addf %add3A_827, %mul3A_878 : vector<16xf32>
        %mul3A_880 = arith.constant 26 : i32
        %mul3A_881 = arith.muli %scan3A_103, %mul3A_880 : i32
        %add3A_882 = arith.constant 14 : i32
        %add3A_883 = arith.addi %mul3A_881, %add3A_882 : i32
        %get3A_884 = arith.index_cast %add3A_883 : i32 to index
        %get3A_885 = arith.constant 32 : index
        %get3A_886 = tpu.vector_load %arg9[%get3A_884, %get3A_885] {strides = array<i32>} : memref<416x64xf32, #tpu.memory_space<vmem>>, vector<1x16xf32>,
        %get3A_887 = vector.shape_cast %get3A_886 : vector<1x16xf32> to vector<16xf32>
        %mul3A_888 = arith.mulf %get3A_887, %get3A_855 : vector<16xf32>
        %add3A_889 = arith.addf %add3A_837, %mul3A_888 : vector<16xf32>
        %mul3A_890 = arith.mulf %mul3A_888, %mul3A_888 : vector<16xf32>
        %add3A_891 = arith.addf %add3A_839, %mul3A_890 : vector<16xf32>
        %mul3A_892 = arith.constant 26 : i32
        %mul3A_893 = arith.muli %scan3A_103, %mul3A_892 : i32
        %add3A_894 = arith.constant 14 : i32
        %add3A_895 = arith.addi %mul3A_893, %add3A_894 : i32
        %get3A_896 = arith.index_cast %add3A_895 : i32 to index
        %get3A_897 = arith.constant 48 : index
        %get3A_898 = tpu.vector_load %arg9[%get3A_896, %get3A_897] {strides = array<i32>} : memref<416x64xf32, #tpu.memory_space<vmem>>, vector<1x16xf32>,
        %get3A_899 = vector.shape_cast %get3A_898 : vector<1x16xf32> to vector<16xf32>
        %mul3A_900 = arith.mulf %get3A_899, %get3A_855 : vector<16xf32>
        %add3A_901 = arith.addf %add3A_849, %mul3A_900 : vector<16xf32>
        %mul3A_902 = arith.mulf %mul3A_900, %mul3A_900 : vector<16xf32>
        %add3A_903 = arith.addf %add3A_851, %mul3A_902 : vector<16xf32>
        %get3A_904 = arith.index_cast %add3A_124 : i32 to index
        %get3A_905 = arith.constant 240 : index
        %get3A_906 = tpu.vector_load %arg8[%get3A_904, %get3A_905] {strides = array<i32>} : memref<128x512xf32, #tpu.memory_space<vmem>>, vector<1x16xf32>,
        %get3A_907 = vector.shape_cast %get3A_906 : vector<1x16xf32> to vector<16xf32>
        %mul3A_908 = arith.constant 26 : i32
        %mul3A_909 = arith.muli %scan3A_103, %mul3A_908 : i32
        %add3A_910 = arith.constant 15 : i32
        %add3A_911 = arith.addi %mul3A_909, %add3A_910 : i32
        %get3A_912 = arith.index_cast %add3A_911 : i32 to index
        %get3A_913 = arith.constant 0 : index
        %get3A_914 = tpu.vector_load %arg9[%get3A_912, %get3A_913] {strides = array<i32>} : memref<416x64xf32, #tpu.memory_space<vmem>>, vector<1x16xf32>,
        %get3A_915 = vector.shape_cast %get3A_914 : vector<1x16xf32> to vector<16xf32>
        %mul3A_916 = arith.mulf %get3A_915, %get3A_907 : vector<16xf32>
        %add3A_917 = arith.addf %add3A_865, %mul3A_916 : vector<16xf32>
        %mul3A_918 = arith.mulf %mul3A_916, %mul3A_916 : vector<16xf32>
        %add3A_919 = arith.addf %add3A_867, %mul3A_918 : vector<16xf32>
        %mul3A_920 = arith.constant 26 : i32
        %mul3A_921 = arith.muli %scan3A_103, %mul3A_920 : i32
        %add3A_922 = arith.constant 15 : i32
        %add3A_923 = arith.addi %mul3A_921, %add3A_922 : i32
        %get3A_924 = arith.index_cast %add3A_923 : i32 to index
        %get3A_925 = arith.constant 16 : index
        %get3A_926 = tpu.vector_load %arg9[%get3A_924, %get3A_925] {strides = array<i32>} : memref<416x64xf32, #tpu.memory_space<vmem>>, vector<1x16xf32>,
        %get3A_927 = vector.shape_cast %get3A_926 : vector<1x16xf32> to vector<16xf32>
        %mul3A_928 = arith.mulf %get3A_927, %get3A_907 : vector<16xf32>
        %add3A_929 = arith.addf %add3A_877, %mul3A_928 : vector<16xf32>
        %mul3A_930 = arith.mulf %mul3A_928, %mul3A_928 : vector<16xf32>
        %add3A_931 = arith.addf %add3A_879, %mul3A_930 : vector<16xf32>
        %mul3A_932 = arith.constant 26 : i32
        %mul3A_933 = arith.muli %scan3A_103, %mul3A_932 : i32
        %add3A_934 = arith.constant 15 : i32
        %add3A_935 = arith.addi %mul3A_933, %add3A_934 : i32
        %get3A_936 = arith.index_cast %add3A_935 : i32 to index
        %get3A_937 = arith.constant 32 : index
        %get3A_938 = tpu.vector_load %arg9[%get3A_936, %get3A_937] {strides = array<i32>} : memref<416x64xf32, #tpu.memory_space<vmem>>, vector<1x16xf32>,
        %get3A_939 = vector.shape_cast %get3A_938 : vector<1x16xf32> to vector<16xf32>
        %mul3A_940 = arith.mulf %get3A_939, %get3A_907 : vector<16xf32>
        %add3A_941 = arith.addf %add3A_889, %mul3A_940 : vector<16xf32>
        %mul3A_942 = arith.mulf %mul3A_940, %mul3A_940 : vector<16xf32>
        %add3A_943 = arith.addf %add3A_891, %mul3A_942 : vector<16xf32>
        %mul3A_944 = arith.constant 26 : i32
        %mul3A_945 = arith.muli %scan3A_103, %mul3A_944 : i32
        %add3A_946 = arith.constant 15 : i32
        %add3A_947 = arith.addi %mul3A_945, %add3A_946 : i32
        %get3A_948 = arith.index_cast %add3A_947 : i32 to index
        %get3A_949 = arith.constant 48 : index
        %get3A_950 = tpu.vector_load %arg9[%get3A_948, %get3A_949] {strides = array<i32>} : memref<416x64xf32, #tpu.memory_space<vmem>>, vector<1x16xf32>,
        %get3A_951 = vector.shape_cast %get3A_950 : vector<1x16xf32> to vector<16xf32>
        %mul3A_952 = arith.mulf %get3A_951, %get3A_907 : vector<16xf32>
        %add3A_953 = arith.addf %add3A_901, %mul3A_952 : vector<16xf32>
        %mul3A_954 = arith.mulf %mul3A_952, %mul3A_952 : vector<16xf32>
        %add3A_955 = arith.addf %add3A_903, %mul3A_954 : vector<16xf32>
        %get3A_956 = arith.index_cast %add3A_124 : i32 to index
        %get3A_957 = arith.constant 256 : index
        %get3A_958 = tpu.vector_load %arg8[%get3A_956, %get3A_957] {strides = array<i32>} : memref<128x512xf32, #tpu.memory_space<vmem>>, vector<1x16xf32>,
        %get3A_959 = vector.shape_cast %get3A_958 : vector<1x16xf32> to vector<16xf32>
        %mul3A_960 = arith.constant 26 : i32
        %mul3A_961 = arith.muli %scan3A_103, %mul3A_960 : i32
        %add3A_962 = arith.constant 16 : i32
        %add3A_963 = arith.addi %mul3A_961, %add3A_962 : i32
        %get3A_964 = arith.index_cast %add3A_963 : i32 to index
        %get3A_965 = arith.constant 0 : index
        %get3A_966 = tpu.vector_load %arg9[%get3A_964, %get3A_965] {strides = array<i32>} : memref<416x64xf32, #tpu.memory_space<vmem>>, vector<1x16xf32>,
        %get3A_967 = vector.shape_cast %get3A_966 : vector<1x16xf32> to vector<16xf32>
        %mul3A_968 = arith.mulf %get3A_967, %get3A_959 : vector<16xf32>
        %add3A_969 = arith.addf %add3A_917, %mul3A_968 : vector<16xf32>
        %mul3A_970 = arith.mulf %mul3A_968, %mul3A_968 : vector<16xf32>
        %add3A_971 = arith.addf %add3A_919, %mul3A_970 : vector<16xf32>
        %mul3A_972 = arith.constant 26 : i32
        %mul3A_973 = arith.muli %scan3A_103, %mul3A_972 : i32
        %add3A_974 = arith.constant 16 : i32
        %add3A_975 = arith.addi %mul3A_973, %add3A_974 : i32
        %get3A_976 = arith.index_cast %add3A_975 : i32 to index
        %get3A_977 = arith.constant 16 : index
        %get3A_978 = tpu.vector_load %arg9[%get3A_976, %get3A_977] {strides = array<i32>} : memref<416x64xf32, #tpu.memory_space<vmem>>, vector<1x16xf32>,
        %get3A_979 = vector.shape_cast %get3A_978 : vector<1x16xf32> to vector<16xf32>
        %mul3A_980 = arith.mulf %get3A_979, %get3A_959 : vector<16xf32>
        %add3A_981 = arith.addf %add3A_929, %mul3A_980 : vector<16xf32>
        %mul3A_982 = arith.mulf %mul3A_980, %mul3A_980 : vector<16xf32>
        %add3A_983 = arith.addf %add3A_931, %mul3A_982 : vector<16xf32>
        %mul3A_984 = arith.constant 26 : i32
        %mul3A_985 = arith.muli %scan3A_103, %mul3A_984 : i32
        %add3A_986 = arith.constant 16 : i32
        %add3A_987 = arith.addi %mul3A_985, %add3A_986 : i32
        %get3A_988 = arith.index_cast %add3A_987 : i32 to index
        %get3A_989 = arith.constant 32 : index
        %get3A_990 = tpu.vector_load %arg9[%get3A_988, %get3A_989] {strides = array<i32>} : memref<416x64xf32, #tpu.memory_space<vmem>>, vector<1x16xf32>,
        %get3A_991 = vector.shape_cast %get3A_990 : vector<1x16xf32> to vector<16xf32>
        %mul3A_992 = arith.mulf %get3A_991, %get3A_959 : vector<16xf32>
        %add3A_993 = arith.addf %add3A_941, %mul3A_992 : vector<16xf32>
        %mul3A_994 = arith.mulf %mul3A_992, %mul3A_992 : vector<16xf32>
        %add3A_995 = arith.addf %add3A_943, %mul3A_994 : vector<16xf32>
        %mul3A_996 = arith.constant 26 : i32
        %mul3A_997 = arith.muli %scan3A_103, %mul3A_996 : i32
        %add3A_998 = arith.constant 16 : i32
        %add3A_999 = arith.addi %mul3A_997, %add3A_998 : i32
        %get3A_1000 = arith.index_cast %add3A_999 : i32 to index
        %get3A_1001 = arith.constant 48 : index
        %get3A_1002 = tpu.vector_load %arg9[%get3A_1000, %get3A_1001] {strides = array<i32>} : memref<416x64xf32, #tpu.memory_space<vmem>>, vector<1x16xf32>,
        %get3A_1003 = vector.shape_cast %get3A_1002 : vector<1x16xf32> to vector<16xf32>
        %mul3A_1004 = arith.mulf %get3A_1003, %get3A_959 : vector<16xf32>
        %add3A_1005 = arith.addf %add3A_953, %mul3A_1004 : vector<16xf32>
        %mul3A_1006 = arith.mulf %mul3A_1004, %mul3A_1004 : vector<16xf32>
        %add3A_1007 = arith.addf %add3A_955, %mul3A_1006 : vector<16xf32>
        %get3A_1008 = arith.index_cast %add3A_124 : i32 to index
        %get3A_1009 = arith.constant 272 : index
        %get3A_1010 = tpu.vector_load %arg8[%get3A_1008, %get3A_1009] {strides = array<i32>} : memref<128x512xf32, #tpu.memory_space<vmem>>, vector<1x16xf32>,
        %get3A_1011 = vector.shape_cast %get3A_1010 : vector<1x16xf32> to vector<16xf32>
        %mul3A_1012 = arith.constant 26 : i32
        %mul3A_1013 = arith.muli %scan3A_103, %mul3A_1012 : i32
        %add3A_1014 = arith.constant 17 : i32
        %add3A_1015 = arith.addi %mul3A_1013, %add3A_1014 : i32
        %get3A_1016 = arith.index_cast %add3A_1015 : i32 to index
        %get3A_1017 = arith.constant 0 : index
        %get3A_1018 = tpu.vector_load %arg9[%get3A_1016, %get3A_1017] {strides = array<i32>} : memref<416x64xf32, #tpu.memory_space<vmem>>, vector<1x16xf32>,
        %get3A_1019 = vector.shape_cast %get3A_1018 : vector<1x16xf32> to vector<16xf32>
        %mul3A_1020 = arith.mulf %get3A_1019, %get3A_1011 : vector<16xf32>
        %add3A_1021 = arith.addf %add3A_969, %mul3A_1020 : vector<16xf32>
        %mul3A_1022 = arith.mulf %mul3A_1020, %mul3A_1020 : vector<16xf32>
        %add3A_1023 = arith.addf %add3A_971, %mul3A_1022 : vector<16xf32>
        %mul3A_1024 = arith.constant 26 : i32
        %mul3A_1025 = arith.muli %scan3A_103, %mul3A_1024 : i32
        %add3A_1026 = arith.constant 17 : i32
        %add3A_1027 = arith.addi %mul3A_1025, %add3A_1026 : i32
        %get3A_1028 = arith.index_cast %add3A_1027 : i32 to index
        %get3A_1029 = arith.constant 16 : index
        %get3A_1030 = tpu.vector_load %arg9[%get3A_1028, %get3A_1029] {strides = array<i32>} : memref<416x64xf32, #tpu.memory_space<vmem>>, vector<1x16xf32>,
        %get3A_1031 = vector.shape_cast %get3A_1030 : vector<1x16xf32> to vector<16xf32>
        %mul3A_1032 = arith.mulf %get3A_1031, %get3A_1011 : vector<16xf32>
        %add3A_1033 = arith.addf %add3A_981, %mul3A_1032 : vector<16xf32>
        %mul3A_1034 = arith.mulf %mul3A_1032, %mul3A_1032 : vector<16xf32>
        %add3A_1035 = arith.addf %add3A_983, %mul3A_1034 : vector<16xf32>
        %mul3A_1036 = arith.constant 26 : i32
        %mul3A_1037 = arith.muli %scan3A_103, %mul3A_1036 : i32
        %add3A_1038 = arith.constant 17 : i32
        %add3A_1039 = arith.addi %mul3A_1037, %add3A_1038 : i32
        %get3A_1040 = arith.index_cast %add3A_1039 : i32 to index
        %get3A_1041 = arith.constant 32 : index
        %get3A_1042 = tpu.vector_load %arg9[%get3A_1040, %get3A_1041] {strides = array<i32>} : memref<416x64xf32, #tpu.memory_space<vmem>>, vector<1x16xf32>,
        %get3A_1043 = vector.shape_cast %get3A_1042 : vector<1x16xf32> to vector<16xf32>
        %mul3A_1044 = arith.mulf %get3A_1043, %get3A_1011 : vector<16xf32>
        %add3A_1045 = arith.addf %add3A_993, %mul3A_1044 : vector<16xf32>
        %mul3A_1046 = arith.mulf %mul3A_1044, %mul3A_1044 : vector<16xf32>
        %add3A_1047 = arith.addf %add3A_995, %mul3A_1046 : vector<16xf32>
        %mul3A_1048 = arith.constant 26 : i32
        %mul3A_1049 = arith.muli %scan3A_103, %mul3A_1048 : i32
        %add3A_1050 = arith.constant 17 : i32
        %add3A_1051 = arith.addi %mul3A_1049, %add3A_1050 : i32
        %get3A_1052 = arith.index_cast %add3A_1051 : i32 to index
        %get3A_1053 = arith.constant 48 : index
        %get3A_1054 = tpu.vector_load %arg9[%get3A_1052, %get3A_1053] {strides = array<i32>} : memref<416x64xf32, #tpu.memory_space<vmem>>, vector<1x16xf32>,
        %get3A_1055 = vector.shape_cast %get3A_1054 : vector<1x16xf32> to vector<16xf32>
        %mul3A_1056 = arith.mulf %get3A_1055, %get3A_1011 : vector<16xf32>
        %add3A_1057 = arith.addf %add3A_1005, %mul3A_1056 : vector<16xf32>
        %mul3A_1058 = arith.mulf %mul3A_1056, %mul3A_1056 : vector<16xf32>
        %add3A_1059 = arith.addf %add3A_1007, %mul3A_1058 : vector<16xf32>
        %get3A_1060 = arith.index_cast %add3A_124 : i32 to index
        %get3A_1061 = arith.constant 288 : index
        %get3A_1062 = tpu.vector_load %arg8[%get3A_1060, %get3A_1061] {strides = array<i32>} : memref<128x512xf32, #tpu.memory_space<vmem>>, vector<1x16xf32>,
        %get3A_1063 = vector.shape_cast %get3A_1062 : vector<1x16xf32> to vector<16xf32>
        %mul3A_1064 = arith.constant 26 : i32
        %mul3A_1065 = arith.muli %scan3A_103, %mul3A_1064 : i32
        %add3A_1066 = arith.constant 18 : i32
        %add3A_1067 = arith.addi %mul3A_1065, %add3A_1066 : i32
        %get3A_1068 = arith.index_cast %add3A_1067 : i32 to index
        %get3A_1069 = arith.constant 0 : index
        %get3A_1070 = tpu.vector_load %arg9[%get3A_1068, %get3A_1069] {strides = array<i32>} : memref<416x64xf32, #tpu.memory_space<vmem>>, vector<1x16xf32>,
        %get3A_1071 = vector.shape_cast %get3A_1070 : vector<1x16xf32> to vector<16xf32>
        %mul3A_1072 = arith.mulf %get3A_1071, %get3A_1063 : vector<16xf32>
        %add3A_1073 = arith.addf %add3A_1021, %mul3A_1072 : vector<16xf32>
        %mul3A_1074 = arith.mulf %mul3A_1072, %mul3A_1072 : vector<16xf32>
        %add3A_1075 = arith.addf %add3A_1023, %mul3A_1074 : vector<16xf32>
        %mul3A_1076 = arith.constant 26 : i32
        %mul3A_1077 = arith.muli %scan3A_103, %mul3A_1076 : i32
        %add3A_1078 = arith.constant 18 : i32
        %add3A_1079 = arith.addi %mul3A_1077, %add3A_1078 : i32
        %get3A_1080 = arith.index_cast %add3A_1079 : i32 to index
        %get3A_1081 = arith.constant 16 : index
        %get3A_1082 = tpu.vector_load %arg9[%get3A_1080, %get3A_1081] {strides = array<i32>} : memref<416x64xf32, #tpu.memory_space<vmem>>, vector<1x16xf32>,
        %get3A_1083 = vector.shape_cast %get3A_1082 : vector<1x16xf32> to vector<16xf32>
        %mul3A_1084 = arith.mulf %get3A_1083, %get3A_1063 : vector<16xf32>
        %add3A_1085 = arith.addf %add3A_1033, %mul3A_1084 : vector<16xf32>
        %mul3A_1086 = arith.mulf %mul3A_1084, %mul3A_1084 : vector<16xf32>
        %add3A_1087 = arith.addf %add3A_1035, %mul3A_1086 : vector<16xf32>
        %mul3A_1088 = arith.constant 26 : i32
        %mul3A_1089 = arith.muli %scan3A_103, %mul3A_1088 : i32
        %add3A_1090 = arith.constant 18 : i32
        %add3A_1091 = arith.addi %mul3A_1089, %add3A_1090 : i32
        %get3A_1092 = arith.index_cast %add3A_1091 : i32 to index
        %get3A_1093 = arith.constant 32 : index
        %get3A_1094 = tpu.vector_load %arg9[%get3A_1092, %get3A_1093] {strides = array<i32>} : memref<416x64xf32, #tpu.memory_space<vmem>>, vector<1x16xf32>,
        %get3A_1095 = vector.shape_cast %get3A_1094 : vector<1x16xf32> to vector<16xf32>
        %mul3A_1096 = arith.mulf %get3A_1095, %get3A_1063 : vector<16xf32>
        %add3A_1097 = arith.addf %add3A_1045, %mul3A_1096 : vector<16xf32>
        %mul3A_1098 = arith.mulf %mul3A_1096, %mul3A_1096 : vector<16xf32>
        %add3A_1099 = arith.addf %add3A_1047, %mul3A_1098 : vector<16xf32>
        %mul3A_1100 = arith.constant 26 : i32
        %mul3A_1101 = arith.muli %scan3A_103, %mul3A_1100 : i32
        %add3A_1102 = arith.constant 18 : i32
        %add3A_1103 = arith.addi %mul3A_1101, %add3A_1102 : i32
        %get3A_1104 = arith.index_cast %add3A_1103 : i32 to index
        %get3A_1105 = arith.constant 48 : index
        %get3A_1106 = tpu.vector_load %arg9[%get3A_1104, %get3A_1105] {strides = array<i32>} : memref<416x64xf32, #tpu.memory_space<vmem>>, vector<1x16xf32>,
        %get3A_1107 = vector.shape_cast %get3A_1106 : vector<1x16xf32> to vector<16xf32>
        %mul3A_1108 = arith.mulf %get3A_1107, %get3A_1063 : vector<16xf32>
        %add3A_1109 = arith.addf %add3A_1057, %mul3A_1108 : vector<16xf32>
        %mul3A_1110 = arith.mulf %mul3A_1108, %mul3A_1108 : vector<16xf32>
        %add3A_1111 = arith.addf %add3A_1059, %mul3A_1110 : vector<16xf32>
        %get3A_1112 = arith.index_cast %add3A_124 : i32 to index
        %get3A_1113 = arith.constant 304 : index
        %get3A_1114 = tpu.vector_load %arg8[%get3A_1112, %get3A_1113] {strides = array<i32>} : memref<128x512xf32, #tpu.memory_space<vmem>>, vector<1x16xf32>,
        %get3A_1115 = vector.shape_cast %get3A_1114 : vector<1x16xf32> to vector<16xf32>
        %mul3A_1116 = arith.constant 26 : i32
        %mul3A_1117 = arith.muli %scan3A_103, %mul3A_1116 : i32
        %add3A_1118 = arith.constant 19 : i32
        %add3A_1119 = arith.addi %mul3A_1117, %add3A_1118 : i32
        %get3A_1120 = arith.index_cast %add3A_1119 : i32 to index
        %get3A_1121 = arith.constant 0 : index
        %get3A_1122 = tpu.vector_load %arg9[%get3A_1120, %get3A_1121] {strides = array<i32>} : memref<416x64xf32, #tpu.memory_space<vmem>>, vector<1x16xf32>,
        %get3A_1123 = vector.shape_cast %get3A_1122 : vector<1x16xf32> to vector<16xf32>
        %mul3A_1124 = arith.mulf %get3A_1123, %get3A_1115 : vector<16xf32>
        %add3A_1125 = arith.addf %add3A_1073, %mul3A_1124 : vector<16xf32>
        %mul3A_1126 = arith.mulf %mul3A_1124, %mul3A_1124 : vector<16xf32>
        %add3A_1127 = arith.addf %add3A_1075, %mul3A_1126 : vector<16xf32>
        %mul3A_1128 = arith.constant 26 : i32
        %mul3A_1129 = arith.muli %scan3A_103, %mul3A_1128 : i32
        %add3A_1130 = arith.constant 19 : i32
        %add3A_1131 = arith.addi %mul3A_1129, %add3A_1130 : i32
        %get3A_1132 = arith.index_cast %add3A_1131 : i32 to index
        %get3A_1133 = arith.constant 16 : index
        %get3A_1134 = tpu.vector_load %arg9[%get3A_1132, %get3A_1133] {strides = array<i32>} : memref<416x64xf32, #tpu.memory_space<vmem>>, vector<1x16xf32>,
        %get3A_1135 = vector.shape_cast %get3A_1134 : vector<1x16xf32> to vector<16xf32>
        %mul3A_1136 = arith.mulf %get3A_1135, %get3A_1115 : vector<16xf32>
        %add3A_1137 = arith.addf %add3A_1085, %mul3A_1136 : vector<16xf32>
        %mul3A_1138 = arith.mulf %mul3A_1136, %mul3A_1136 : vector<16xf32>
        %add3A_1139 = arith.addf %add3A_1087, %mul3A_1138 : vector<16xf32>
        %mul3A_1140 = arith.constant 26 : i32
        %mul3A_1141 = arith.muli %scan3A_103, %mul3A_1140 : i32
        %add3A_1142 = arith.constant 19 : i32
        %add3A_1143 = arith.addi %mul3A_1141, %add3A_1142 : i32
        %get3A_1144 = arith.index_cast %add3A_1143 : i32 to index
        %get3A_1145 = arith.constant 32 : index
        %get3A_1146 = tpu.vector_load %arg9[%get3A_1144, %get3A_1145] {strides = array<i32>} : memref<416x64xf32, #tpu.memory_space<vmem>>, vector<1x16xf32>,
        %get3A_1147 = vector.shape_cast %get3A_1146 : vector<1x16xf32> to vector<16xf32>
        %mul3A_1148 = arith.mulf %get3A_1147, %get3A_1115 : vector<16xf32>
        %add3A_1149 = arith.addf %add3A_1097, %mul3A_1148 : vector<16xf32>
        %mul3A_1150 = arith.mulf %mul3A_1148, %mul3A_1148 : vector<16xf32>
        %add3A_1151 = arith.addf %add3A_1099, %mul3A_1150 : vector<16xf32>
        %mul3A_1152 = arith.constant 26 : i32
        %mul3A_1153 = arith.muli %scan3A_103, %mul3A_1152 : i32
        %add3A_1154 = arith.constant 19 : i32
        %add3A_1155 = arith.addi %mul3A_1153, %add3A_1154 : i32
        %get3A_1156 = arith.index_cast %add3A_1155 : i32 to index
        %get3A_1157 = arith.constant 48 : index
        %get3A_1158 = tpu.vector_load %arg9[%get3A_1156, %get3A_1157] {strides = array<i32>} : memref<416x64xf32, #tpu.memory_space<vmem>>, vector<1x16xf32>,
        %get3A_1159 = vector.shape_cast %get3A_1158 : vector<1x16xf32> to vector<16xf32>
        %mul3A_1160 = arith.mulf %get3A_1159, %get3A_1115 : vector<16xf32>
        %add3A_1161 = arith.addf %add3A_1109, %mul3A_1160 : vector<16xf32>
        %mul3A_1162 = arith.mulf %mul3A_1160, %mul3A_1160 : vector<16xf32>
        %add3A_1163 = arith.addf %add3A_1111, %mul3A_1162 : vector<16xf32>
        %get3A_1164 = arith.index_cast %add3A_124 : i32 to index
        %get3A_1165 = arith.constant 320 : index
        %get3A_1166 = tpu.vector_load %arg8[%get3A_1164, %get3A_1165] {strides = array<i32>} : memref<128x512xf32, #tpu.memory_space<vmem>>, vector<1x16xf32>,
        %get3A_1167 = vector.shape_cast %get3A_1166 : vector<1x16xf32> to vector<16xf32>
        %mul3A_1168 = arith.constant 26 : i32
        %mul3A_1169 = arith.muli %scan3A_103, %mul3A_1168 : i32
        %add3A_1170 = arith.constant 20 : i32
        %add3A_1171 = arith.addi %mul3A_1169, %add3A_1170 : i32
        %get3A_1172 = arith.index_cast %add3A_1171 : i32 to index
        %get3A_1173 = arith.constant 0 : index
        %get3A_1174 = tpu.vector_load %arg9[%get3A_1172, %get3A_1173] {strides = array<i32>} : memref<416x64xf32, #tpu.memory_space<vmem>>, vector<1x16xf32>,
        %get3A_1175 = vector.shape_cast %get3A_1174 : vector<1x16xf32> to vector<16xf32>
        %mul3A_1176 = arith.mulf %get3A_1175, %get3A_1167 : vector<16xf32>
        %add3A_1177 = arith.addf %add3A_1125, %mul3A_1176 : vector<16xf32>
        %mul3A_1178 = arith.mulf %mul3A_1176, %mul3A_1176 : vector<16xf32>
        %add3A_1179 = arith.addf %add3A_1127, %mul3A_1178 : vector<16xf32>
        %mul3A_1180 = arith.constant 26 : i32
        %mul3A_1181 = arith.muli %scan3A_103, %mul3A_1180 : i32
        %add3A_1182 = arith.constant 20 : i32
        %add3A_1183 = arith.addi %mul3A_1181, %add3A_1182 : i32
        %get3A_1184 = arith.index_cast %add3A_1183 : i32 to index
        %get3A_1185 = arith.constant 16 : index
        %get3A_1186 = tpu.vector_load %arg9[%get3A_1184, %get3A_1185] {strides = array<i32>} : memref<416x64xf32, #tpu.memory_space<vmem>>, vector<1x16xf32>,
        %get3A_1187 = vector.shape_cast %get3A_1186 : vector<1x16xf32> to vector<16xf32>
        %mul3A_1188 = arith.mulf %get3A_1187, %get3A_1167 : vector<16xf32>
        %add3A_1189 = arith.addf %add3A_1137, %mul3A_1188 : vector<16xf32>
        %mul3A_1190 = arith.mulf %mul3A_1188, %mul3A_1188 : vector<16xf32>
        %add3A_1191 = arith.addf %add3A_1139, %mul3A_1190 : vector<16xf32>
        %mul3A_1192 = arith.constant 26 : i32
        %mul3A_1193 = arith.muli %scan3A_103, %mul3A_1192 : i32
        %add3A_1194 = arith.constant 20 : i32
        %add3A_1195 = arith.addi %mul3A_1193, %add3A_1194 : i32
        %get3A_1196 = arith.index_cast %add3A_1195 : i32 to index
        %get3A_1197 = arith.constant 32 : index
        %get3A_1198 = tpu.vector_load %arg9[%get3A_1196, %get3A_1197] {strides = array<i32>} : memref<416x64xf32, #tpu.memory_space<vmem>>, vector<1x16xf32>,
        %get3A_1199 = vector.shape_cast %get3A_1198 : vector<1x16xf32> to vector<16xf32>
        %mul3A_1200 = arith.mulf %get3A_1199, %get3A_1167 : vector<16xf32>
        %add3A_1201 = arith.addf %add3A_1149, %mul3A_1200 : vector<16xf32>
        %mul3A_1202 = arith.mulf %mul3A_1200, %mul3A_1200 : vector<16xf32>
        %add3A_1203 = arith.addf %add3A_1151, %mul3A_1202 : vector<16xf32>
        %mul3A_1204 = arith.constant 26 : i32
        %mul3A_1205 = arith.muli %scan3A_103, %mul3A_1204 : i32
        %add3A_1206 = arith.constant 20 : i32
        %add3A_1207 = arith.addi %mul3A_1205, %add3A_1206 : i32
        %get3A_1208 = arith.index_cast %add3A_1207 : i32 to index
        %get3A_1209 = arith.constant 48 : index
        %get3A_1210 = tpu.vector_load %arg9[%get3A_1208, %get3A_1209] {strides = array<i32>} : memref<416x64xf32, #tpu.memory_space<vmem>>, vector<1x16xf32>,
        %get3A_1211 = vector.shape_cast %get3A_1210 : vector<1x16xf32> to vector<16xf32>
        %mul3A_1212 = arith.mulf %get3A_1211, %get3A_1167 : vector<16xf32>
        %add3A_1213 = arith.addf %add3A_1161, %mul3A_1212 : vector<16xf32>
        %mul3A_1214 = arith.mulf %mul3A_1212, %mul3A_1212 : vector<16xf32>
        %add3A_1215 = arith.addf %add3A_1163, %mul3A_1214 : vector<16xf32>
        %get3A_1216 = arith.index_cast %add3A_124 : i32 to index
        %get3A_1217 = arith.constant 336 : index
        %get3A_1218 = tpu.vector_load %arg8[%get3A_1216, %get3A_1217] {strides = array<i32>} : memref<128x512xf32, #tpu.memory_space<vmem>>, vector<1x16xf32>,
        %get3A_1219 = vector.shape_cast %get3A_1218 : vector<1x16xf32> to vector<16xf32>
        %mul3A_1220 = arith.constant 26 : i32
        %mul3A_1221 = arith.muli %scan3A_103, %mul3A_1220 : i32
        %add3A_1222 = arith.constant 21 : i32
        %add3A_1223 = arith.addi %mul3A_1221, %add3A_1222 : i32
        %get3A_1224 = arith.index_cast %add3A_1223 : i32 to index
        %get3A_1225 = arith.constant 0 : index
        %get3A_1226 = tpu.vector_load %arg9[%get3A_1224, %get3A_1225] {strides = array<i32>} : memref<416x64xf32, #tpu.memory_space<vmem>>, vector<1x16xf32>,
        %get3A_1227 = vector.shape_cast %get3A_1226 : vector<1x16xf32> to vector<16xf32>
        %mul3A_1228 = arith.mulf %get3A_1227, %get3A_1219 : vector<16xf32>
        %add3A_1229 = arith.addf %add3A_1177, %mul3A_1228 : vector<16xf32>
        %mul3A_1230 = arith.mulf %mul3A_1228, %mul3A_1228 : vector<16xf32>
        %add3A_1231 = arith.addf %add3A_1179, %mul3A_1230 : vector<16xf32>
        %mul3A_1232 = arith.constant 26 : i32
        %mul3A_1233 = arith.muli %scan3A_103, %mul3A_1232 : i32
        %add3A_1234 = arith.constant 21 : i32
        %add3A_1235 = arith.addi %mul3A_1233, %add3A_1234 : i32
        %get3A_1236 = arith.index_cast %add3A_1235 : i32 to index
        %get3A_1237 = arith.constant 16 : index
        %get3A_1238 = tpu.vector_load %arg9[%get3A_1236, %get3A_1237] {strides = array<i32>} : memref<416x64xf32, #tpu.memory_space<vmem>>, vector<1x16xf32>,
        %get3A_1239 = vector.shape_cast %get3A_1238 : vector<1x16xf32> to vector<16xf32>
        %mul3A_1240 = arith.mulf %get3A_1239, %get3A_1219 : vector<16xf32>
        %add3A_1241 = arith.addf %add3A_1189, %mul3A_1240 : vector<16xf32>
        %mul3A_1242 = arith.mulf %mul3A_1240, %mul3A_1240 : vector<16xf32>
        %add3A_1243 = arith.addf %add3A_1191, %mul3A_1242 : vector<16xf32>
        %mul3A_1244 = arith.constant 26 : i32
        %mul3A_1245 = arith.muli %scan3A_103, %mul3A_1244 : i32
        %add3A_1246 = arith.constant 21 : i32
        %add3A_1247 = arith.addi %mul3A_1245, %add3A_1246 : i32
        %get3A_1248 = arith.index_cast %add3A_1247 : i32 to index
        %get3A_1249 = arith.constant 32 : index
        %get3A_1250 = tpu.vector_load %arg9[%get3A_1248, %get3A_1249] {strides = array<i32>} : memref<416x64xf32, #tpu.memory_space<vmem>>, vector<1x16xf32>,
        %get3A_1251 = vector.shape_cast %get3A_1250 : vector<1x16xf32> to vector<16xf32>
        %mul3A_1252 = arith.mulf %get3A_1251, %get3A_1219 : vector<16xf32>
        %add3A_1253 = arith.addf %add3A_1201, %mul3A_1252 : vector<16xf32>
        %mul3A_1254 = arith.mulf %mul3A_1252, %mul3A_1252 : vector<16xf32>
        %add3A_1255 = arith.addf %add3A_1203, %mul3A_1254 : vector<16xf32>
        %mul3A_1256 = arith.constant 26 : i32
        %mul3A_1257 = arith.muli %scan3A_103, %mul3A_1256 : i32
        %add3A_1258 = arith.constant 21 : i32
        %add3A_1259 = arith.addi %mul3A_1257, %add3A_1258 : i32
        %get3A_1260 = arith.index_cast %add3A_1259 : i32 to index
        %get3A_1261 = arith.constant 48 : index
        %get3A_1262 = tpu.vector_load %arg9[%get3A_1260, %get3A_1261] {strides = array<i32>} : memref<416x64xf32, #tpu.memory_space<vmem>>, vector<1x16xf32>,
        %get3A_1263 = vector.shape_cast %get3A_1262 : vector<1x16xf32> to vector<16xf32>
        %mul3A_1264 = arith.mulf %get3A_1263, %get3A_1219 : vector<16xf32>
        %add3A_1265 = arith.addf %add3A_1213, %mul3A_1264 : vector<16xf32>
        %mul3A_1266 = arith.mulf %mul3A_1264, %mul3A_1264 : vector<16xf32>
        %add3A_1267 = arith.addf %add3A_1215, %mul3A_1266 : vector<16xf32>
        %get3A_1268 = arith.index_cast %add3A_124 : i32 to index
        %get3A_1269 = arith.constant 352 : index
        %get3A_1270 = tpu.vector_load %arg8[%get3A_1268, %get3A_1269] {strides = array<i32>} : memref<128x512xf32, #tpu.memory_space<vmem>>, vector<1x16xf32>,
        %get3A_1271 = vector.shape_cast %get3A_1270 : vector<1x16xf32> to vector<16xf32>
        %mul3A_1272 = arith.constant 26 : i32
        %mul3A_1273 = arith.muli %scan3A_103, %mul3A_1272 : i32
        %add3A_1274 = arith.constant 22 : i32
        %add3A_1275 = arith.addi %mul3A_1273, %add3A_1274 : i32
        %get3A_1276 = arith.index_cast %add3A_1275 : i32 to index
        %get3A_1277 = arith.constant 0 : index
        %get3A_1278 = tpu.vector_load %arg9[%get3A_1276, %get3A_1277] {strides = array<i32>} : memref<416x64xf32, #tpu.memory_space<vmem>>, vector<1x16xf32>,
        %get3A_1279 = vector.shape_cast %get3A_1278 : vector<1x16xf32> to vector<16xf32>
        %mul3A_1280 = arith.mulf %get3A_1279, %get3A_1271 : vector<16xf32>
        %add3A_1281 = arith.addf %add3A_1229, %mul3A_1280 : vector<16xf32>
        %mul3A_1282 = arith.mulf %mul3A_1280, %mul3A_1280 : vector<16xf32>
        %add3A_1283 = arith.addf %add3A_1231, %mul3A_1282 : vector<16xf32>
        %mul3A_1284 = arith.constant 26 : i32
        %mul3A_1285 = arith.muli %scan3A_103, %mul3A_1284 : i32
        %add3A_1286 = arith.constant 22 : i32
        %add3A_1287 = arith.addi %mul3A_1285, %add3A_1286 : i32
        %get3A_1288 = arith.index_cast %add3A_1287 : i32 to index
        %get3A_1289 = arith.constant 16 : index
        %get3A_1290 = tpu.vector_load %arg9[%get3A_1288, %get3A_1289] {strides = array<i32>} : memref<416x64xf32, #tpu.memory_space<vmem>>, vector<1x16xf32>,
        %get3A_1291 = vector.shape_cast %get3A_1290 : vector<1x16xf32> to vector<16xf32>
        %mul3A_1292 = arith.mulf %get3A_1291, %get3A_1271 : vector<16xf32>
        %add3A_1293 = arith.addf %add3A_1241, %mul3A_1292 : vector<16xf32>
        %mul3A_1294 = arith.mulf %mul3A_1292, %mul3A_1292 : vector<16xf32>
        %add3A_1295 = arith.addf %add3A_1243, %mul3A_1294 : vector<16xf32>
        %mul3A_1296 = arith.constant 26 : i32
        %mul3A_1297 = arith.muli %scan3A_103, %mul3A_1296 : i32
        %add3A_1298 = arith.constant 22 : i32
        %add3A_1299 = arith.addi %mul3A_1297, %add3A_1298 : i32
        %get3A_1300 = arith.index_cast %add3A_1299 : i32 to index
        %get3A_1301 = arith.constant 32 : index
        %get3A_1302 = tpu.vector_load %arg9[%get3A_1300, %get3A_1301] {strides = array<i32>} : memref<416x64xf32, #tpu.memory_space<vmem>>, vector<1x16xf32>,
        %get3A_1303 = vector.shape_cast %get3A_1302 : vector<1x16xf32> to vector<16xf32>
        %mul3A_1304 = arith.mulf %get3A_1303, %get3A_1271 : vector<16xf32>
        %add3A_1305 = arith.addf %add3A_1253, %mul3A_1304 : vector<16xf32>
        %mul3A_1306 = arith.mulf %mul3A_1304, %mul3A_1304 : vector<16xf32>
        %add3A_1307 = arith.addf %add3A_1255, %mul3A_1306 : vector<16xf32>
        %mul3A_1308 = arith.constant 26 : i32
        %mul3A_1309 = arith.muli %scan3A_103, %mul3A_1308 : i32
        %add3A_1310 = arith.constant 22 : i32
        %add3A_1311 = arith.addi %mul3A_1309, %add3A_1310 : i32
        %get3A_1312 = arith.index_cast %add3A_1311 : i32 to index
        %get3A_1313 = arith.constant 48 : index
        %get3A_1314 = tpu.vector_load %arg9[%get3A_1312, %get3A_1313] {strides = array<i32>} : memref<416x64xf32, #tpu.memory_space<vmem>>, vector<1x16xf32>,
        %get3A_1315 = vector.shape_cast %get3A_1314 : vector<1x16xf32> to vector<16xf32>
        %mul3A_1316 = arith.mulf %get3A_1315, %get3A_1271 : vector<16xf32>
        %add3A_1317 = arith.addf %add3A_1265, %mul3A_1316 : vector<16xf32>
        %mul3A_1318 = arith.mulf %mul3A_1316, %mul3A_1316 : vector<16xf32>
        %add3A_1319 = arith.addf %add3A_1267, %mul3A_1318 : vector<16xf32>
        %get3A_1320 = arith.index_cast %add3A_124 : i32 to index
        %get3A_1321 = arith.constant 368 : index
        %get3A_1322 = tpu.vector_load %arg8[%get3A_1320, %get3A_1321] {strides = array<i32>} : memref<128x512xf32, #tpu.memory_space<vmem>>, vector<1x16xf32>,
        %get3A_1323 = vector.shape_cast %get3A_1322 : vector<1x16xf32> to vector<16xf32>
        %mul3A_1324 = arith.constant 26 : i32
        %mul3A_1325 = arith.muli %scan3A_103, %mul3A_1324 : i32
        %add3A_1326 = arith.constant 23 : i32
        %add3A_1327 = arith.addi %mul3A_1325, %add3A_1326 : i32
        %get3A_1328 = arith.index_cast %add3A_1327 : i32 to index
        %get3A_1329 = arith.constant 0 : index
        %get3A_1330 = tpu.vector_load %arg9[%get3A_1328, %get3A_1329] {strides = array<i32>} : memref<416x64xf32, #tpu.memory_space<vmem>>, vector<1x16xf32>,
        %get3A_1331 = vector.shape_cast %get3A_1330 : vector<1x16xf32> to vector<16xf32>
        %mul3A_1332 = arith.mulf %get3A_1331, %get3A_1323 : vector<16xf32>
        %add3A_1333 = arith.addf %add3A_1281, %mul3A_1332 : vector<16xf32>
        %mul3A_1334 = arith.mulf %mul3A_1332, %mul3A_1332 : vector<16xf32>
        %add3A_1335 = arith.addf %add3A_1283, %mul3A_1334 : vector<16xf32>
        %mul3A_1336 = arith.constant 26 : i32
        %mul3A_1337 = arith.muli %scan3A_103, %mul3A_1336 : i32
        %add3A_1338 = arith.constant 23 : i32
        %add3A_1339 = arith.addi %mul3A_1337, %add3A_1338 : i32
        %get3A_1340 = arith.index_cast %add3A_1339 : i32 to index
        %get3A_1341 = arith.constant 16 : index
        %get3A_1342 = tpu.vector_load %arg9[%get3A_1340, %get3A_1341] {strides = array<i32>} : memref<416x64xf32, #tpu.memory_space<vmem>>, vector<1x16xf32>,
        %get3A_1343 = vector.shape_cast %get3A_1342 : vector<1x16xf32> to vector<16xf32>
        %mul3A_1344 = arith.mulf %get3A_1343, %get3A_1323 : vector<16xf32>
        %add3A_1345 = arith.addf %add3A_1293, %mul3A_1344 : vector<16xf32>
        %mul3A_1346 = arith.mulf %mul3A_1344, %mul3A_1344 : vector<16xf32>
        %add3A_1347 = arith.addf %add3A_1295, %mul3A_1346 : vector<16xf32>
        %mul3A_1348 = arith.constant 26 : i32
        %mul3A_1349 = arith.muli %scan3A_103, %mul3A_1348 : i32
        %add3A_1350 = arith.constant 23 : i32
        %add3A_1351 = arith.addi %mul3A_1349, %add3A_1350 : i32
        %get3A_1352 = arith.index_cast %add3A_1351 : i32 to index
        %get3A_1353 = arith.constant 32 : index
        %get3A_1354 = tpu.vector_load %arg9[%get3A_1352, %get3A_1353] {strides = array<i32>} : memref<416x64xf32, #tpu.memory_space<vmem>>, vector<1x16xf32>,
        %get3A_1355 = vector.shape_cast %get3A_1354 : vector<1x16xf32> to vector<16xf32>
        %mul3A_1356 = arith.mulf %get3A_1355, %get3A_1323 : vector<16xf32>
        %add3A_1357 = arith.addf %add3A_1305, %mul3A_1356 : vector<16xf32>
        %mul3A_1358 = arith.mulf %mul3A_1356, %mul3A_1356 : vector<16xf32>
        %add3A_1359 = arith.addf %add3A_1307, %mul3A_1358 : vector<16xf32>
        %mul3A_1360 = arith.constant 26 : i32
        %mul3A_1361 = arith.muli %scan3A_103, %mul3A_1360 : i32
        %add3A_1362 = arith.constant 23 : i32
        %add3A_1363 = arith.addi %mul3A_1361, %add3A_1362 : i32
        %get3A_1364 = arith.index_cast %add3A_1363 : i32 to index
        %get3A_1365 = arith.constant 48 : index
        %get3A_1366 = tpu.vector_load %arg9[%get3A_1364, %get3A_1365] {strides = array<i32>} : memref<416x64xf32, #tpu.memory_space<vmem>>, vector<1x16xf32>,
        %get3A_1367 = vector.shape_cast %get3A_1366 : vector<1x16xf32> to vector<16xf32>
        %mul3A_1368 = arith.mulf %get3A_1367, %get3A_1323 : vector<16xf32>
        %add3A_1369 = arith.addf %add3A_1317, %mul3A_1368 : vector<16xf32>
        %mul3A_1370 = arith.mulf %mul3A_1368, %mul3A_1368 : vector<16xf32>
        %add3A_1371 = arith.addf %add3A_1319, %mul3A_1370 : vector<16xf32>
        %get3A_1372 = arith.index_cast %add3A_124 : i32 to index
        %get3A_1373 = arith.constant 384 : index
        %get3A_1374 = tpu.vector_load %arg8[%get3A_1372, %get3A_1373] {strides = array<i32>} : memref<128x512xf32, #tpu.memory_space<vmem>>, vector<1x16xf32>,
        %get3A_1375 = vector.shape_cast %get3A_1374 : vector<1x16xf32> to vector<16xf32>
        %mul3A_1376 = arith.constant 26 : i32
        %mul3A_1377 = arith.muli %scan3A_103, %mul3A_1376 : i32
        %add3A_1378 = arith.constant 24 : i32
        %add3A_1379 = arith.addi %mul3A_1377, %add3A_1378 : i32
        %get3A_1380 = arith.index_cast %add3A_1379 : i32 to index
        %get3A_1381 = arith.constant 0 : index
        %get3A_1382 = tpu.vector_load %arg9[%get3A_1380, %get3A_1381] {strides = array<i32>} : memref<416x64xf32, #tpu.memory_space<vmem>>, vector<1x16xf32>,
        %get3A_1383 = vector.shape_cast %get3A_1382 : vector<1x16xf32> to vector<16xf32>
        %mul3A_1384 = arith.mulf %get3A_1383, %get3A_1375 : vector<16xf32>
        %add3A_1385 = arith.addf %add3A_1333, %mul3A_1384 : vector<16xf32>
        %mul3A_1386 = arith.mulf %mul3A_1384, %mul3A_1384 : vector<16xf32>
        %add3A_1387 = arith.addf %add3A_1335, %mul3A_1386 : vector<16xf32>
        %mul3A_1388 = arith.constant 26 : i32
        %mul3A_1389 = arith.muli %scan3A_103, %mul3A_1388 : i32
        %add3A_1390 = arith.constant 24 : i32
        %add3A_1391 = arith.addi %mul3A_1389, %add3A_1390 : i32
        %get3A_1392 = arith.index_cast %add3A_1391 : i32 to index
        %get3A_1393 = arith.constant 16 : index
        %get3A_1394 = tpu.vector_load %arg9[%get3A_1392, %get3A_1393] {strides = array<i32>} : memref<416x64xf32, #tpu.memory_space<vmem>>, vector<1x16xf32>,
        %get3A_1395 = vector.shape_cast %get3A_1394 : vector<1x16xf32> to vector<16xf32>
        %mul3A_1396 = arith.mulf %get3A_1395, %get3A_1375 : vector<16xf32>
        %add3A_1397 = arith.addf %add3A_1345, %mul3A_1396 : vector<16xf32>
        %mul3A_1398 = arith.mulf %mul3A_1396, %mul3A_1396 : vector<16xf32>
        %add3A_1399 = arith.addf %add3A_1347, %mul3A_1398 : vector<16xf32>
        %mul3A_1400 = arith.constant 26 : i32
        %mul3A_1401 = arith.muli %scan3A_103, %mul3A_1400 : i32
        %add3A_1402 = arith.constant 24 : i32
        %add3A_1403 = arith.addi %mul3A_1401, %add3A_1402 : i32
        %get3A_1404 = arith.index_cast %add3A_1403 : i32 to index
        %get3A_1405 = arith.constant 32 : index
        %get3A_1406 = tpu.vector_load %arg9[%get3A_1404, %get3A_1405] {strides = array<i32>} : memref<416x64xf32, #tpu.memory_space<vmem>>, vector<1x16xf32>,
        %get3A_1407 = vector.shape_cast %get3A_1406 : vector<1x16xf32> to vector<16xf32>
        %mul3A_1408 = arith.mulf %get3A_1407, %get3A_1375 : vector<16xf32>
        %add3A_1409 = arith.addf %add3A_1357, %mul3A_1408 : vector<16xf32>
        %mul3A_1410 = arith.mulf %mul3A_1408, %mul3A_1408 : vector<16xf32>
        %add3A_1411 = arith.addf %add3A_1359, %mul3A_1410 : vector<16xf32>
        %mul3A_1412 = arith.constant 26 : i32
        %mul3A_1413 = arith.muli %scan3A_103, %mul3A_1412 : i32
        %add3A_1414 = arith.constant 24 : i32
        %add3A_1415 = arith.addi %mul3A_1413, %add3A_1414 : i32
        %get3A_1416 = arith.index_cast %add3A_1415 : i32 to index
        %get3A_1417 = arith.constant 48 : index
        %get3A_1418 = tpu.vector_load %arg9[%get3A_1416, %get3A_1417] {strides = array<i32>} : memref<416x64xf32, #tpu.memory_space<vmem>>, vector<1x16xf32>,
        %get3A_1419 = vector.shape_cast %get3A_1418 : vector<1x16xf32> to vector<16xf32>
        %mul3A_1420 = arith.mulf %get3A_1419, %get3A_1375 : vector<16xf32>
        %add3A_1421 = arith.addf %add3A_1369, %mul3A_1420 : vector<16xf32>
        %mul3A_1422 = arith.mulf %mul3A_1420, %mul3A_1420 : vector<16xf32>
        %add3A_1423 = arith.addf %add3A_1371, %mul3A_1422 : vector<16xf32>
        %get3A_1424 = arith.index_cast %add3A_124 : i32 to index
        %get3A_1425 = arith.constant 400 : index
        %get3A_1426 = tpu.vector_load %arg8[%get3A_1424, %get3A_1425] {strides = array<i32>} : memref<128x512xf32, #tpu.memory_space<vmem>>, vector<1x16xf32>,
        %get3A_1427 = vector.shape_cast %get3A_1426 : vector<1x16xf32> to vector<16xf32>
        %mul3A_1428 = arith.constant 26 : i32
        %mul3A_1429 = arith.muli %scan3A_103, %mul3A_1428 : i32
        %add3A_1430 = arith.constant 25 : i32
        %add3A_1431 = arith.addi %mul3A_1429, %add3A_1430 : i32
        %get3A_1432 = arith.index_cast %add3A_1431 : i32 to index
        %get3A_1433 = arith.constant 0 : index
        %get3A_1434 = tpu.vector_load %arg9[%get3A_1432, %get3A_1433] {strides = array<i32>} : memref<416x64xf32, #tpu.memory_space<vmem>>, vector<1x16xf32>,
        %get3A_1435 = vector.shape_cast %get3A_1434 : vector<1x16xf32> to vector<16xf32>
        %mul3A_1436 = arith.mulf %get3A_1435, %get3A_1427 : vector<16xf32>
        %add3A_1437 = arith.addf %add3A_1385, %mul3A_1436 : vector<16xf32>
        %mul3A_1438 = arith.mulf %mul3A_1436, %mul3A_1436 : vector<16xf32>
        %add3A_1439 = arith.addf %add3A_1387, %mul3A_1438 : vector<16xf32>
        %mul3A_1440 = arith.constant 26 : i32
        %mul3A_1441 = arith.muli %scan3A_103, %mul3A_1440 : i32
        %add3A_1442 = arith.constant 25 : i32
        %add3A_1443 = arith.addi %mul3A_1441, %add3A_1442 : i32
        %get3A_1444 = arith.index_cast %add3A_1443 : i32 to index
        %get3A_1445 = arith.constant 16 : index
        %get3A_1446 = tpu.vector_load %arg9[%get3A_1444, %get3A_1445] {strides = array<i32>} : memref<416x64xf32, #tpu.memory_space<vmem>>, vector<1x16xf32>,
        %get3A_1447 = vector.shape_cast %get3A_1446 : vector<1x16xf32> to vector<16xf32>
        %mul3A_1448 = arith.mulf %get3A_1447, %get3A_1427 : vector<16xf32>
        %add3A_1449 = arith.addf %add3A_1397, %mul3A_1448 : vector<16xf32>
        %mul3A_1450 = arith.mulf %mul3A_1448, %mul3A_1448 : vector<16xf32>
        %add3A_1451 = arith.addf %add3A_1399, %mul3A_1450 : vector<16xf32>
        %mul3A_1452 = arith.constant 26 : i32
        %mul3A_1453 = arith.muli %scan3A_103, %mul3A_1452 : i32
        %add3A_1454 = arith.constant 25 : i32
        %add3A_1455 = arith.addi %mul3A_1453, %add3A_1454 : i32
        %get3A_1456 = arith.index_cast %add3A_1455 : i32 to index
        %get3A_1457 = arith.constant 32 : index
        %get3A_1458 = tpu.vector_load %arg9[%get3A_1456, %get3A_1457] {strides = array<i32>} : memref<416x64xf32, #tpu.memory_space<vmem>>, vector<1x16xf32>,
        %get3A_1459 = vector.shape_cast %get3A_1458 : vector<1x16xf32> to vector<16xf32>
        %mul3A_1460 = arith.mulf %get3A_1459, %get3A_1427 : vector<16xf32>
        %add3A_1461 = arith.addf %add3A_1409, %mul3A_1460 : vector<16xf32>
        %mul3A_1462 = arith.mulf %mul3A_1460, %mul3A_1460 : vector<16xf32>
        %add3A_1463 = arith.addf %add3A_1411, %mul3A_1462 : vector<16xf32>
        %mul3A_1464 = arith.constant 26 : i32
        %mul3A_1465 = arith.muli %scan3A_103, %mul3A_1464 : i32
        %add3A_1466 = arith.constant 25 : i32
        %add3A_1467 = arith.addi %mul3A_1465, %add3A_1466 : i32
        %get3A_1468 = arith.index_cast %add3A_1467 : i32 to index
        %get3A_1469 = arith.constant 48 : index
        %get3A_1470 = tpu.vector_load %arg9[%get3A_1468, %get3A_1469] {strides = array<i32>} : memref<416x64xf32, #tpu.memory_space<vmem>>, vector<1x16xf32>,
        %get3A_1471 = vector.shape_cast %get3A_1470 : vector<1x16xf32> to vector<16xf32>
        %mul3A_1472 = arith.mulf %get3A_1471, %get3A_1427 : vector<16xf32>
        %add3A_1473 = arith.addf %add3A_1421, %mul3A_1472 : vector<16xf32>
        %mul3A_1474 = arith.mulf %mul3A_1472, %mul3A_1472 : vector<16xf32>
        %add3A_1475 = arith.addf %add3A_1423, %mul3A_1474 : vector<16xf32>
        %swap3A = arith.index_cast %add3A_106 : i32 to index
        %swap3A_1476 = arith.constant 0 : index
        %swap3A_1477 = tpu.vector_load %arg10[%swap3A, %swap3A_1476] {strides = array<i32>} : memref<128x64xf32, #tpu.memory_space<vmem>>, vector<1x16xf32>,
        %swap3A_1478 = vector.shape_cast %swap3A_1477 : vector<1x16xf32> to vector<16xf32>
        %swap3A_1479 = vector.shape_cast %add3A_1437 : vector<16xf32> to vector<1x16xf32>
        tpu.vector_store %arg10[%swap3A, %swap3A_1476], %swap3A_1479 {strides = array<i32>} : memref<128x64xf32, #tpu.memory_space<vmem>>, vector<1x16xf32>,
        %swap3A_1480 = arith.index_cast %add3A_106 : i32 to index
        %swap3A_1481 = arith.constant 0 : index
        %swap3A_1482 = tpu.vector_load %arg11[%swap3A_1480, %swap3A_1481] {strides = array<i32>} : memref<128x64xf32, #tpu.memory_space<vmem>>, vector<1x16xf32>,
        %swap3A_1483 = vector.shape_cast %swap3A_1482 : vector<1x16xf32> to vector<16xf32>
        %swap3A_1484 = vector.shape_cast %add3A_1439 : vector<16xf32> to vector<1x16xf32>
        tpu.vector_store %arg11[%swap3A_1480, %swap3A_1481], %swap3A_1484 {strides = array<i32>} : memref<128x64xf32, #tpu.memory_space<vmem>>, vector<1x16xf32>,
        %swap3A_1485 = arith.index_cast %add3A_106 : i32 to index
        %swap3A_1486 = arith.constant 16 : index
        %swap3A_1487 = tpu.vector_load %arg10[%swap3A_1485, %swap3A_1486] {strides = array<i32>} : memref<128x64xf32, #tpu.memory_space<vmem>>, vector<1x16xf32>,
        %swap3A_1488 = vector.shape_cast %swap3A_1487 : vector<1x16xf32> to vector<16xf32>
        %swap3A_1489 = vector.shape_cast %add3A_1449 : vector<16xf32> to vector<1x16xf32>
        tpu.vector_store %arg10[%swap3A_1485, %swap3A_1486], %swap3A_1489 {strides = array<i32>} : memref<128x64xf32, #tpu.memory_space<vmem>>, vector<1x16xf32>,
        %swap3A_1490 = arith.index_cast %add3A_106 : i32 to index
        %swap3A_1491 = arith.constant 16 : index
        %swap3A_1492 = tpu.vector_load %arg11[%swap3A_1490, %swap3A_1491] {strides = array<i32>} : memref<128x64xf32, #tpu.memory_space<vmem>>, vector<1x16xf32>,
        %swap3A_1493 = vector.shape_cast %swap3A_1492 : vector<1x16xf32> to vector<16xf32>
        %swap3A_1494 = vector.shape_cast %add3A_1451 : vector<16xf32> to vector<1x16xf32>
        tpu.vector_store %arg11[%swap3A_1490, %swap3A_1491], %swap3A_1494 {strides = array<i32>} : memref<128x64xf32, #tpu.memory_space<vmem>>, vector<1x16xf32>,
        %swap3A_1495 = arith.index_cast %add3A_106 : i32 to index
        %swap3A_1496 = arith.constant 32 : index
        %swap3A_1497 = tpu.vector_load %arg10[%swap3A_1495, %swap3A_1496] {strides = array<i32>} : memref<128x64xf32, #tpu.memory_space<vmem>>, vector<1x16xf32>,
        %swap3A_1498 = vector.shape_cast %swap3A_1497 : vector<1x16xf32> to vector<16xf32>
        %swap3A_1499 = vector.shape_cast %add3A_1461 : vector<16xf32> to vector<1x16xf32>
        tpu.vector_store %arg10[%swap3A_1495, %swap3A_1496], %swap3A_1499 {strides = array<i32>} : memref<128x64xf32, #tpu.memory_space<vmem>>, vector<1x16xf32>,
        %swap3A_1500 = arith.index_cast %add3A_106 : i32 to index
        %swap3A_1501 = arith.constant 32 : index
        %swap3A_1502 = tpu.vector_load %arg11[%swap3A_1500, %swap3A_1501] {strides = array<i32>} : memref<128x64xf32, #tpu.memory_space<vmem>>, vector<1x16xf32>,
        %swap3A_1503 = vector.shape_cast %swap3A_1502 : vector<1x16xf32> to vector<16xf32>
        %swap3A_1504 = vector.shape_cast %add3A_1463 : vector<16xf32> to vector<1x16xf32>
        tpu.vector_store %arg11[%swap3A_1500, %swap3A_1501], %swap3A_1504 {strides = array<i32>} : memref<128x64xf32, #tpu.memory_space<vmem>>, vector<1x16xf32>,
        %swap3A_1505 = arith.index_cast %add3A_106 : i32 to index
        %swap3A_1506 = arith.constant 48 : index
        %swap3A_1507 = tpu.vector_load %arg10[%swap3A_1505, %swap3A_1506] {strides = array<i32>} : memref<128x64xf32, #tpu.memory_space<vmem>>, vector<1x16xf32>,
        %swap3A_1508 = vector.shape_cast %swap3A_1507 : vector<1x16xf32> to vector<16xf32>
        %swap3A_1509 = vector.shape_cast %add3A_1473 : vector<16xf32> to vector<1x16xf32>
        tpu.vector_store %arg10[%swap3A_1505, %swap3A_1506], %swap3A_1509 {strides = array<i32>} : memref<128x64xf32, #tpu.memory_space<vmem>>, vector<1x16xf32>,
        %swap3A_1510 = arith.index_cast %add3A_106 : i32 to index
        %swap3A_1511 = arith.constant 48 : index
        %swap3A_1512 = tpu.vector_load %arg11[%swap3A_1510, %swap3A_1511] {strides = array<i32>} : memref<128x64xf32, #tpu.memory_space<vmem>>, vector<1x16xf32>,
        %swap3A_1513 = vector.shape_cast %swap3A_1512 : vector<1x16xf32> to vector<16xf32>
        %swap3A_1514 = vector.shape_cast %add3A_1475 : vector<16xf32> to vector<1x16xf32>
        tpu.vector_store %arg11[%swap3A_1510, %swap3A_1511], %swap3A_1514 {strides = array<i32>} : memref<128x64xf32, #tpu.memory_space<vmem>>, vector<1x16xf32>,
      }
      %scan3A_102 = arith.constant 16 : i32
    }
    %scan3A_9 = arith.constant 8 : i32
    "tpu.region"() ({
      %run_scoped3A = tpu.sem_alloc : memref<!tpu.dma_semaphore, #tpu.memory_space<semaphore_mem>>
      %dma_start3A = arith.constant 0 : i32
      %dma_start3A_10 = tpu.memref_slice %arg5[%mul3A_2, %dma_start3A] : memref<4096x64xf32, #tpu.memory_space<hbm>> -> memref<128x64xf32, #tpu.memory_space<hbm>>
      %dma_start3A_11 = arith.constant 0 : i32
      %dma_start3A_12 = tpu.memref_slice %arg5[%mul3A_2, %dma_start3A_11] : memref<4096x64xf32, #tpu.memory_space<hbm>> -> memref<128x64xf32, #tpu.memory_space<hbm>>
      tpu.enqueue_dma source(%arg10 : memref<128x64xf32, #tpu.memory_space<vmem>>) target(%dma_start3A_12 : memref<128x64xf32, #tpu.memory_space<hbm>>) target_semaphore(%run_scoped3A : memref<!tpu.dma_semaphore, #tpu.memory_space<semaphore_mem>>)
      %dma_wait3A = arith.constant 0 : i32
      %dma_wait3A_13 = tpu.memref_slice %arg5[%mul3A_2, %dma_wait3A] : memref<4096x64xf32, #tpu.memory_space<hbm>> -> memref<128x64xf32, #tpu.memory_space<hbm>>
      %dma_wait3A_14 = arith.constant 0 : i32
      %dma_wait3A_15 = tpu.memref_slice %arg5[%mul3A_2, %dma_wait3A_14] : memref<4096x64xf32, #tpu.memory_space<hbm>> -> memref<128x64xf32, #tpu.memory_space<hbm>>
      tpu.wait_dma2 semaphore(%run_scoped3A : memref<!tpu.dma_semaphore, #tpu.memory_space<semaphore_mem>>) src(%arg10 : memref<128x64xf32, #tpu.memory_space<vmem>>) dst(%dma_wait3A_15 : memref<128x64xf32, #tpu.memory_space<hbm>>)
      tpu.yield
    }) : () -> ()
    "tpu.region"() ({
      %run_scoped3A = tpu.sem_alloc : memref<!tpu.dma_semaphore, #tpu.memory_space<semaphore_mem>>
      %dma_start3A = arith.constant 0 : i32
      %dma_start3A_10 = tpu.memref_slice %arg6[%mul3A_2, %dma_start3A] : memref<4096x64xf32, #tpu.memory_space<hbm>> -> memref<128x64xf32, #tpu.memory_space<hbm>>
      %dma_start3A_11 = arith.constant 0 : i32
      %dma_start3A_12 = tpu.memref_slice %arg6[%mul3A_2, %dma_start3A_11] : memref<4096x64xf32, #tpu.memory_space<hbm>> -> memref<128x64xf32, #tpu.memory_space<hbm>>
      tpu.enqueue_dma source(%arg11 : memref<128x64xf32, #tpu.memory_space<vmem>>) target(%dma_start3A_12 : memref<128x64xf32, #tpu.memory_space<hbm>>) target_semaphore(%run_scoped3A : memref<!tpu.dma_semaphore, #tpu.memory_space<semaphore_mem>>)
      %dma_wait3A = arith.constant 0 : i32
      %dma_wait3A_13 = tpu.memref_slice %arg6[%mul3A_2, %dma_wait3A] : memref<4096x64xf32, #tpu.memory_space<hbm>> -> memref<128x64xf32, #tpu.memory_space<hbm>>
      %dma_wait3A_14 = arith.constant 0 : i32
      %dma_wait3A_15 = tpu.memref_slice %arg6[%mul3A_2, %dma_wait3A_14] : memref<4096x64xf32, #tpu.memory_space<hbm>> -> memref<128x64xf32, #tpu.memory_space<hbm>>
      tpu.wait_dma2 semaphore(%run_scoped3A : memref<!tpu.dma_semaphore, #tpu.memory_space<semaphore_mem>>) src(%arg11 : memref<128x64xf32, #tpu.memory_space<vmem>>) dst(%dma_wait3A_15 : memref<128x64xf32, #tpu.memory_space<hbm>>)
      tpu.yield
    }) : () -> ()
    return
  }
}

module attributes {stable_mosaic.version = 14 : i64} {
  func.func @_tc_body(%arg0: memref<4096x64xf32, #tpu.memory_space<vmem>>, %arg1: memref<4096x64xf32, #tpu.memory_space<vmem>>, %arg2: memref<4096x26xf32, #tpu.memory_space<vmem>>, %arg3: memref<4096x26xf32, #tpu.memory_space<vmem>>, %arg4: memref<512x64xf32, #tpu.memory_space<vmem>>, %arg5: memref<512xf32, #tpu.memory_space<vmem>>, %arg6: memref<512xf32, #tpu.memory_space<vmem>>, %arg7: memref<512xf32, #tpu.memory_space<vmem>>, %arg8: memref<256x512xf32, #tpu.memory_space<vmem>>, %arg9: memref<256xf32, #tpu.memory_space<vmem>>, %arg10: memref<256xf32, #tpu.memory_space<vmem>>, %arg11: memref<256xf32, #tpu.memory_space<vmem>>, %arg12: memref<128x256xf32, #tpu.memory_space<vmem>>, %arg13: memref<128xf32, #tpu.memory_space<vmem>>, %arg14: memref<128xf32, #tpu.memory_space<vmem>>, %arg15: memref<128xf32, #tpu.memory_space<vmem>>, %arg16: memref<1x128xf32, #tpu.memory_space<vmem>>, %arg17: memref<1xf32, #tpu.memory_space<vmem>>, %arg18: memref<4096xf32, #tpu.memory_space<vmem>>) attributes {dimension_semantics = [], scalar_prefetch = 0 : i64, scratch_operands = 0 : i64, tpu.core_type = #tpu.core_type<tc>} {
    %get3A = arith.constant 0 : index
    %get3A_0 = arith.constant 0 : index
    %get3A_1 = vector.load %arg0[%get3A, %get3A_0] : memref<4096x64xf32, #tpu.memory_space<vmem>>, vector<4096x64xf32>
    %mul3A = arith.mulf %get3A_1, %get3A_1 : vector<4096x64xf32>
    %get3A_2 = arith.constant 0 : index
    %get3A_3 = arith.constant 0 : index
    %get3A_4 = vector.load %arg1[%get3A_2, %get3A_3] : memref<4096x64xf32, #tpu.memory_space<vmem>>, vector<4096x64xf32>
    %sub3A = arith.subf %mul3A, %get3A_4 : vector<4096x64xf32>
    %reduce_sum3A = arith.constant dense<0.000000e+00> : vector<4096xf32>
    %reduce_sum3A_5 = vector.multi_reduction <add>, %sub3A, %reduce_sum3A [1] : vector<4096x64xf32> to vector<4096xf32>
    %mul3A_6 = arith.constant 5.000000e-01 : f32
    %mul3A_7 = vector.broadcast %mul3A_6 : f32 to vector<4096xf32>
    %mul3A_8 = arith.mulf %mul3A_7, %reduce_sum3A_5 : vector<4096xf32>
    %get3A_9 = arith.constant 0 : index
    %get3A_10 = arith.constant 0 : index
    %get3A_11 = vector.load %arg2[%get3A_9, %get3A_10] : memref<4096x26xf32, #tpu.memory_space<vmem>>, vector<4096x26xf32>
    %get3A_12 = arith.constant 0 : index
    %get3A_13 = arith.constant 0 : index
    %get3A_14 = vector.load %arg3[%get3A_12, %get3A_13] : memref<4096x26xf32, #tpu.memory_space<vmem>>, vector<4096x26xf32>
    %mul3A_15 = arith.mulf %get3A_11, %get3A_14 : vector<4096x26xf32>
    %reduce_sum3A_16 = arith.constant dense<0.000000e+00> : vector<4096xf32>
    %reduce_sum3A_17 = vector.multi_reduction <add>, %mul3A_15, %reduce_sum3A_16 [1] : vector<4096x26xf32> to vector<4096xf32>
    %get3A_18 = arith.constant 0 : index
    %get3A_19 = arith.constant 0 : index
    %get3A_20 = vector.load %arg4[%get3A_18, %get3A_19] : memref<512x64xf32, #tpu.memory_space<vmem>>, vector<512x64xf32>
    %dot_general3A = arith.constant dense<0.000000e+00> : vector<4096x512xf32>
    %dot_general3A_21 = tpu.matmul %get3A_1, %get3A_20, %dot_general3A {dimension_numbers = #tpu.dot_dimension_numbers<[1], [1], [0], [0], [0, 0, 1, 0], [], []>, transpose_lhs_hint = false} : vector<4096x64xf32>, vector<512x64xf32>, vector<4096x512xf32> -> vector<4096x512xf32>
    %get3A_22 = arith.constant 0 : index
    %get3A_23 = vector.load %arg5[%get3A_22] : memref<512xf32, #tpu.memory_space<vmem>>, vector<512xf32>
    %broadcast_in_dim3A = vector.shape_cast %get3A_23 : vector<512xf32> to vector<1x512xf32>
    %add3A = vector.broadcast %broadcast_in_dim3A : vector<1x512xf32> to vector<4096x512xf32>
    %add3A_24 = arith.addf %dot_general3A_21, %add3A : vector<4096x512xf32>
    %max3A = arith.constant 0.000000e+00 : f32
    %max3A_25 = vector.broadcast %max3A : f32 to vector<4096x512xf32>
    %max3A_26 = arith.maximumf %add3A_24, %max3A_25 : vector<4096x512xf32>
    %reduce_sum3A_27 = arith.constant dense<0.000000e+00> : vector<512xf32>
    %reduce_sum3A_28 = vector.multi_reduction <add>, %max3A_26, %reduce_sum3A_27 [0] : vector<4096x512xf32> to vector<512xf32>
    %broadcast_in_dim3A_29 = vector.shape_cast %reduce_sum3A_28 : vector<512xf32> to vector<1x512xf32>
    %div3A = arith.constant 4.096000e+03 : f32
    %div3A_30 = vector.broadcast %div3A : f32 to vector<1x512xf32>
    %div3A_31 = arith.divf %broadcast_in_dim3A_29, %div3A_30 : vector<1x512xf32>
    %sub3A_32 = vector.broadcast %div3A_31 : vector<1x512xf32> to vector<4096x512xf32>
    %sub3A_33 = arith.subf %max3A_26, %sub3A_32 : vector<4096x512xf32>
    %integer_pow3A = arith.mulf %sub3A_33, %sub3A_33 : vector<4096x512xf32>
    %reduce_sum3A_34 = arith.constant dense<0.000000e+00> : vector<512xf32>
    %reduce_sum3A_35 = vector.multi_reduction <add>, %integer_pow3A, %reduce_sum3A_34 [0] : vector<4096x512xf32> to vector<512xf32>
    %broadcast_in_dim3A_36 = vector.shape_cast %reduce_sum3A_35 : vector<512xf32> to vector<1x512xf32>
    %div3A_37 = arith.constant 4.096000e+03 : f32
    %div3A_38 = vector.broadcast %div3A_37 : f32 to vector<1x512xf32>
    %div3A_39 = arith.divf %broadcast_in_dim3A_36, %div3A_38 : vector<1x512xf32>
    %get3A_40 = arith.constant 0 : index
    %get3A_41 = vector.load %arg6[%get3A_40] : memref<512xf32, #tpu.memory_space<vmem>>, vector<512xf32>
    %sub3A_42 = vector.broadcast %div3A_31 : vector<1x512xf32> to vector<4096x512xf32>
    %sub3A_43 = arith.subf %max3A_26, %sub3A_42 : vector<4096x512xf32>
    %broadcast_in_dim3A_44 = vector.shape_cast %get3A_41 : vector<512xf32> to vector<1x512xf32>
    %mul3A_45 = vector.broadcast %broadcast_in_dim3A_44 : vector<1x512xf32> to vector<4096x512xf32>
    %mul3A_46 = arith.mulf %mul3A_45, %sub3A_43 : vector<4096x512xf32>
    %add3A_47 = arith.constant 9.99999974E-6 : f32
    %add3A_48 = vector.broadcast %add3A_47 : f32 to vector<1x512xf32>
    %add3A_49 = arith.addf %div3A_39, %add3A_48 : vector<1x512xf32>
    %rsqrt3A = math.rsqrt %add3A_49 : vector<1x512xf32>
    %mul3A_50 = vector.broadcast %rsqrt3A : vector<1x512xf32> to vector<4096x512xf32>
    %mul3A_51 = arith.mulf %mul3A_46, %mul3A_50 : vector<4096x512xf32>
    %get3A_52 = arith.constant 0 : index
    %get3A_53 = vector.load %arg7[%get3A_52] : memref<512xf32, #tpu.memory_space<vmem>>, vector<512xf32>
    %broadcast_in_dim3A_54 = vector.shape_cast %get3A_53 : vector<512xf32> to vector<1x512xf32>
    %add3A_55 = vector.broadcast %broadcast_in_dim3A_54 : vector<1x512xf32> to vector<4096x512xf32>
    %add3A_56 = arith.addf %mul3A_51, %add3A_55 : vector<4096x512xf32>
    %get3A_57 = arith.constant 0 : index
    %get3A_58 = arith.constant 0 : index
    %get3A_59 = vector.load %arg8[%get3A_57, %get3A_58] : memref<256x512xf32, #tpu.memory_space<vmem>>, vector<256x512xf32>
    %dot_general3A_60 = arith.constant dense<0.000000e+00> : vector<4096x256xf32>
    %dot_general3A_61 = tpu.matmul %add3A_56, %get3A_59, %dot_general3A_60 {dimension_numbers = #tpu.dot_dimension_numbers<[1], [1], [0], [0], [0, 0, 1, 0], [], []>, transpose_lhs_hint = false} : vector<4096x512xf32>, vector<256x512xf32>, vector<4096x256xf32> -> vector<4096x256xf32>
    %get3A_62 = arith.constant 0 : index
    %get3A_63 = vector.load %arg9[%get3A_62] : memref<256xf32, #tpu.memory_space<vmem>>, vector<256xf32>
    %broadcast_in_dim3A_64 = vector.shape_cast %get3A_63 : vector<256xf32> to vector<1x256xf32>
    %add3A_65 = vector.broadcast %broadcast_in_dim3A_64 : vector<1x256xf32> to vector<4096x256xf32>
    %add3A_66 = arith.addf %dot_general3A_61, %add3A_65 : vector<4096x256xf32>
    %max3A_67 = arith.constant 0.000000e+00 : f32
    %max3A_68 = vector.broadcast %max3A_67 : f32 to vector<4096x256xf32>
    %max3A_69 = arith.maximumf %add3A_66, %max3A_68 : vector<4096x256xf32>
    %reduce_sum3A_70 = arith.constant dense<0.000000e+00> : vector<256xf32>
    %reduce_sum3A_71 = vector.multi_reduction <add>, %max3A_69, %reduce_sum3A_70 [0] : vector<4096x256xf32> to vector<256xf32>
    %broadcast_in_dim3A_72 = vector.shape_cast %reduce_sum3A_71 : vector<256xf32> to vector<1x256xf32>
    %div3A_73 = arith.constant 4.096000e+03 : f32
    %div3A_74 = vector.broadcast %div3A_73 : f32 to vector<1x256xf32>
    %div3A_75 = arith.divf %broadcast_in_dim3A_72, %div3A_74 : vector<1x256xf32>
    %sub3A_76 = vector.broadcast %div3A_75 : vector<1x256xf32> to vector<4096x256xf32>
    %sub3A_77 = arith.subf %max3A_69, %sub3A_76 : vector<4096x256xf32>
    %integer_pow3A_78 = arith.mulf %sub3A_77, %sub3A_77 : vector<4096x256xf32>
    %reduce_sum3A_79 = arith.constant dense<0.000000e+00> : vector<256xf32>
    %reduce_sum3A_80 = vector.multi_reduction <add>, %integer_pow3A_78, %reduce_sum3A_79 [0] : vector<4096x256xf32> to vector<256xf32>
    %broadcast_in_dim3A_81 = vector.shape_cast %reduce_sum3A_80 : vector<256xf32> to vector<1x256xf32>
    %div3A_82 = arith.constant 4.096000e+03 : f32
    %div3A_83 = vector.broadcast %div3A_82 : f32 to vector<1x256xf32>
    %div3A_84 = arith.divf %broadcast_in_dim3A_81, %div3A_83 : vector<1x256xf32>
    %get3A_85 = arith.constant 0 : index
    %get3A_86 = vector.load %arg10[%get3A_85] : memref<256xf32, #tpu.memory_space<vmem>>, vector<256xf32>
    %sub3A_87 = vector.broadcast %div3A_75 : vector<1x256xf32> to vector<4096x256xf32>
    %sub3A_88 = arith.subf %max3A_69, %sub3A_87 : vector<4096x256xf32>
    %broadcast_in_dim3A_89 = vector.shape_cast %get3A_86 : vector<256xf32> to vector<1x256xf32>
    %mul3A_90 = vector.broadcast %broadcast_in_dim3A_89 : vector<1x256xf32> to vector<4096x256xf32>
    %mul3A_91 = arith.mulf %mul3A_90, %sub3A_88 : vector<4096x256xf32>
    %add3A_92 = arith.constant 9.99999974E-6 : f32
    %add3A_93 = vector.broadcast %add3A_92 : f32 to vector<1x256xf32>
    %add3A_94 = arith.addf %div3A_84, %add3A_93 : vector<1x256xf32>
    %rsqrt3A_95 = math.rsqrt %add3A_94 : vector<1x256xf32>
    %mul3A_96 = vector.broadcast %rsqrt3A_95 : vector<1x256xf32> to vector<4096x256xf32>
    %mul3A_97 = arith.mulf %mul3A_91, %mul3A_96 : vector<4096x256xf32>
    %get3A_98 = arith.constant 0 : index
    %get3A_99 = vector.load %arg11[%get3A_98] : memref<256xf32, #tpu.memory_space<vmem>>, vector<256xf32>
    %broadcast_in_dim3A_100 = vector.shape_cast %get3A_99 : vector<256xf32> to vector<1x256xf32>
    %add3A_101 = vector.broadcast %broadcast_in_dim3A_100 : vector<1x256xf32> to vector<4096x256xf32>
    %add3A_102 = arith.addf %mul3A_97, %add3A_101 : vector<4096x256xf32>
    %get3A_103 = arith.constant 0 : index
    %get3A_104 = arith.constant 0 : index
    %get3A_105 = vector.load %arg12[%get3A_103, %get3A_104] : memref<128x256xf32, #tpu.memory_space<vmem>>, vector<128x256xf32>
    %dot_general3A_106 = arith.constant dense<0.000000e+00> : vector<4096x128xf32>
    %dot_general3A_107 = tpu.matmul %add3A_102, %get3A_105, %dot_general3A_106 {dimension_numbers = #tpu.dot_dimension_numbers<[1], [1], [0], [0], [0, 0, 1, 0], [], []>, transpose_lhs_hint = false} : vector<4096x256xf32>, vector<128x256xf32>, vector<4096x128xf32> -> vector<4096x128xf32>
    %get3A_108 = arith.constant 0 : index
    %get3A_109 = vector.load %arg13[%get3A_108] : memref<128xf32, #tpu.memory_space<vmem>>, vector<128xf32>
    %broadcast_in_dim3A_110 = vector.shape_cast %get3A_109 : vector<128xf32> to vector<1x128xf32>
    %add3A_111 = vector.broadcast %broadcast_in_dim3A_110 : vector<1x128xf32> to vector<4096x128xf32>
    %add3A_112 = arith.addf %dot_general3A_107, %add3A_111 : vector<4096x128xf32>
    %max3A_113 = arith.constant 0.000000e+00 : f32
    %max3A_114 = vector.broadcast %max3A_113 : f32 to vector<4096x128xf32>
    %max3A_115 = arith.maximumf %add3A_112, %max3A_114 : vector<4096x128xf32>
    %reduce_sum3A_116 = arith.constant dense<0.000000e+00> : vector<128xf32>
    %reduce_sum3A_117 = vector.multi_reduction <add>, %max3A_115, %reduce_sum3A_116 [0] : vector<4096x128xf32> to vector<128xf32>
    %broadcast_in_dim3A_118 = vector.shape_cast %reduce_sum3A_117 : vector<128xf32> to vector<1x128xf32>
    %div3A_119 = arith.constant 4.096000e+03 : f32
    %div3A_120 = vector.broadcast %div3A_119 : f32 to vector<1x128xf32>
    %div3A_121 = arith.divf %broadcast_in_dim3A_118, %div3A_120 : vector<1x128xf32>
    %sub3A_122 = vector.broadcast %div3A_121 : vector<1x128xf32> to vector<4096x128xf32>
    %sub3A_123 = arith.subf %max3A_115, %sub3A_122 : vector<4096x128xf32>
    %integer_pow3A_124 = arith.mulf %sub3A_123, %sub3A_123 : vector<4096x128xf32>
    %reduce_sum3A_125 = arith.constant dense<0.000000e+00> : vector<128xf32>
    %reduce_sum3A_126 = vector.multi_reduction <add>, %integer_pow3A_124, %reduce_sum3A_125 [0] : vector<4096x128xf32> to vector<128xf32>
    %broadcast_in_dim3A_127 = vector.shape_cast %reduce_sum3A_126 : vector<128xf32> to vector<1x128xf32>
    %div3A_128 = arith.constant 4.096000e+03 : f32
    %div3A_129 = vector.broadcast %div3A_128 : f32 to vector<1x128xf32>
    %div3A_130 = arith.divf %broadcast_in_dim3A_127, %div3A_129 : vector<1x128xf32>
    %get3A_131 = arith.constant 0 : index
    %get3A_132 = vector.load %arg14[%get3A_131] : memref<128xf32, #tpu.memory_space<vmem>>, vector<128xf32>
    %sub3A_133 = vector.broadcast %div3A_121 : vector<1x128xf32> to vector<4096x128xf32>
    %sub3A_134 = arith.subf %max3A_115, %sub3A_133 : vector<4096x128xf32>
    %broadcast_in_dim3A_135 = vector.shape_cast %get3A_132 : vector<128xf32> to vector<1x128xf32>
    %mul3A_136 = vector.broadcast %broadcast_in_dim3A_135 : vector<1x128xf32> to vector<4096x128xf32>
    %mul3A_137 = arith.mulf %mul3A_136, %sub3A_134 : vector<4096x128xf32>
    %add3A_138 = arith.constant 9.99999974E-6 : f32
    %add3A_139 = vector.broadcast %add3A_138 : f32 to vector<1x128xf32>
    %add3A_140 = arith.addf %div3A_130, %add3A_139 : vector<1x128xf32>
    %rsqrt3A_141 = math.rsqrt %add3A_140 : vector<1x128xf32>
    %mul3A_142 = vector.broadcast %rsqrt3A_141 : vector<1x128xf32> to vector<4096x128xf32>
    %mul3A_143 = arith.mulf %mul3A_137, %mul3A_142 : vector<4096x128xf32>
    %get3A_144 = arith.constant 0 : index
    %get3A_145 = vector.load %arg15[%get3A_144] : memref<128xf32, #tpu.memory_space<vmem>>, vector<128xf32>
    %broadcast_in_dim3A_146 = vector.shape_cast %get3A_145 : vector<128xf32> to vector<1x128xf32>
    %add3A_147 = vector.broadcast %broadcast_in_dim3A_146 : vector<1x128xf32> to vector<4096x128xf32>
    %add3A_148 = arith.addf %mul3A_143, %add3A_147 : vector<4096x128xf32>
    %get3A_149 = arith.constant 0 : index
    %get3A_150 = arith.constant 0 : index
    %get3A_151 = vector.load %arg16[%get3A_149, %get3A_150] : memref<1x128xf32, #tpu.memory_space<vmem>>, vector<1x128xf32>
    %dot_general3A_152 = arith.constant dense<0.000000e+00> : vector<4096x1xf32>
    %dot_general3A_153 = tpu.matmul %add3A_148, %get3A_151, %dot_general3A_152 {dimension_numbers = #tpu.dot_dimension_numbers<[1], [1], [0], [0], [0, 0, 1, 0], [], []>, transpose_lhs_hint = false} : vector<4096x128xf32>, vector<1x128xf32>, vector<4096x1xf32> -> vector<4096x1xf32>
    %squeeze3A = vector.shape_cast %dot_general3A_153 : vector<4096x1xf32> to vector<4096xf32>
    %add3A_154 = arith.addf %reduce_sum3A_17, %mul3A_8 : vector<4096xf32>
    %add3A_155 = arith.addf %add3A_154, %squeeze3A : vector<4096xf32>
    %get3A_156 = arith.constant 0 : index
    %get3A_157 = vector.load %arg17[%get3A_156] : memref<1xf32, #tpu.memory_space<vmem>>, vector<1xf32>
    %get3A_158 = vector.extract %get3A_157[0] : f32 from vector<1xf32>
    %add3A_159 = vector.broadcast %get3A_158 : f32 to vector<4096xf32>
    %add3A_160 = arith.addf %add3A_155, %add3A_159 : vector<4096xf32>
    %neg3A = arith.constant 0.000000e+00 : f32
    %neg3A_161 = vector.broadcast %neg3A : f32 to vector<4096xf32>
    %neg3A_162 = arith.subf %neg3A_161, %add3A_160 : vector<4096xf32>
    %exp3A = math.exp %neg3A_162 : vector<4096xf32>
    %add3A_163 = arith.constant 1.000000e+00 : f32
    %add3A_164 = vector.broadcast %add3A_163 : f32 to vector<4096xf32>
    %add3A_165 = arith.addf %add3A_164, %exp3A : vector<4096xf32>
    %div3A_166 = arith.constant 1.000000e+00 : f32
    %div3A_167 = vector.broadcast %div3A_166 : f32 to vector<4096xf32>
    %div3A_168 = arith.divf %div3A_167, %add3A_165 : vector<4096xf32>
    %swap3A = arith.constant 0 : index
    %swap3A_169 = vector.load %arg18[%swap3A] : memref<4096xf32, #tpu.memory_space<vmem>>, vector<4096xf32>
    tpu.vector_store %arg18[%swap3A], %div3A_168 {strides = array<i32>} : memref<4096xf32, #tpu.memory_space<vmem>>, vector<4096xf32>,
    return
  }
}

</mosaic_0001>

<sc_bundles>
// kernel: kernel.5.cloned.1.call-start
scs
__scs_entry_jumppad:
0x0: {  	(pc) =	sbr.rel $0x88, $3  }
0x1: {  	(tag) =	ssettag $0x0;
	lr =	simm.s32 $0x1  }
0x2: {  	[smem:$0x3F8F] =	sst lr;
	_ =	strace $0xD0000000  }
0x3: {  	_ = 	snop  }
0x4: {  	_ = 	snop  }
0x5: {  	_ = 	snop  }
0x6: {  	_ = 	snop  }
0x7: {  	_ = 	snop  }
__scs_overlays_trampoline_lowered:
0x8: {  	[smem:$0x3F9E] =	sst s0  }
0x9: {  	[smem:$0x3F9F] =	sst s1  }
0xa: {  	[smem:$0x3FA0] =	sst s2  }
0xb: {  	[smem:$0x3FA1] =	sst s3  }
0xc: {  	[smem:$0x3FA2] =	sst s4  }
0xd: {  	[smem:$0x3FA3] =	sst s5  }
0xe: {  	[smem:$0x3FA4] =	sst s6  }
0xf: {  	[smem:$0x3FA5] =	sst s7  }
0x10: {  	[smem:$0x3FA6] =	sst s8  }
0x11: {  	[smem:$0x3FA7] =	sst s9;
	s0 =	simm.s32 @!p0 $0x0  }
0x12: {  	s1 =	sld [smem:$0x3F8D];
	s0 =	simm.s32 @p0 $0x1  }
0x13: {  	[smem:$0x3FA8] =	sst s0;
	s0 =	simm.s32 @!p1 $0x0  }
0x14: {  	s2 =	sld [smem:$0x3F8C];
	s0 =	simm.s32 @p1 $0x1  }
0x15: {  	[smem:$0x3FA9] =	sst s0;
	s0 =	simm.s32 @!p2 $0x0  }
0x16: {  	s3 =	sld [smem:$0x3FDB];
	s0 =	simm.s32 @p2 $0x1  }
0x17: {  	s4 =	simm.s32 $0x1BF5;
	[smem:$0x3FAB] =	sst s0  }
0x18: {  	s0 =	sld [smem:$0x3F8E];
	_ =	swait.ge [sflag:s4], $0x0  }
0x19: {  	s7 =	sld [smem:$0x3F8F]  }
0x1a: {  	s8 =	sadd.s32 $0xFFFFE003, lr  }
0x1b: {  	s9 =	sadd.s32 $0xFFFFFEF7, lr;
	s5 =	simm.s32 $0xFFFFFFFF;
	p2 =	slt.u32 s8, $0xFFFFF086  }
0x1c: {  	p1 =	slt.u32 s9, $0xF7A;
	s5 =	simm.s32 @!p2 $0x0  }
0x1d: {  	s5 =	simm.s32 @p1 $0x1;
	p0 =	seq.s32 s7, s2  }
0x1e: {  	s7 =	smul.u32 @!p0 $0xF7A, s2;
	p2 =	seq.s32 @!p0 s5, $0x0  }
0x1f: {  	s9 =	smul.u32 $0xF7A, s1;
	s8 =	simm.s32 @!p0 $0x1BF5;
	p2 =	por !p2, p0  }
0x20: {  	[sflag:s8] =	ssyncset.s32 @!p0 $0xFFFFF086;
	s6 =	sadd.s32 @!p0 s3, s7;
	s7 =	simm.s32 @!p0 $0x108  }
0x21: {  	s3 =	sadd.s32 s3, s9;
	s6 =	sadd.s32 @!p0 $0x88, s6;
	s7 =	simm.s32 @p2 $0x1082  }
0x22: {  	[simem:s7], [sflag:s8] =	dma.local @!p0 [hbm:s6], $0xF7A  }
0x23: {  	s9 =	sor.u32 $0xD0000000, s2;
	s6 =	simm.s32 $0x108;
	_ =	swait.ge @!p0 [sflag:s8], $0x0  }
0x24: {  	s3 =	sadd.s32 $0x88, s3;
	s6 =	simm.s32 @!p1 $0x1082;
	[sflag:s4] =	ssyncset.s32 $0xFFFFF086  }
0x25: {  	[simem:s6], [sflag:s4] =	dma.local [hbm:s3], $0xF7A  }
0x26: {  	[smem:$0x3F8F] =	sst s1;
	(tag) =	ssettag s2;
	_ =	strace s9  }
0x27: {  	s1 =	sld [smem:$0x3F9F]  }
0x28: {  	s2 =	sld [smem:$0x3FA0]  }
0x29: {  	s4 =	sld [smem:$0x3FA2]  }
0x2a: {  	p0 =	seq.s32 s5, $0x0;
	s5 =	sld [smem:$0x3FA3]  }
0x2b: {  	s6 =	sld [smem:$0x3FA4]  }
0x2c: {  	s7 =	sld [smem:$0x3FA5]  }
0x2d: {  	s3 =	simm.s32 $0x108;
	s8 =	sld [smem:$0x3FA6]  }
0x2e: {  	s3 =	simm.s32 @!p0 $0x1082;
	s9 =	sld [smem:$0x3FA7]  }
0x2f: {  	lr =	sadd.s32 s0, s3;
	s0 =	sld [smem:$0x3F9E]  }
0x30: {  	s3 =	sld [smem:$0x3FA1]  }
0x31: {  	[smem:$0x3FAA] =	sst s10  }
0x32: {  	s10 =	sld [smem:$0x3FA8];
	_ =	sdelay $0x3  }
0x33: {  	p0 =	seq.s32 s10, $0x1;
	s10 =	sld [smem:$0x3FAA];
	_ =	sdelay $0x3  }
0x34: {  	[smem:$0x3FAA] =	sst s10  }
0x35: {  	s10 =	sld [smem:$0x3FA9];
	_ =	sdelay $0x3  }
0x36: {  	p1 =	seq.s32 s10, $0x1;
	s10 =	sld [smem:$0x3FAA];
	_ =	sdelay $0x3  }
0x37: {  	[smem:$0x3FAA] =	sst s10  }
0x38: {  	s10 =	sld [smem:$0x3FAB]  }
0x39: {  	_ = 	snop;
	(pc) =	sbr.ind lr, $3  }
0x3a: {  	_ = 	snop  }
0x3b: {  	_ = 	snop  }
0x3c: {  	p2 =	seq.s32 s10, $0x1;
	s10 =	sld [smem:$0x3FAA]  }
0x3d: {  	_ =	shalt  }
0x3e: {  	_ =	shalt  }
0x3f: {  	_ =	shalt  }
0x40: {  	_ =	shalt  }
0x41: {  	_ =	shalt  }
0x42: {  	_ =	shalt  }
0x43: {  	_ =	shalt  }
0x44: {  	_ =	shalt  }
0x45: {  	_ =	shalt  }
0x46: {  	_ =	shalt  }
0x47: {  	_ =	shalt  }
0x48: {  	_ =	shalt  }
0x49: {  	_ =	shalt  }
0x4a: {  	_ =	shalt  }
0x4b: {  	_ =	shalt  }
0x4c: {  	_ =	shalt  }
0x4d: {  	_ =	shalt  }
0x4e: {  	_ =	shalt  }
0x4f: {  	_ =	shalt  }
0x50: {  	_ =	shalt  }
0x51: {  	_ =	shalt  }
0x52: {  	_ =	shalt  }
0x53: {  	_ =	shalt  }
0x54: {  	_ =	shalt  }
0x55: {  	_ =	shalt  }
0x56: {  	_ =	shalt  }
0x57: {  	_ =	shalt  }
0x58: {  	_ =	shalt  }
0x59: {  	_ =	shalt  }
0x5a: {  	_ =	shalt  }
0x5b: {  	_ =	shalt  }
0x5c: {  	_ =	shalt  }
0x5d: {  	_ =	shalt  }
0x5e: {  	_ =	shalt  }
0x5f: {  	_ =	shalt  }
0x60: {  	_ =	shalt  }
0x61: {  	_ =	shalt  }
0x62: {  	_ =	shalt  }
0x63: {  	_ =	shalt  }
0x64: {  	_ =	shalt  }
0x65: {  	_ =	shalt  }
0x66: {  	_ =	shalt  }
0x67: {  	_ =	shalt  }
0x68: {  	_ =	shalt  }
0x69: {  	_ =	shalt  }
0x6a: {  	_ =	shalt  }
0x6b: {  	_ =	shalt  }
0x6c: {  	_ =	shalt  }
0x6d: {  	_ =	shalt  }
0x6e: {  	_ =	shalt  }
0x6f: {  	_ =	shalt  }
0x70: {  	_ =	shalt  }
0x71: {  	_ =	shalt  }
0x72: {  	_ =	shalt  }
0x73: {  	_ =	shalt  }
0x74: {  	_ =	shalt  }
0x75: {  	_ =	shalt  }
0x76: {  	_ =	shalt  }
0x77: {  	_ =	shalt  }
0x78: {  	_ =	shalt  }
0x79: {  	_ =	shalt  }
0x7a: {  	_ =	shalt  }
0x7b: {  	_ =	shalt  }
0x7c: {  	_ =	shalt  }
0x7d: {  	_ =	shalt  }
0x7e: {  	_ =	shalt  }
0x7f: {  	_ =	shalt  }
0x80: {  	_ =	shalt  }
0x81: {  	_ =	shalt  }
0x82: {  	_ =	shalt  }
0x83: {  	_ =	shalt  }
0x84: {  	_ =	shalt  }
0x85: {  	_ =	shalt  }
0x86: {  	_ =	shalt  }
0x87: {  	_ =	shalt  }
.Lfunc_end0:
.L_simem_size_0:
called_computation_lowered:
.L_overlay_start_0:
0x88: {  	s2 =	sld [smem:$0x3FD9]  }
0x89: {  	s3 =	sld [smem:$0x3FFE];
	_ =	sdelay $0x1  }
0x8a: {  	s1 =	srdreg.scid  }
0x8b: {  	s0 =	sand.u32 $0x1, s1  }
0x8c: {  	s16 =	sshll.u32 s0, $0xA;
	s2 =	sadd.s32 s3, s2  }
0x8d: {  	s2 =	sadd.s32 s2, s16  }
0x8e: {  	[smem:$0x3FB6] =	sst s2  }
0x8f: {  	_ = 	snop  }
0x90: {  	(tm) =	ssettm $0x1  }
0x91: {  	s17 =	sld [smem:$0x3FFB];
	_ =	sdelay $0x3  }
0x92: {  	_ =	strace s17  }
0x93: {  	s2 =	sld [smem:$0x3FFC];
	_ =	sdelay $0x3  }
0x94: {  	_ =	strace s2  }
0x95: {  	s2 =	sld [smem:$0x3FFD];
	_ =	sdelay $0x3  }
0x96: {  	_ =	strace s2  }
0x97: {  	_ =	strace $0x8FFFFFFF  }
0x98: {  	s18 =	sld [smem:$0x3FDB];
	_ =	sdelay $0x1  }
0x99: {  	s19 =	simm.s32 $_scs_section_size  }
0x9a: {  	s4 =	simm.s32 $_size__tile_overlayer_lowered;
	s5 =	simm.s32 $_tile_overlayer_lowered  }
0x9b: {  	s22 =	simm.s32 $0x1BFF;
	s21 =	sshll.u32 s5, $0x1;
	s2 =	sadd.s32 s19, s18  }
0x9c: {  	s6 =	simm.s32 $0x0;
	s20 =	sshll.u32 s4, $0x1;
	s4 =	sadd.s32 s21, s2  }
0x9d: {  	[timem:s6], [sflag:s22] =	dma.local [hbm:s4], s20  }
0x9e: {  	_ =	swait.ge [sflag:s22], s20  }
0x9f: {  	s3 =	ssub.s32 $0x0, s20;
	[sflag:s22] =	ssyncset.done $0x0  }
0xa0: {  	[sflag:s22] =	ssyncadd.s32 s3;
	_ =	sdelay $0x1  }
0xa1: {  	s23 =	simm.s32 $0x1B8B  }
0xa2: {  	_ =	swait.ge [sflag:s23], $0x1  }
0xa3: {  	[sflag:s23] =	ssyncset.done $0x0  }
0xa4: {  	s25 =	simm.s32 $0x1B8E;
	s24 =	sld [smem:$0x3FFE];
	[sflag:s23] =	ssyncadd.s32 $0xFFFFFFFF  }
0xa5: {  	s26 =	simm.s32 $execute0_lowered;
	[smem:$0x3FD2] =	sst s25  }
0xa6: {  	s4 =	sshll.u32 s26, $0x1;
	_ =	strace $0x80000046;
	[dreg:$0x1] =	wrdreg $0xFFFFFFFF  }
0xa7: {  	s28 =	simm.s32 $_size_execute0_lowered;
	s2 =	sadd.s32 s2, s4;
	[dreg:$0x0] =	wrdreg $0x0  }
0xa8: {  	s4 =	sshll.u32 s28, $0x1;
	[dreg:$0x2] =	wrdreg s2  }
0xa9: {  	[dreg:$0x3] =	wrdreg s4  }
0xaa: {  	[dreg:$0x4] =	wrdreg $0xC0  }
0xab: {  	_ =	task [dreg:s6], $0x5FFFF  }
0xac: {  	[dreg:$0x1] =	wrdreg $0xFFFFFFFF  }
0xad: {  	[dreg:$0x0] =	wrdreg $0x60  }
0xae: {  	[dreg:$0x2] =	wrdreg s24  }
0xaf: {  	[dreg:$0x3] =	wrdreg $0x9  }
0xb0: {  	_ =	task.clear_ibuf [dreg:s6], $0x4FFFF;
	_ =	strace $0x90000046  }
0xb1: {  	s29 =	simm.s32 $0x9;
	_ =	strace $0x80000048  }
0xb2: {  	_ =	swait.ge [sflag:s29], $0x1  }
0xb3: {  	[sflag:s29] =	ssyncadd.s32 $0xFFFFFFFF  }
0xb4: {  	_ =	strace $0x90000048  }
0xb5: {  	_ =	sfence  }
0xb6: {  	s30 =	sld [smem:$0x0];
	_ =	sdelay $0x2  }
0xb7: {  	s31 =	sshll.u32 s1, $0xD;
	s1 =	sshrl.u32 s1, $0x2  }
0xb8: {  	s3 =	sand.u32 $0x4000, s31;
	s1 =	sadd.s32 s1, s30  }
0xb9: {  	s0 =	sor.u32 s3, s0;
	s1 =	sshll.u32 s1, $0x11  }
0xba: {  	s0 =	sor.u32 s1, s0  }
0xbb: {  	s0 =	sadd.s32 $0x8F2B, s0  }
0xbc: {  	[sflag:s0] =	ssyncadd.remote.s32 $0x1  }
0xbd: {  	_ =	sfence.sel $0xFFFF  }
0xbe: {  	[dreg:$0x0] =	wrdreg $0xFFFFFFFF;
	(pc) =	sbr.abs _section_cstart, $3  }
0xbf: {  	[dreg:$0x1] =	wrdreg $0xFFFFFFFF  }
0xc0: {  	_ =	task.clear_ibuf [dreg:s6], $0x2FFFF;
	_ =	strace $0x9FFFFFFF  }
0xc1: {  	(tm) =	ssettm $0x7FFFFFFF  }
tec
execute0_lowered:
.L_overlay_start_1:
0x0: {  	(tag) =	ssettag $0x1  }
0x1: {  	s1 =	srdreg.scid  }
0x2: {  	s0 =	stileid.u32;
	s4 =	rddreg [dreg:$0x0]  }
0x3: {  	s2 =	simm.s32 $0x0;
	s11 =	simm.s32 $0x68;
	s12 =	simm.s32 $0x10D00  }
0x4: {  	s13 =	simm.s32 $0x12700;
	s14 =	simm.s32 $0x14100;
	s15 =	simm.s32 $0x15B00  }
0x5: {  	s16 =	simm.s32 $0x1;
	s17 =	simm.s32 $0x17500;
	s18 =	simm.s32 $0x19500  }
0x6: {  	s3 =	sand.u32 $0x1, s1;
	s5 =	sshll.u32 s0, $0x1;
	s1 =	rddreg [dreg:$0x1]  }
0x7: {  	s19 =	simm.s32 $0x0;
	[smem:$0x7FF] =	sst s2;
	s5 =	sor.u32 s3, s5  }
0x8: {  	_ =	strace $0x80000047;
	s8 =	ssub.s32 $0x2, s3;
	s3 =	sadd.s32 $0x18C400, s4  }
0x9: {  	s6 =	smul.u32 $0x1A0, s5;
	s7 =	sshll.u32 s5, $0xD;
	s5 =	sshll.u32 s5, $0xA  }
0xa: {  	s9 =	sshrl.u32 s8, $0x1;
	s7 =	sadd.s32 s7, s4;
	s10 =	sadd.s32 s5, s4  }
0xb: {  	s8 =	ssub.s32 s8, s9;
	s9 =	simm.s32 $0x2;
	s6 =	sadd.s32 s6, s4  }
0xc: {  	s5 =	sadd.s32 $0x5A00, s7;
	s7 =	sadd.s32 $0x45A00, s10;
	s8 =	smax.u32 s8, $0x1  }
0xd: {  	s4 =	sadd.s32 $0x2600, s6;
	s6 =	sadd.s32 $0x4DA00, s10;
	s10 =	simm.s32 $0xD00  }
.LBB2_1:
0xe: {  	[tilespmem:s2], [sflag:$0x2] =	stream.linear.gather [hbm4b:s4+s2], $0xD00, $0x38;
	[tilespmem:$0x1B500] =	vst v63  }
0xf: {  	_ =	swait.ge [sflag:s9], $0xD00  }
0x10: {  	[sflag:s9] =	ssyncset.done $0x0  }
0x11: {  	[sflag:s9] =	ssyncadd.s32 $0xFFFFF300  }
0x12: {  	[tilespmem:s10], [sflag:$0x2] =	stream.linear.gather [hbm4b:s5+s2], $0x10000, $0x38;
	[tilespmem:$0x1B500] =	vst v63  }
0x13: {  	_ =	swait.ge [sflag:s9], $0x10000  }
0x14: {  	s20 =	simm.s32 $0xDD0;
	s21 =	simm.s32 $0x19530;
	[sflag:s9] =	ssyncset.done $0x0  }
0x15: {  	s22 =	simm.s32 $0x17530;
	s23 =	simm.s32 $0x0;
	[sflag:s9] =	ssyncadd.s32 $0xFFFF0000  }
.LBB2_2:
0x16: {  	s24 =	smul.u32 $0x680, s23;
	_ =	sdelay $0x1  }
0x17: {  	s24 =	sshra.s32 s24, $0x2  }
0x18: {  	[tilespmem:s12], [sflag:$0x1] =	stream.indirect.gather [hbm4b:s3+s11], $0x40, s24, s11, $0xb8;
	[tilespmem:$0x1B500] =	vst v63  }
0x19: {  	s25 =	sadd.s32 $0x68, s24  }
0x1a: {  	[tilespmem:s13], [sflag:$0x1] =	stream.indirect.gather [hbm4b:s3+s11], $0x40, s25, s11, $0xb8;
	[tilespmem:$0x1B500] =	vst v63  }
0x1b: {  	s31 =	sadd.s32 $0xD0, s24  }
0x1c: {  	[tilespmem:s14], [sflag:$0x1] =	stream.indirect.gather [hbm4b:s3+s11], $0x40, s31, s11, $0xb8;
	[tilespmem:$0x1B500] =	vst v63  }
0x1d: {  	s24 =	sadd.s32 $0x138, s24  }
0x1e: {  	[tilespmem:s15], [sflag:$0x1] =	stream.indirect.gather [hbm4b:s3+s11], $0x40, s24, s11, $0xb8;
	[tilespmem:$0x1B500] =	vst v63  }
0x1f: {  	_ =	swait.ge [sflag:s16], $0x1A00  }
0x20: {  	[sflag:s16] =	ssyncset.done $0x0  }
0x21: {  	[sflag:s16] =	ssyncadd.s32 $0xFFFFE600  }
0x22: {  	_ =	swait.ge [sflag:s16], $0x1A00  }
0x23: {  	[sflag:s16] =	ssyncset.done $0x0  }
0x24: {  	[sflag:s16] =	ssyncadd.s32 $0xFFFFE600  }
0x25: {  	_ =	swait.ge [sflag:s16], $0x1A00  }
0x26: {  	[sflag:s16] =	ssyncset.done $0x0  }
0x27: {  	[sflag:s16] =	ssyncadd.s32 $0xFFFFE600  }
0x28: {  	_ =	swait.ge [sflag:s16], $0x1A00  }
0x29: {  	s26 =	smov.u32 s20;
	[sflag:s16] =	ssyncset.done $0x0  }
0x2a: {  	v0 =	vmov s22;
	v1 =	vmov s21;
	s25 =	simm.s32 $0x11040;
	s24 =	simm.s32 $0x0;
	[sflag:s16] =	ssyncadd.s32 $0xFFFFE600  }
.LBB2_3:
0x2b: {  	v2 =	vld [tilespmem:s26+$0xFFFFFF30]  }
0x2c: {  	v3 =	vld [tilespmem:s25+$0xFFFFFCC0]  }
0x2d: {  	v4 =	vld [tilespmem:s25+$0xFFFFFCD0]  }
0x2e: {  	v5 =	vld [tilespmem:s25+$0xFFFFFCE0]  }
0x2f: {  	v6 =	vld [tilespmem:s25+$0xFFFFFCF0]  }
0x30: {  	v7 =	vld [tilespmem:s26+$0xFFFFFF40]  }
0x31: {  	v8 =	vld [tilespmem:s25+$0xFFFFFD00]  }
0x32: {  	v9 =	vld [tilespmem:s25+$0xFFFFFD10]  }
0x33: {  	v10 =	vld [tilespmem:s25+$0xFFFFFD20]  }
0x34: {  	v12 =	vld [tilespmem:s25+$0xFFFFFD30]  }
0x35: {  	v14 =	vld [tilespmem:s26+$0xFFFFFF50]  }
0x36: {  	v34 =	vld [tilespmem:s25+$0xFFFFFD40]  }
0x37: {  	v16 =	vld [tilespmem:s25+$0xFFFFFD50]  }
0x38: {  	v19 =	vld [tilespmem:s25+$0xFFFFFD60]  }
0x39: {  	v38 =	vld [tilespmem:s26+$0xFFFFFF60]  }
0x3a: {  	v40 =	vld [tilespmem:s25+$0xFFFFFD80]  }
0x3b: {  	v42 =	vld [tilespmem:s25+$0xFFFFFD90]  }
0x3c: {  	v20 =	vld [tilespmem:s25+$0xFFFFFDA0]  }
0x3d: {  	v47 =	vld [tilespmem:s26+$0xFFFFFF70]  }
0x3e: {  	v52 =	vld [tilespmem:s25+$0xFFFFFDD0]  }
0x3f: {  	v55 =	vld [tilespmem:s25+$0xFFFFFDE0]  }
0x40: {  	v57 =	vld [tilespmem:s25+$0xFFFFFDF0];
	v3 =	vmul.f32 v3, v2  }
0x41: {  	v59 =	vld [tilespmem:s26+$0xFFFFFF80];
	v4 =	vmul.f32 v4, v2;
	v5 =	vmul.f32 v5, v2  }
0x42: {  	v61 =	vld [tilespmem:s25+$0xFFFFFE00];
	v2 =	vmul.f32 v6, v2;
	v33 =	vmul.f32 v8, v7  }
0x43: {  	v63 =	vld [tilespmem:s25+$0xFFFFFE10];
	v9 =	vmul.f32 v9, v7;
	v10 =	vmul.f32 v10, v7  }
0x44: {  	v29 =	vld [tilespmem:s26+$0xFFFFFF90];
	v7 =	vmul.f32 v12, v7;
	v8 =	vmul.f32 v34, v14  }
0x45: {  	v31 =	vld [tilespmem:s25+$0xFFFFFE40];
	v16 =	vmul.f32 v16, v14;
	v19 =	vmul.f32 v19, v14  }
0x46: {  	v49 =	vmul.f32 v40, v38;
	v51 =	vmul.f32 v42, v38  }
0x47: {  	v54 =	vmul.f32 v20, v38;
	v62 =	vmul.f32 v52, v47  }
0x48: {  	v23 =	vmul.f32 v55, v47;
	v25 =	vmul.f32 v57, v47  }
0x49: {  	v28 =	vmul.f32 v61, v59;
	v12 =	vmul.f32 v63, v59  }
0x4a: {  	v40 =	vmul.f32 v31, v29;
	v11 =	vmul.f32 v3, v3  }
0x4b: {  	v13 =	vmul.f32 v4, v4;
	v15 =	vadd.f32 $0.0e+00, v5;
	v5 =	vmul.f32 v5, v5  }
0x4c: {  	v17 =	vadd.f32 $0.0e+00, v2;
	v2 =	vmul.f32 v2, v2;
	v18 =	vmul.f32 v33, v33  }
0x4d: {  	v35 =	vmul.f32 v9, v9;
	v37 =	vmul.f32 v10, v10  }
0x4e: {  	v39 =	vmul.f32 v7, v7;
	v41 =	vmul.f32 v8, v8  }
0x4f: {  	v43 =	vmul.f32 v16, v16;
	v46 =	vmul.f32 v19, v19  }
0x50: {  	v36 =	vld [tilespmem:s25+$0xFFFFFD70];
	v3 =	vadd.f32 $0.0e+00, v3;
	v53 =	vmul.f32 v49, v49;
	v56 =	vmul.f32 v51, v51  }
0x51: {  	v50 =	vld [tilespmem:s25+$0xFFFFFDC0];
	v4 =	vadd.f32 $0.0e+00, v4;
	v58 =	vmul.f32 v54, v54;
	v22 =	vmul.f32 v62, v62  }
0x52: {  	v26 =	vld [tilespmem:s25+$0xFFFFFE30];
	v27 =	vmul.f32 v23, v23;
	v3 =	vadd.f32 v33, v3;
	v11 =	vadd.f32 v18, v11  }
0x53: {  	v30 =	vmul.f32 v25, v25;
	v4 =	vadd.f32 v9, v4;
	v6 =	vadd.f32 v35, v13  }
0x54: {  	v45 =	vld [tilespmem:s25+$0xFFFFFDB0];
	v32 =	vmul.f32 v28, v28;
	v10 =	vadd.f32 v10, v15;
	v5 =	vadd.f32 v37, v5  }
0x55: {  	v34 =	vmul.f32 v12, v12;
	v7 =	vadd.f32 v7, v17;
	v2 =	vadd.f32 v39, v2  }
0x56: {  	v9 =	vmul.f32 v36, v14;
	v18 =	vmul.f32 v50, v47;
	v3 =	vadd.f32 v8, v3  }
0x57: {  	v24 =	vld [tilespmem:s25+$0xFFFFFE20];
	v36 =	vmul.f32 v26, v59;
	v44 =	vadd.f32 v41, v11;
	v4 =	vadd.f32 v16, v4  }
0x58: {  	v52 =	vld [tilespmem:s25+$0xFFFFFEC0];
	v6 =	vadd.f32 v43, v6;
	v10 =	vadd.f32 v19, v10;
	v48 =	vmul.f32 v9, v9  }
0x59: {  	v33 =	vld [tilespmem:s25+$0xFFFFFE50];
	v5 =	vadd.f32 v46, v5;
	v7 =	vadd.f32 v9, v7;
	v11 =	vmul.f32 v45, v38  }
0x5a: {  	v35 =	vld [tilespmem:s25+$0xFFFFFE60];
	v21 =	vmul.f32 v18, v18;
	v2 =	vadd.f32 v48, v2;
	v3 =	vadd.f32 v49, v3  }
0x5b: {  	v37 =	vld [tilespmem:s25+$0xFFFFFE70];
	v15 =	vmul.f32 v36, v36;
	v8 =	vadd.f32 v53, v44;
	v4 =	vadd.f32 v51, v4  }
0x5c: {  	v50 =	vld [tilespmem:s26+$0xFFFFFFB0];
	v6 =	vadd.f32 v56, v6;
	v60 =	vmul.f32 v11, v11;
	v10 =	vadd.f32 v54, v10  }
0x5d: {  	v39 =	vld [tilespmem:s26+$0xFFFFFFA0];
	v5 =	vadd.f32 v58, v5;
	v7 =	vadd.f32 v11, v7;
	v44 =	vmul.f32 v40, v40  }
0x5e: {  	v43 =	vld [tilespmem:s25+$0xFFFFFE90];
	v42 =	vmul.f32 v33, v29;
	v2 =	vadd.f32 v60, v2;
	v3 =	vadd.f32 v18, v3  }
0x5f: {  	v46 =	vld [tilespmem:s25+$0xFFFFFEA0];
	v45 =	vmul.f32 v35, v29;
	v8 =	vadd.f32 v21, v8;
	v4 =	vadd.f32 v62, v4  }
0x60: {  	v11 =	vmul.f32 v37, v29;
	v6 =	vadd.f32 v22, v6;
	v10 =	vadd.f32 v23, v10  }
0x61: {  	v41 =	vld [tilespmem:s25+$0xFFFFFE80];
	v5 =	vadd.f32 v27, v5;
	v18 =	vmul.f32 v24, v59;
	v62 =	vmul.f32 v52, v50  }
0x62: {  	v48 =	vld [tilespmem:s25+$0xFFFFFEB0];
	v7 =	vadd.f32 v25, v7;
	v47 =	vmul.f32 v42, v42;
	v49 =	vmul.f32 v45, v45  }
0x63: {  	v63 =	vld [tilespmem:s26+$0xFFFFFFC0];
	v51 =	vmul.f32 v11, v11;
	v53 =	vmul.f32 v43, v39;
	v2 =	vadd.f32 v30, v2  }
0x64: {  	v54 =	vld [tilespmem:s25+$0xFFFFFED0];
	v57 =	vmul.f32 v46, v39;
	v3 =	vadd.f32 v28, v3;
	v8 =	vadd.f32 v32, v8  }
0x65: {  	v31 =	vld [tilespmem:s25+$0xFFFFFF30];
	v4 =	vadd.f32 v12, v4;
	v6 =	vadd.f32 v34, v6;
	v38 =	vmul.f32 v18, v18  }
0x66: {  	v29 =	vld [tilespmem:s25+$0xFFFFFF20];
	v10 =	vadd.f32 v18, v10;
	v18 =	vmul.f32 v41, v39;
	v26 =	vmul.f32 v62, v62  }
0x67: {  	v58 =	vld [tilespmem:s25+$0xFFFFFEE0];
	v7 =	vadd.f32 v36, v7;
	v56 =	vmul.f32 v53, v53;
	v59 =	vmul.f32 v48, v39  }
0x68: {  	v60 =	vld [tilespmem:s25+$0xFFFFFEF0];
	v61 =	vmul.f32 v57, v57;
	v5 =	vadd.f32 v38, v5;
	v2 =	vadd.f32 v15, v2  }
0x69: {  	v25 =	vld [tilespmem:s25+$0xFFFFFF00];
	v12 =	vmul.f32 v54, v50;
	v3 =	vadd.f32 v40, v3;
	v8 =	vadd.f32 v44, v8  }
0x6a: {  	v27 =	vld [tilespmem:s25+$0xFFFFFF10];
	v4 =	vadd.f32 v42, v4;
	v6 =	vadd.f32 v47, v6;
	v55 =	vmul.f32 v18, v18  }
0x6b: {  	v33 =	vld [tilespmem:s26+$0xFFFFFFD0];
	v7 =	vadd.f32 v11, v7;
	v40 =	vmul.f32 v29, v63;
	v11 =	vmul.f32 v31, v63  }
0x6c: {  	v43 =	vld [tilespmem:s25+$0xFFFFFF70];
	v10 =	vadd.f32 v45, v10;
	v24 =	vmul.f32 v59, v59;
	v28 =	vmul.f32 v12, v12  }
0x6d: {  	v30 =	vmul.f32 v60, v50;
	v5 =	vadd.f32 v49, v5;
	v2 =	vadd.f32 v51, v2  }
0x6e: {  	v35 =	vmul.f32 v25, v63;
	v3 =	vadd.f32 v18, v3;
	v8 =	vadd.f32 v55, v8  }
0x6f: {  	v41 =	vld [tilespmem:s25+$0xFFFFFF60];
	v37 =	vmul.f32 v27, v63;
	v4 =	vadd.f32 v53, v4;
	v6 =	vadd.f32 v56, v6  }
0x70: {  	v36 =	vld [tilespmem:s25+$0xFFFFFF40];
	v10 =	vadd.f32 v57, v10;
	v18 =	vmul.f32 v58, v50;
	v44 =	vmul.f32 v40, v40  }
0x71: {  	v38 =	vld [tilespmem:s25+$0xFFFFFF50];
	v7 =	vadd.f32 v59, v7;
	v46 =	vmul.f32 v11, v11;
	v54 =	vmul.f32 v43, v33  }
0x72: {  	v45 =	vld [tilespmem:s26+$0xFFFFFFE0];
	v34 =	vmul.f32 v30, v30;
	v39 =	vmul.f32 v35, v35;
	v5 =	vadd.f32 v61, v5  }
0x73: {  	v47 =	vld [tilespmem:s25+$0xFFFFFF80];
	v42 =	vmul.f32 v37, v37;
	v2 =	vadd.f32 v24, v2;
	v3 =	vadd.f32 v62, v3  }
0x74: {  	v60 =	vld [tilespmem:s25+$0xFFFFFFC0];
	v52 =	vmul.f32 v41, v33;
	v8 =	vadd.f32 v26, v8;
	v4 =	vadd.f32 v12, v4  }
0x75: {  	v49 =	vld [tilespmem:s25+$0xFFFFFF90];
	v6 =	vadd.f32 v28, v6;
	v32 =	vmul.f32 v18, v18;
	v10 =	vadd.f32 v18, v10  }
0x76: {  	v53 =	vld [tilespmem:s25+$0xFFFFFFA0];
	v7 =	vadd.f32 v30, v7;
	v18 =	vmul.f32 v36, v33;
	v59 =	vmul.f32 v54, v54  }
0x77: {  	v55 =	vld [tilespmem:s25+$0xFFFFFFB0];
	v48 =	vmul.f32 v38, v33;
	v5 =	vadd.f32 v32, v5;
	v2 =	vadd.f32 v34, v2  }
0x78: {  	v58 =	vld [tilespmem:s26+$0xFFFFFFF0];
	v56 =	vmul.f32 v52, v52;
	v3 =	vadd.f32 v35, v3;
	v8 =	vadd.f32 v39, v8  }
0x79: {  	v62 =	vld [tilespmem:s25+$0xFFFFFFD0];
	v57 =	vmul.f32 v47, v45;
	v4 =	vadd.f32 v37, v4;
	v6 =	vadd.f32 v42, v6  }
0x7a: {  	v24 =	vld [tilespmem:s25+$0xFFFFFFE0];
	v10 =	vadd.f32 v40, v10;
	v50 =	vmul.f32 v18, v18;
	v51 =	vmul.f32 v48, v48  }
0x7b: {  	v26 =	vld [tilespmem:s25+$0xFFFFFFF0];
	v7 =	vadd.f32 v11, v7;
	v12 =	vmul.f32 v49, v45;
	v61 =	vmul.f32 v57, v57  }
0x7c: {  	v28 =	vld [tilespmem:s26+$0x0];
	v25 =	vmul.f32 v55, v45;
	v5 =	vadd.f32 v44, v5;
	v2 =	vadd.f32 v46, v2  }
0x7d: {  	v36 =	vld [tilespmem:s25+$0x20];
	v30 =	vmul.f32 v60, v58;
	v3 =	vadd.f32 v18, v3;
	v8 =	vadd.f32 v50, v8  }
0x7e: {  	v31 =	vld [tilespmem:s25+$0x0];
	v4 =	vadd.f32 v48, v4;
	v10 =	vadd.f32 v52, v10;
	v18 =	vmul.f32 v53, v45  }
0x7f: {  	v33 =	vld [tilespmem:s25+$0x10];
	v7 =	vadd.f32 v54, v7;
	v63 =	vmul.f32 v12, v12;
	v29 =	vmul.f32 v25, v25  }
0x80: {  	v38 =	vld [tilespmem:s25+$0x30];
	v6 =	vadd.f32 v51, v6;
	v32 =	vmul.f32 v62, v58;
	v34 =	vmul.f32 v30, v30  }
0x81: {  	v35 =	vmul.f32 v24, v58;
	v11 =	vmul.f32 v26, v58;
	v5 =	vadd.f32 v56, v5  }
0x82: {  	v40 =	vld [tilespmem:s26+$0x10];
	v47 =	vmul.f32 v36, v28;
	v2 =	vadd.f32 v59, v2;
	v3 =	vadd.f32 v57, v3  }
0x83: {  	v42 =	vld [tilespmem:s25+$0x40];
	v8 =	vadd.f32 v61, v8;
	v4 =	vadd.f32 v12, v4;
	v27 =	vmul.f32 v18, v18  }
0x84: {  	v55 =	vld [tilespmem:s25+$0x80];
	v10 =	vadd.f32 v18, v10;
	v18 =	vmul.f32 v31, v28;
	v43 =	vmul.f32 v33, v28  }
0x85: {  	v44 =	vld [tilespmem:s25+$0x50];
	v7 =	vadd.f32 v25, v7;
	v49 =	vmul.f32 v38, v28;
	v37 =	vmul.f32 v32, v32  }
0x86: {  	v48 =	vld [tilespmem:s25+$0x60];
	v6 =	vadd.f32 v63, v6;
	v39 =	vmul.f32 v35, v35;
	v41 =	vmul.f32 v11, v11  }
0x87: {  	v50 =	vld [tilespmem:s25+$0x70];
	v51 =	vmul.f32 v47, v47;
	v5 =	vadd.f32 v27, v5;
	v2 =	vadd.f32 v29, v2  }
0x88: {  	v53 =	vld [tilespmem:s26+$0x20];
	v52 =	vmul.f32 v42, v40;
	v3 =	vadd.f32 v30, v3;
	v8 =	vadd.f32 v34, v8  }
0x89: {  	v24 =	vld [tilespmem:s25+$0xC0];
	v4 =	vadd.f32 v32, v4;
	v10 =	vadd.f32 v35, v10;
	v45 =	vmul.f32 v18, v18  }
0x8a: {  	v26 =	vld [tilespmem:s25+$0xD0];
	v7 =	vadd.f32 v11, v7;
	v46 =	vmul.f32 v43, v43;
	v54 =	vmul.f32 v49, v49  }
0x8b: {  	v57 =	vld [tilespmem:s25+$0x90];
	v6 =	vadd.f32 v37, v6;
	v12 =	vmul.f32 v44, v40;
	v56 =	vmul.f32 v52, v52  }
0x8c: {  	v59 =	vld [tilespmem:s25+$0xA0];
	v60 =	vmul.f32 v50, v40;
	v5 =	vadd.f32 v39, v5;
	v2 =	vadd.f32 v41, v2  }
0x8d: {  	v61 =	vld [tilespmem:s25+$0xB0];
	v23 =	vmul.f32 v55, v53;
	v3 =	vadd.f32 v18, v3;
	v8 =	vadd.f32 v45, v8  }
0x8e: {  	v31 =	vld [tilespmem:s25+$0xF0];
	v4 =	vadd.f32 v43, v4;
	v10 =	vadd.f32 v47, v10;
	v18 =	vmul.f32 v48, v40  }
0x8f: {  	v63 =	vld [tilespmem:s26+$0x30];
	v7 =	vadd.f32 v49, v7;
	v58 =	vmul.f32 v12, v12;
	v22 =	vmul.f32 v60, v60  }
0x90: {  	v33 =	vld [tilespmem:s26+$0x40];
	v6 =	vadd.f32 v46, v6;
	v25 =	vmul.f32 v57, v53;
	v27 =	vmul.f32 v23, v23  }
0x91: {  	v29 =	vld [tilespmem:s25+$0xE0];
	v28 =	vmul.f32 v59, v53;
	v5 =	vadd.f32 v51, v5;
	v2 =	vadd.f32 v54, v2  }
0x92: {  	v35 =	vld [tilespmem:s25+$0x100];
	v11 =	vmul.f32 v61, v53;
	v3 =	vadd.f32 v52, v3;
	v8 =	vadd.f32 v56, v8  }
0x93: {  	v37 =	vld [tilespmem:s25+$0x110];
	v4 =	vadd.f32 v12, v4;
	v62 =	vmul.f32 v18, v18;
	v10 =	vadd.f32 v18, v10  }
0x94: {  	v50 =	vld [tilespmem:s25+$0x150];
	v7 =	vadd.f32 v60, v7;
	v18 =	vmul.f32 v24, v63;
	v36 =	vmul.f32 v26, v63  }
0x95: {  	v41 =	vld [tilespmem:s25+$0x120];
	v42 =	vmul.f32 v31, v63;
	v6 =	vadd.f32 v58, v6;
	v30 =	vmul.f32 v25, v25  }
0x96: {  	v43 =	vld [tilespmem:s25+$0x130];
	v32 =	vmul.f32 v28, v28;
	v34 =	vmul.f32 v11, v11;
	v5 =	vadd.f32 v62, v5  }
0x97: {  	v48 =	vld [tilespmem:s25+$0x140];
	v40 =	vmul.f32 v29, v63;
	v2 =	vadd.f32 v22, v2;
	v3 =	vadd.f32 v23, v3  }
0x98: {  	v46 =	vld [tilespmem:s26+$0x50];
	v45 =	vmul.f32 v35, v33;
	v8 =	vadd.f32 v27, v8;
	v4 =	vadd.f32 v25, v4  }
0x99: {  	v61 =	vld [tilespmem:s25+$0x190];
	v10 =	vadd.f32 v28, v10;
	v38 =	vmul.f32 v18, v18;
	v39 =	vmul.f32 v36, v36  }
0x9a: {  	v52 =	vld [tilespmem:s25+$0x160];
	v7 =	vadd.f32 v11, v7;
	v47 =	vmul.f32 v42, v42;
	v12 =	vmul.f32 v37, v33  }
0x9b: {  	v54 =	vld [tilespmem:s25+$0x170];
	v6 =	vadd.f32 v30, v6;
	v44 =	vmul.f32 v40, v40;
	v5 =	vadd.f32 v32, v5  }
0x9c: {  	v56 =	vld [tilespmem:s26+$0x60];
	v49 =	vmul.f32 v45, v45;
	v2 =	vadd.f32 v34, v2;
	v3 =	vadd.f32 v18, v3  }
0x9d: {  	v24 =	vld [tilespmem:s25+$0x1A0];
	v53 =	vmul.f32 v43, v33;
	v8 =	vadd.f32 v38, v8;
	v4 =	vadd.f32 v36, v4  }
0x9e: {  	v26 =	vld [tilespmem:s25+$0x1B0];
	v10 =	vadd.f32 v40, v10;
	v51 =	vmul.f32 v12, v12;
	v18 =	vmul.f32 v41, v33  }
0x9f: {  	v7 =	vadd.f32 v42, v7;
	v58 =	vmul.f32 v48, v46;
	v60 =	vmul.f32 v50, v46  }
0xa0: {  	v59 =	vld [tilespmem:s25+$0x180];
	v6 =	vadd.f32 v39, v6;
	v57 =	vmul.f32 v53, v53;
	v63 =	vmul.f32 v52, v46  }
0xa1: {  	v11 =	vmul.f32 v54, v46;
	v31 =	vmul.f32 v61, v56;
	v5 =	vadd.f32 v44, v5  }
0xa2: {  	v28 =	vld [tilespmem:s26+$0x70];
	v35 =	vmul.f32 v24, v56;
	v2 =	vadd.f32 v47, v2;
	v3 =	vadd.f32 v45, v3  }
0xa3: {  	v30 =	vld [tilespmem:s25+$0x1C0];
	v37 =	vmul.f32 v26, v56;
	v8 =	vadd.f32 v49, v8;
	v4 =	vadd.f32 v12, v4  }
0xa4: {  	v43 =	vld [tilespmem:s25+$0x200];
	v55 =	vmul.f32 v18, v18;
	v10 =	vadd.f32 v18, v10;
	v62 =	vmul.f32 v58, v58  }
0xa5: {  	v32 =	vld [tilespmem:s25+$0x1D0];
	v7 =	vadd.f32 v53, v7;
	v25 =	vmul.f32 v60, v60;
	v18 =	vmul.f32 v59, v56  }
0xa6: {  	v36 =	vld [tilespmem:s25+$0x1E0];
	v6 =	vadd.f32 v51, v6;
	v27 =	vmul.f32 v63, v63;
	v29 =	vmul.f32 v11, v11  }
0xa7: {  	v38 =	vld [tilespmem:s25+$0x1F0];
	v34 =	vmul.f32 v31, v31;
	v5 =	vadd.f32 v55, v5;
	v2 =	vadd.f32 v57, v2  }
0xa8: {  	v41 =	vld [tilespmem:s26+$0x80];
	v39 =	vmul.f32 v35, v35;
	v3 =	vadd.f32 v58, v3;
	v8 =	vadd.f32 v62, v8  }
0xa9: {  	v54 =	vld [tilespmem:s25+$0x240];
	v42 =	vmul.f32 v37, v37;
	v4 =	vadd.f32 v60, v4;
	v10 =	vadd.f32 v63, v10  }
0xaa: {  	v61 =	vld [tilespmem:s25+$0x270];
	v7 =	vadd.f32 v11, v7;
	v33 =	vmul.f32 v18, v18;
	v40 =	vmul.f32 v30, v28  }
0xab: {  	v45 =	vld [tilespmem:s25+$0x210];
	v6 =	vadd.f32 v25, v6;
	v12 =	vmul.f32 v32, v28;
	v5 =	vadd.f32 v27, v5  }
0xac: {  	v47 =	vld [tilespmem:s25+$0x220];
	v48 =	vmul.f32 v38, v28;
	v2 =	vadd.f32 v29, v2;
	v3 =	vadd.f32 v18, v3  }
0xad: {  	v49 =	vld [tilespmem:s25+$0x230];
	v53 =	vmul.f32 v43, v41;
	v8 =	vadd.f32 v33, v8;
	v4 =	vadd.f32 v31, v4  }
0xae: {  	v56 =	vld [tilespmem:s25+$0x250];
	v10 =	vadd.f32 v35, v10;
	v44 =	vmul.f32 v40, v40;
	v18 =	vmul.f32 v36, v28  }
0xaf: {  	v51 =	vld [tilespmem:s26+$0x90];
	v7 =	vadd.f32 v37, v7;
	v46 =	vmul.f32 v12, v12;
	v52 =	vmul.f32 v48, v48  }
0xb0: {  	v59 =	vld [tilespmem:s25+$0x260];
	v6 =	vadd.f32 v34, v6;
	v55 =	vmul.f32 v45, v41;
	v57 =	vmul.f32 v53, v53  }
0xb1: {  	v58 =	vmul.f32 v47, v41;
	v5 =	vadd.f32 v39, v5;
	v2 =	vadd.f32 v42, v2  }
0xb2: {  	v11 =	vmul.f32 v49, v41;
	v3 =	vadd.f32 v40, v3;
	v8 =	vadd.f32 v44, v8  }
0xb3: {  	v63 =	vld [tilespmem:s26+$0xA0];
	v4 =	vadd.f32 v12, v4;
	v50 =	vmul.f32 v18, v18;
	v10 =	vadd.f32 v18, v10  }
0xb4: {  	v25 =	vld [tilespmem:s25+$0x280];
	v7 =	vadd.f32 v48, v7;
	v18 =	vmul.f32 v54, v51;
	v26 =	vmul.f32 v56, v51  }
0xb5: {  	v32 =	vld [tilespmem:s25+$0x2B0];
	v31 =	vmul.f32 v59, v51;
	v33 =	vmul.f32 v61, v51;
	v6 =	vadd.f32 v46, v6  }
0xb6: {  	v27 =	vld [tilespmem:s25+$0x290];
	v60 =	vmul.f32 v55, v55;
	v62 =	vmul.f32 v58, v58;
	v5 =	vadd.f32 v50, v5  }
0xb7: {  	v29 =	vld [tilespmem:s25+$0x2A0];
	v24 =	vmul.f32 v11, v11;
	v2 =	vadd.f32 v52, v2;
	v3 =	vadd.f32 v53, v3  }
0xb8: {  	v37 =	vld [tilespmem:s25+$0x2C0];
	v8 =	vadd.f32 v57, v8;
	v4 =	vadd.f32 v55, v4;
	v28 =	vmul.f32 v18, v18  }
0xb9: {  	v34 =	vld [tilespmem:s26+$0xB0];
	v10 =	vadd.f32 v58, v10;
	v30 =	vmul.f32 v26, v26;
	v35 =	vmul.f32 v31, v31  }
0xba: {  	v41 =	vld [tilespmem:s25+$0x2E0];
	v7 =	vadd.f32 v11, v7;
	v36 =	vmul.f32 v25, v63;
	v38 =	vmul.f32 v33, v33  }
0xbb: {  	v21 =	vld [tilespmem:s26+$0xC0];
	v43 =	vmul.f32 v32, v63;
	v6 =	vadd.f32 v60, v6;
	v5 =	vadd.f32 v62, v5  }
0xbc: {  	v39 =	vld [tilespmem:s25+$0x2D0];
	v12 =	vmul.f32 v27, v63;
	v2 =	vadd.f32 v24, v2;
	v3 =	vadd.f32 v18, v3  }
0xbd: {  	v44 =	vld [tilespmem:s25+$0x300];
	v15 =	vmul.f32 v29, v63;
	v8 =	vadd.f32 v28, v8;
	v4 =	vadd.f32 v26, v4  }
0xbe: {  	v10 =	vadd.f32 v31, v10;
	v40 =	vmul.f32 v36, v36;
	v47 =	vmul.f32 v43, v43  }
0xbf: {  	v46 =	vld [tilespmem:s25+$0x310];
	v7 =	vadd.f32 v33, v7;
	v17 =	vmul.f32 v37, v34;
	v13 =	vmul.f32 v41, v34  }
0xc0: {  	v6 =	vadd.f32 v30, v6;
	v42 =	vmul.f32 v12, v12;
	v45 =	vmul.f32 v15, v15  }
0xc1: {  	v50 =	vld [tilespmem:s25+$0x2F0];
	v48 =	vmul.f32 v39, v34;
	v5 =	vadd.f32 v35, v5;
	v2 =	vadd.f32 v38, v2  }
0xc2: {  	v52 =	vld [tilespmem:s25+$0x320];
	v14 =	vmul.f32 v44, v21;
	v3 =	vadd.f32 v36, v3;
	v8 =	vadd.f32 v40, v8  }
0xc3: {  	v55 =	vld [tilespmem:s25+$0x330];
	v4 =	vadd.f32 v12, v4;
	v10 =	vadd.f32 v15, v10;
	v49 =	vmul.f32 v17, v17  }
0xc4: {  	v7 =	vadd.f32 v43, v7;
	v53 =	vmul.f32 v13, v13;
	v16 =	vmul.f32 v46, v21  }
0xc5: {  	v6 =	vadd.f32 v42, v6;
	v51 =	vmul.f32 v48, v48;
	v54 =	vmul.f32 v14, v14  }
0xc6: {  	v11 =	vmul.f32 v50, v34;
	v5 =	vadd.f32 v45, v5;
	v2 =	vadd.f32 v47, v2  }
0xc7: {  	v57 =	vmul.f32 v52, v21;
	v3 =	vadd.f32 v17, v3;
	v8 =	vadd.f32 v49, v8  }
0xc8: {  	v59 =	vmul.f32 v55, v21;
	v4 =	vadd.f32 v48, v4;
	v10 =	vadd.f32 v13, v10  }
0xc9: {  	v56 =	vmul.f32 v16, v16;
	v6 =	vadd.f32 v51, v6;
	v3 =	vadd.f32 v14, v3  }
0xca: {  	s28 =	sshra.s32 s24, $0x2;
	v58 =	vmul.f32 v11, v11;
	v60 =	vmul.f32 v57, v57;
	v8 =	vadd.f32 v54, v8  }
0xcb: {  	v63 =	vmul.f32 v59, v59;
	v4 =	vadd.f32 v16, v4;
	[tilespmem:v0+s28+$0xFFFFFFD0 ss:$0x1] =	vst.idx.msk $0xffff, v3  }
0xcc: {  	v5 =	vadd.f32 v53, v5;
	v6 =	vadd.f32 v56, v6;
	[tilespmem:v1+s28+$0xFFFFFFD0 ss:$0x1] =	vst.idx.msk $0xffff, v8  }
0xcd: {  	p0 =	sne.s32 s24, $0xF00;
	v61 =	vadd.f32 v57, v10;
	v3 =	vadd.f32 v11, v7;
	[tilespmem:v0+s28+$0xFFFFFFE0 ss:$0x1] =	vst.idx.msk $0xffff, v4  }
.Ltmp0:
0xce: {  	v2 =	vadd.f32 v58, v2;
	v62 =	vadd.f32 v60, v5;
	[tilespmem:v1+s28+$0xFFFFFFE0 ss:$0x1] =	vst.idx.msk $0xffff, v6;
	(pc) =	sbr.rel @p0 .LBB2_3-.Ltmp0, $4  }
0xcf: {  	v3 =	vadd.f32 v59, v3;
	[tilespmem:v0+s28+$0xFFFFFFF0 ss:$0x1] =	vst.idx.msk $0xffff, v61  }
0xd0: {  	v2 =	vadd.f32 v63, v2;
	[tilespmem:v1+s28+$0xFFFFFFF0 ss:$0x1] =	vst.idx.msk $0xffff, v62  }
0xd1: {  	[tilespmem:v0+s28+$0x0 ss:$0x1] =	vst.idx.msk $0xffff, v3  }
0xd2: {  	s24 =	sadd.s32 $0x100, s24;
	s26 =	sadd.s32 $0x200, s26;
	s25 =	sadd.s32 $0x680, s25;
	[tilespmem:v1+s28+$0x0 ss:$0x1] =	vst.idx.msk $0xffff, v2  }
0xd3: {  	s23 =	sadd.s32 $0x1, s23  }
0xd4: {  	p0 =	sne.s32 s23, $0x8  }
.Ltmp1:
0xd5: {  	_ = 	snop;
	(pc) =	sbr.rel @p0 .LBB2_2-.Ltmp1, $2  }
0xd6: {  	_ =	sdelay $0x2  }
0xd7: {  	s20 =	sadd.s32 $0x2000, s20;
	s21 =	sadd.s32 $0x400, s21;
	s22 =	sadd.s32 $0x400, s22  }
0xd8: {  	[hbm4b:s6+s2] =	stream.linear.scatter [tilespmem:s17], [sflag:$0x2], $0x2000, $0x38;
	[tilespmem:$0x1B500] =	vst v63  }
0xd9: {  	s19 =	sadd.s32 $0x1, s19;
	_ =	swait.ge [sflag:s9], $0x2000  }
0xda: {  	p0 =	sne.s32 s19, s8;
	[sflag:s9] =	ssyncset.done $0x0  }
.Ltmp2:
0xdb: {  	[sflag:s9] =	ssyncadd.s32 $0xFFFFE000;
	(pc) =	sbr.rel @p0 .LBB2_1-.Ltmp2, $4  }
0xdc: {  	[hbm4b:s7+s2] =	stream.linear.scatter [tilespmem:s18], [sflag:$0x2], $0x2000, $0x38;
	[tilespmem:$0x1B500] =	vst v63  }
0xdd: {  	_ =	swait.ge [sflag:s9], $0x2000  }
0xde: {  	[sflag:s9] =	ssyncset.done $0x0  }
0xdf: {  	[sflag:s9] =	ssyncadd.s32 $0xFFFFE000  }
0xe0: {  	_ =	sfence.sel $0x180000  }
0xe1: {  	[bflag:$0x0] =	sbarrier.arrive $0xFFFF  }
0xe2: {  	p0 =	sne.s32 s0, $0x0;
	_ =	strace $0x90000047  }
0xe3: {  	s0 =	sadd.s32 @!p0 $0x100000, s1;
	[bflag:$0x2] =	sbarrier.arrive $0xFFFF  }
0xe4: {  	[sflag:s0] =	ssyncadd.tile.s32 @!p0 $0x1;
	_ =	shalt  }
.Lfunc_end2:
_tile_overlayer_lowered:
.L_overlay_start_2:
0xe5: {  	(tag) =	ssettag $0x2  }
0xe6: {  	s0 =	rddreg [dreg:$0x0];
	s2 =	stileid.u32  }
0xe7: {  	s1 =	rddreg [dreg:$0x1];
	p0 =	sne.s32 s2, $0x0  }
0xe8: {  	s3 =	rddreg [dreg:$0x2];
	[bflag:$0x3] =	sbarrier.arrive $0xFFFF;
	s2 =	simm.s32 @!p0 $0x1C02  }
0xe9: {  	[timem:s3], [sflag:s2] =	dma.local @!p0 [hbm:s0], s1  }
0xea: {  	s0 =	simm.s32 @!p0 $0x2  }
0xeb: {  	_ =	swait.ge @!p0 [sflag:s0], s1  }
0xec: {  	s1 =	ssub.s32 @!p0 $0x0, s1;
	[sflag:s0] =	ssyncset.done @!p0 $0x0  }
0xed: {  	[sflag:s0] =	ssyncadd.s32 @!p0 s1  }
0xee: {  	[bflag:$0x3] =	sbarrier.arrive $0xFFFF  }
0xef: {  	_ =	shalt  }

// kernel: kernel.8.cloned.1.call-start
scs
__scs_entry_jumppad:
0x0: {  	(pc) =	sbr.rel $0x88, $3  }
0x1: {  	(tag) =	ssettag $0x0;
	lr =	simm.s32 $0x1  }
0x2: {  	[smem:$0x3F8F] =	sst lr;
	_ =	strace $0xD0000000  }
0x3: {  	_ = 	snop  }
0x4: {  	_ = 	snop  }
0x5: {  	_ = 	snop  }
0x6: {  	_ = 	snop  }
0x7: {  	_ = 	snop  }
__scs_overlays_trampoline_lowered:
0x8: {  	[smem:$0x3F9E] =	sst s0  }
0x9: {  	[smem:$0x3F9F] =	sst s1  }
0xa: {  	[smem:$0x3FA0] =	sst s2  }
0xb: {  	[smem:$0x3FA1] =	sst s3  }
0xc: {  	[smem:$0x3FA2] =	sst s4  }
0xd: {  	[smem:$0x3FA3] =	sst s5  }
0xe: {  	[smem:$0x3FA4] =	sst s6  }
0xf: {  	[smem:$0x3FA5] =	sst s7  }
0x10: {  	[smem:$0x3FA6] =	sst s8  }
0x11: {  	[smem:$0x3FA7] =	sst s9;
	s0 =	simm.s32 @!p0 $0x0  }
0x12: {  	s1 =	sld [smem:$0x3F8D];
	s0 =	simm.s32 @p0 $0x1  }
0x13: {  	[smem:$0x3FA8] =	sst s0;
	s0 =	simm.s32 @!p1 $0x0  }
0x14: {  	s2 =	sld [smem:$0x3F8C];
	s0 =	simm.s32 @p1 $0x1  }
0x15: {  	[smem:$0x3FA9] =	sst s0;
	s0 =	simm.s32 @!p2 $0x0  }
0x16: {  	s3 =	sld [smem:$0x3FDB];
	s0 =	simm.s32 @p2 $0x1  }
0x17: {  	s4 =	simm.s32 $0x1BF5;
	[smem:$0x3FAB] =	sst s0  }
0x18: {  	s0 =	sld [smem:$0x3F8E];
	_ =	swait.ge [sflag:s4], $0x0  }
0x19: {  	s7 =	sld [smem:$0x3F8F]  }
0x1a: {  	s8 =	sadd.s32 $0xFFFFE003, lr  }
0x1b: {  	s9 =	sadd.s32 $0xFFFFFEF7, lr;
	s5 =	simm.s32 $0xFFFFFFFF;
	p2 =	slt.u32 s8, $0xFFFFF086  }
0x1c: {  	p1 =	slt.u32 s9, $0xF7A;
	s5 =	simm.s32 @!p2 $0x0  }
0x1d: {  	s5 =	simm.s32 @p1 $0x1;
	p0 =	seq.s32 s7, s2  }
0x1e: {  	s7 =	smul.u32 @!p0 $0xF7A, s2;
	p2 =	seq.s32 @!p0 s5, $0x0  }
0x1f: {  	s9 =	smul.u32 $0xF7A, s1;
	s8 =	simm.s32 @!p0 $0x1BF5;
	p2 =	por !p2, p0  }
0x20: {  	[sflag:s8] =	ssyncset.s32 @!p0 $0xFFFFF086;
	s6 =	sadd.s32 @!p0 s3, s7;
	s7 =	simm.s32 @!p0 $0x108  }
0x21: {  	s3 =	sadd.s32 s3, s9;
	s6 =	sadd.s32 @!p0 $0x88, s6;
	s7 =	simm.s32 @p2 $0x1082  }
0x22: {  	[simem:s7], [sflag:s8] =	dma.local @!p0 [hbm:s6], $0xF7A  }
0x23: {  	s9 =	sor.u32 $0xD0000000, s2;
	s6 =	simm.s32 $0x108;
	_ =	swait.ge @!p0 [sflag:s8], $0x0  }
0x24: {  	s3 =	sadd.s32 $0x88, s3;
	s6 =	simm.s32 @!p1 $0x1082;
	[sflag:s4] =	ssyncset.s32 $0xFFFFF086  }
0x25: {  	[simem:s6], [sflag:s4] =	dma.local [hbm:s3], $0xF7A  }
0x26: {  	[smem:$0x3F8F] =	sst s1;
	(tag) =	ssettag s2;
	_ =	strace s9  }
0x27: {  	s1 =	sld [smem:$0x3F9F]  }
0x28: {  	s2 =	sld [smem:$0x3FA0]  }
0x29: {  	s4 =	sld [smem:$0x3FA2]  }
0x2a: {  	p0 =	seq.s32 s5, $0x0;
	s5 =	sld [smem:$0x3FA3]  }
0x2b: {  	s6 =	sld [smem:$0x3FA4]  }
0x2c: {  	s7 =	sld [smem:$0x3FA5]  }
0x2d: {  	s3 =	simm.s32 $0x108;
	s8 =	sld [smem:$0x3FA6]  }
0x2e: {  	s3 =	simm.s32 @!p0 $0x1082;
	s9 =	sld [smem:$0x3FA7]  }
0x2f: {  	lr =	sadd.s32 s0, s3;
	s0 =	sld [smem:$0x3F9E]  }
0x30: {  	s3 =	sld [smem:$0x3FA1]  }
0x31: {  	[smem:$0x3FAA] =	sst s10  }
0x32: {  	s10 =	sld [smem:$0x3FA8];
	_ =	sdelay $0x3  }
0x33: {  	p0 =	seq.s32 s10, $0x1;
	s10 =	sld [smem:$0x3FAA];
	_ =	sdelay $0x3  }
0x34: {  	[smem:$0x3FAA] =	sst s10  }
0x35: {  	s10 =	sld [smem:$0x3FA9];
	_ =	sdelay $0x3  }
0x36: {  	p1 =	seq.s32 s10, $0x1;
	s10 =	sld [smem:$0x3FAA];
	_ =	sdelay $0x3  }
0x37: {  	[smem:$0x3FAA] =	sst s10  }
0x38: {  	s10 =	sld [smem:$0x3FAB]  }
0x39: {  	_ = 	snop;
	(pc) =	sbr.ind lr, $3  }
0x3a: {  	_ = 	snop  }
0x3b: {  	_ = 	snop  }
0x3c: {  	p2 =	seq.s32 s10, $0x1;
	s10 =	sld [smem:$0x3FAA]  }
0x3d: {  	_ =	shalt  }
0x3e: {  	_ =	shalt  }
0x3f: {  	_ =	shalt  }
0x40: {  	_ =	shalt  }
0x41: {  	_ =	shalt  }
0x42: {  	_ =	shalt  }
0x43: {  	_ =	shalt  }
0x44: {  	_ =	shalt  }
0x45: {  	_ =	shalt  }
0x46: {  	_ =	shalt  }
0x47: {  	_ =	shalt  }
0x48: {  	_ =	shalt  }
0x49: {  	_ =	shalt  }
0x4a: {  	_ =	shalt  }
0x4b: {  	_ =	shalt  }
0x4c: {  	_ =	shalt  }
0x4d: {  	_ =	shalt  }
0x4e: {  	_ =	shalt  }
0x4f: {  	_ =	shalt  }
0x50: {  	_ =	shalt  }
0x51: {  	_ =	shalt  }
0x52: {  	_ =	shalt  }
0x53: {  	_ =	shalt  }
0x54: {  	_ =	shalt  }
0x55: {  	_ =	shalt  }
0x56: {  	_ =	shalt  }
0x57: {  	_ =	shalt  }
0x58: {  	_ =	shalt  }
0x59: {  	_ =	shalt  }
0x5a: {  	_ =	shalt  }
0x5b: {  	_ =	shalt  }
0x5c: {  	_ =	shalt  }
0x5d: {  	_ =	shalt  }
0x5e: {  	_ =	shalt  }
0x5f: {  	_ =	shalt  }
0x60: {  	_ =	shalt  }
0x61: {  	_ =	shalt  }
0x62: {  	_ =	shalt  }
0x63: {  	_ =	shalt  }
0x64: {  	_ =	shalt  }
0x65: {  	_ =	shalt  }
0x66: {  	_ =	shalt  }
0x67: {  	_ =	shalt  }
0x68: {  	_ =	shalt  }
0x69: {  	_ =	shalt  }
0x6a: {  	_ =	shalt  }
0x6b: {  	_ =	shalt  }
0x6c: {  	_ =	shalt  }
0x6d: {  	_ =	shalt  }
0x6e: {  	_ =	shalt  }
0x6f: {  	_ =	shalt  }
0x70: {  	_ =	shalt  }
0x71: {  	_ =	shalt  }
0x72: {  	_ =	shalt  }
0x73: {  	_ =	shalt  }
0x74: {  	_ =	shalt  }
0x75: {  	_ =	shalt  }
0x76: {  	_ =	shalt  }
0x77: {  	_ =	shalt  }
0x78: {  	_ =	shalt  }
0x79: {  	_ =	shalt  }
0x7a: {  	_ =	shalt  }
0x7b: {  	_ =	shalt  }
0x7c: {  	_ =	shalt  }
0x7d: {  	_ =	shalt  }
0x7e: {  	_ =	shalt  }
0x7f: {  	_ =	shalt  }
0x80: {  	_ =	shalt  }
0x81: {  	_ =	shalt  }
0x82: {  	_ =	shalt  }
0x83: {  	_ =	shalt  }
0x84: {  	_ =	shalt  }
0x85: {  	_ =	shalt  }
0x86: {  	_ =	shalt  }
0x87: {  	_ =	shalt  }
.Lfunc_end0:
.L_simem_size_0:
called_computation.1_lowered:
.L_overlay_start_0:
0x88: {  	s2 =	sld [smem:$0x3FD9]  }
0x89: {  	s3 =	sld [smem:$0x3FFE];
	_ =	sdelay $0x1  }
0x8a: {  	s1 =	srdreg.scid  }
0x8b: {  	s0 =	sand.u32 $0x1, s1  }
0x8c: {  	s17 =	sshll.u32 s0, $0xA;
	s2 =	sadd.s32 s3, s2  }
0x8d: {  	s2 =	sadd.s32 s2, s17  }
0x8e: {  	[smem:$0x3FB6] =	sst s2  }
0x8f: {  	_ = 	snop  }
0x90: {  	(tm) =	ssettm $0x1  }
0x91: {  	s18 =	sld [smem:$0x3FFB];
	_ =	sdelay $0x3  }
0x92: {  	_ =	strace s18  }
0x93: {  	s2 =	sld [smem:$0x3FFC];
	_ =	sdelay $0x3  }
0x94: {  	_ =	strace s2  }
0x95: {  	s2 =	sld [smem:$0x3FFD];
	_ =	sdelay $0x3  }
0x96: {  	_ =	strace s2  }
0x97: {  	_ =	strace $0x8FFFFFFF  }
0x98: {  	s19 =	sld [smem:$0x3FDB];
	_ =	sdelay $0x1  }
0x99: {  	s20 =	simm.s32 $_scs_section_size  }
0x9a: {  	s4 =	simm.s32 $_size__tile_overlayer_lowered;
	s5 =	simm.s32 $_tile_overlayer_lowered  }
0x9b: {  	s6 =	simm.s32 $0x1BFF;
	s21 =	sshll.u32 s5, $0x1;
	s3 =	sadd.s32 s20, s19  }
0x9c: {  	s22 =	simm.s32 $0x0;
	s4 =	sshll.u32 s4, $0x1;
	s5 =	sadd.s32 s21, s3  }
0x9d: {  	[timem:s22], [sflag:s6] =	dma.local [hbm:s5], s4  }
0x9e: {  	_ =	swait.ge [sflag:s6], s4  }
0x9f: {  	s4 =	ssub.s32 $0x0, s4;
	[sflag:s6] =	ssyncset.done $0x0  }
0xa0: {  	[sflag:s6] =	ssyncadd.s32 s4;
	_ =	sdelay $0x1  }
0xa1: {  	s23 =	simm.s32 $0x1B8B  }
0xa2: {  	_ =	swait.ge [sflag:s23], $0x1  }
0xa3: {  	[sflag:s23] =	ssyncset.done $0x0  }
0xa4: {  	[sflag:s23] =	ssyncadd.s32 $0xFFFFFFFF  }
0xa5: {  	s4 =	sld [smem:$0x0]  }
0xa6: {  	s5 =	sand.u32 $0xFFFFFFFE, s1  }
0xa7: {  	p0 =	sne.s32 s1, s5  }
0xa8: {  	s5 =	sshll.u32 @p0 s5, $0xE  }
0xa9: {  	s5 =	sadd.s32 @p0 $0x11B8D, s5;
	s6 =	sshll.u32 @p0 s4, $0x11  }
0xaa: {  	s5 =	sor.u32 @p0 s6, s5  }
0xab: {  	[sflag:s5] =	ssyncadd.remote.s32 @p0 $0x1;
	_ =	sdelay $0x1  }
0xac: {  	s5 =	simm.s32 @p0 $0x1B8D  }
0xad: {  	_ =	swait.eq @p0 [sflag:s5], $0x1  }
0xae: {  	[sflag:s5] =	ssyncadd.s32 @p0 $0xFFFFFFFF  }
0xaf: {  	s6 =	sshll.u32 @!p0 s1, $0xE  }
0xb0: {  	s6 =	sor.u32 @!p0 $0x4000, s6;
	s5 =	simm.s32 @!p0 $0x1B8D  }
0xb1: {  	s4 =	sshll.u32 @!p0 s4, $0x11;
	s6 =	sadd.s32 @!p0 $0x11B8D, s6;
	_ =	swait.eq @!p0 [sflag:s5], $0x1  }
0xb2: {  	s4 =	sor.u32 @!p0 s4, s6;
	[sflag:s5] =	ssyncadd.s32 @!p0 $0xFFFFFFFF  }
0xb3: {  	s25 =	simm.s32 $0x1B8E;
	s24 =	sld [smem:$0x3FFE];
	[sflag:s4] =	ssyncadd.remote.s32 @!p0 $0x1  }
0xb4: {  	s26 =	simm.s32 $execute0_lowered;
	[smem:$0x3FD2] =	sst s25  }
0xb5: {  	s5 =	sshll.u32 s26, $0x1;
	_ =	strace $0x80000049;
	[dreg:$0x1] =	wrdreg $0xFFFFFFFF  }
0xb6: {  	s28 =	simm.s32 $_size_execute0_lowered;
	s3 =	sadd.s32 s3, s5;
	[dreg:$0x0] =	wrdreg $0x0  }
0xb7: {  	s5 =	sshll.u32 s28, $0x1;
	[dreg:$0x2] =	wrdreg s3  }
0xb8: {  	[dreg:$0x3] =	wrdreg s5  }
0xb9: {  	[dreg:$0x4] =	wrdreg $0xC0  }
0xba: {  	_ =	task [dreg:s22], $0x5FFFF  }
0xbb: {  	[dreg:$0x1] =	wrdreg $0xFFFFFFFF  }
0xbc: {  	[dreg:$0x0] =	wrdreg $0x60  }
0xbd: {  	[dreg:$0x2] =	wrdreg s24  }
0xbe: {  	[dreg:$0x3] =	wrdreg $0xA  }
0xbf: {  	_ =	task.clear_ibuf [dreg:s22], $0x4FFFF;
	_ =	strace $0x90000049  }
0xc0: {  	s29 =	simm.s32 $0xA;
	_ =	strace $0x8000004B  }
0xc1: {  	_ =	swait.ge [sflag:s29], $0x1  }
0xc2: {  	[sflag:s29] =	ssyncadd.s32 $0xFFFFFFFF  }
0xc3: {  	_ =	strace $0x9000004B  }
0xc4: {  	_ =	sfence  }
0xc5: {  	s30 =	sld [smem:$0x0];
	_ =	sdelay $0x2  }
0xc6: {  	s31 =	sshll.u32 s1, $0xD;
	s1 =	sshrl.u32 s1, $0x2  }
0xc7: {  	s4 =	sand.u32 $0x4000, s31;
	s1 =	sadd.s32 s1, s30  }
0xc8: {  	s0 =	sor.u32 s4, s0;
	s1 =	sshll.u32 s1, $0x11  }
0xc9: {  	s0 =	sor.u32 s1, s0  }
0xca: {  	s0 =	sadd.s32 $0x8F2B, s0  }
0xcb: {  	[sflag:s0] =	ssyncadd.remote.s32 $0x1  }
0xcc: {  	_ =	sfence.sel $0xFFFF  }
0xcd: {  	[dreg:$0x0] =	wrdreg $0xFFFFFFFF;
	(pc) =	sbr.abs _section_cstart, $3  }
0xce: {  	[dreg:$0x1] =	wrdreg $0xFFFFFFFF  }
0xcf: {  	_ =	task.clear_ibuf [dreg:s22], $0x2FFFF;
	_ =	strace $0x9FFFFFFF  }
0xd0: {  	(tm) =	ssettm $0x7FFFFFFF  }
0xd1: {  	_ =	shalt  }
tec
execute0_lowered:
.L_overlay_start_1:
0x0: {  	(tag) =	ssettag $0x1  }
0x1: {  	s0 =	srdreg.scid;
	s2 =	stileid.u32  }
0x2: {  	s1 =	sand.u32 $0x1, s0;
	s20 =	sshll.u32 s2, $0x1  }
0x3: {  	s2 =	sor.u32 s1, s20  }
0x4: {  	s0 =	rddreg [dreg:$0x0];
	s3 =	smul.u32 $0x1A0, s2;
	s2 =	simm.s32 $0x0  }
0x5: {  	s21 =	simm.s32 $0xD80;
	[smem:$0x7FF] =	sst s2  }
0x6: {  	s22 =	simm.s32 $0x100;
	_ =	strace $0x8000004A;
	[dreg:$0x4] =	wrdreg s21  }
0x7: {  	s23 =	simm.s32 $0xE00;
	[dreg:$0x5] =	wrdreg s22  }
0x8: {  	s24 =	simm.s32 $0x180;
	[dreg:$0x6] =	wrdreg s23  }
0x9: {  	s25 =	simm.s32 $0xE80;
	[dreg:$0x7] =	wrdreg s24  }
0xa: {  	s26 =	simm.s32 $0x200;
	[dreg:$0x8] =	wrdreg s25  }
0xb: {  	s5 =	simm.s32 $0x280;
	[dreg:$0x9] =	wrdreg s26  }
0xc: {  	s6 =	simm.s32 $0xF80;
	[dreg:$0xb] =	wrdreg s5  }
0xd: {  	s7 =	simm.s32 $0x300;
	[dreg:$0xc] =	wrdreg s6  }
0xe: {  	s8 =	simm.s32 $0x1000;
	[dreg:$0xd] =	wrdreg s7  }
0xf: {  	s9 =	simm.s32 $0x380;
	[dreg:$0xe] =	wrdreg s8  }
0x10: {  	s10 =	simm.s32 $0x1080;
	[dreg:$0xf] =	wrdreg s9  }
0x11: {  	s11 =	simm.s32 $0x400;
	[dreg:$0x10] =	wrdreg s10  }
0x12: {  	s12 =	simm.s32 $0x1100;
	[dreg:$0x11] =	wrdreg s11  }
0x13: {  	s13 =	simm.s32 $0x480;
	[dreg:$0x12] =	wrdreg s12  }
0x14: {  	s14 =	simm.s32 $0x1180;
	[dreg:$0x13] =	wrdreg s13  }
0x15: {  	s15 =	simm.s32 $0x500;
	[dreg:$0x14] =	wrdreg s14  }
0x16: {  	s16 =	simm.s32 $0x1200;
	[dreg:$0x15] =	wrdreg s15  }
0x17: {  	s17 =	simm.s32 $0x580;
	[dreg:$0x16] =	wrdreg s16  }
0x18: {  	s18 =	simm.s32 $0x1280;
	[dreg:$0x17] =	wrdreg s17  }
0x19: {  	s19 =	simm.s32 $0x600;
	[dreg:$0x18] =	wrdreg s18  }
0x1a: {  	s20 =	simm.s32 $0x1300;
	[dreg:$0x19] =	wrdreg s19  }
0x1b: {  	[dreg:$0x1a] =	wrdreg s20;
	s21 =	simm.s32 $0x680  }
0x1c: {  	s22 =	simm.s32 $0x1380;
	[dreg:$0x1b] =	wrdreg s21  }
0x1d: {  	s3 =	sadd.s32 s3, s0;
	s5 =	simm.s32 $0x700;
	[dreg:$0x1c] =	wrdreg s22  }
0x1e: {  	s4 =	sadd.s32 $0x2600, s3;
	[dreg:$0x1d] =	wrdreg s5  }
0x1f: {  	s3 =	sadd.s32 $0x58C00, s3;
	[dreg:$0x2] =	wrdreg s4  }
0x20: {  	[dreg:$0x3] =	wrdreg s3;
	s4 =	simm.s32 $0xF00  }
0x21: {  	[dreg:$0xa] =	wrdreg s4  }
0x22: {  	s3 =	simm.s32 $0x2;
	s4 =	rddreg [dreg:$0x2]  }
0x23: {  	[tilespmem:s2], [sflag:$0x2] =	stream.linear.gather [hbm4b:s4+s2], $0xD00, $0x38;
	[tilespmem:$0x1A00] =	vst v63  }
0x24: {  	_ =	swait.ge [sflag:s3], $0xD00  }
0x25: {  	s7 =	rddreg [dreg:$0x1c]  }
0x26: {  	s8 =	rddreg [dreg:$0x1a]  }
0x27: {  	s9 =	rddreg [dreg:$0x18]  }
0x28: {  	s10 =	rddreg [dreg:$0x16]  }
0x29: {  	s11 =	rddreg [dreg:$0x14]  }
0x2a: {  	s12 =	rddreg [dreg:$0x12]  }
0x2b: {  	s13 =	rddreg [dreg:$0x10]  }
0x2c: {  	s14 =	rddreg [dreg:$0xe]  }
0x2d: {  	s15 =	rddreg [dreg:$0xc]  }
0x2e: {  	s6 =	simm.s32 $0x80;
	s16 =	rddreg [dreg:$0xa]  }
0x2f: {  	s5 =	sadd.s32 $0x55A00, s0;
	s23 =	rddreg [dreg:$0x5];
	[sflag:s3] =	ssyncset.done $0x0  }
0x30: {  	s4 =	simm.s32 $0xD00;
	s17 =	rddreg [dreg:$0x4];
	[sflag:s3] =	ssyncadd.s32 $0xFFFFF300  }
0x31: {  	[tilespmem:s4], [sflag:$0x1] =	stream.indirect.gather [hbm4b:s5+s6], $0x1, s2, s6, $0xb8;
	[tilespmem:$0x1A00] =	vst v63  }
0x32: {  	s18 =	rddreg [dreg:$0x6]  }
0x33: {  	[tilespmem:s17], [sflag:$0x1] =	stream.indirect.gather [hbm4b:s5+s6], $0x1, s6, s6, $0xb8;
	[tilespmem:$0x1A00] =	vst v63  }
0x34: {  	s19 =	rddreg [dreg:$0x8]  }
0x35: {  	[tilespmem:s18], [sflag:$0x1] =	stream.indirect.gather [hbm4b:s5+s6], $0x1, s23, s6, $0xb8;
	[tilespmem:$0x1A00] =	vst v63  }
0x36: {  	s24 =	rddreg [dreg:$0x7]  }
0x37: {  	[tilespmem:s19], [sflag:$0x1] =	stream.indirect.gather [hbm4b:s5+s6], $0x1, s24, s6, $0xb8;
	[tilespmem:$0x1A00] =	vst v63  }
0x38: {  	s25 =	rddreg [dreg:$0x9]  }
0x39: {  	[tilespmem:s16], [sflag:$0x1] =	stream.indirect.gather [hbm4b:s5+s6], $0x1, s25, s6, $0xb8;
	[tilespmem:$0x1A00] =	vst v63  }
0x3a: {  	s26 =	rddreg [dreg:$0xb]  }
0x3b: {  	[tilespmem:s15], [sflag:$0x1] =	stream.indirect.gather [hbm4b:s5+s6], $0x1, s26, s6, $0xb8;
	[tilespmem:$0x1A00] =	vst v63  }
0x3c: {  	s16 =	rddreg [dreg:$0xd]  }
0x3d: {  	[tilespmem:s14], [sflag:$0x1] =	stream.indirect.gather [hbm4b:s5+s6], $0x1, s16, s6, $0xb8;
	[tilespmem:$0x1A00] =	vst v63  }
0x3e: {  	s18 =	rddreg [dreg:$0xf]  }
0x3f: {  	[tilespmem:s13], [sflag:$0x1] =	stream.indirect.gather [hbm4b:s5+s6], $0x1, s18, s6, $0xb8;
	[tilespmem:$0x1A00] =	vst v63  }
0x40: {  	s19 =	rddreg [dreg:$0x11]  }
0x41: {  	[tilespmem:s12], [sflag:$0x1] =	stream.indirect.gather [hbm4b:s5+s6], $0x1, s19, s6, $0xb8;
	[tilespmem:$0x1A00] =	vst v63  }
0x42: {  	s20 =	rddreg [dreg:$0x13]  }
0x43: {  	[tilespmem:s11], [sflag:$0x1] =	stream.indirect.gather [hbm4b:s5+s6], $0x1, s20, s6, $0xb8;
	[tilespmem:$0x1A00] =	vst v63  }
0x44: {  	s21 =	rddreg [dreg:$0x15]  }
0x45: {  	[tilespmem:s10], [sflag:$0x1] =	stream.indirect.gather [hbm4b:s5+s6], $0x1, s21, s6, $0xb8;
	[tilespmem:$0x1A00] =	vst v63  }
0x46: {  	s22 =	rddreg [dreg:$0x17]  }
0x47: {  	[tilespmem:s9], [sflag:$0x1] =	stream.indirect.gather [hbm4b:s5+s6], $0x1, s22, s6, $0xb8;
	[tilespmem:$0x1A00] =	vst v63  }
0x48: {  	s23 =	rddreg [dreg:$0x19]  }
0x49: {  	[tilespmem:s8], [sflag:$0x1] =	stream.indirect.gather [hbm4b:s5+s6], $0x1, s23, s6, $0xb8;
	[tilespmem:$0x1A00] =	vst v63  }
0x4a: {  	s24 =	rddreg [dreg:$0x1b]  }
0x4b: {  	[tilespmem:s7], [sflag:$0x1] =	stream.indirect.gather [hbm4b:s5+s6], $0x1, s24, s6, $0xb8;
	[tilespmem:$0x1A00] =	vst v63  }
0x4c: {  	s25 =	rddreg [dreg:$0x1d];
	s26 =	simm.s32 $0x1400  }
0x4d: {  	[tilespmem:s26], [sflag:$0x1] =	stream.indirect.gather [hbm4b:s5+s6], $0x1, s25, s6, $0xb8;
	[tilespmem:$0x1A00] =	vst v63  }
0x4e: {  	s8 =	simm.s32 $0x1480;
	s7 =	simm.s32 $0x780  }
0x4f: {  	[tilespmem:s8], [sflag:$0x1] =	stream.indirect.gather [hbm4b:s5+s6], $0x1, s7, s6, $0xb8;
	[tilespmem:$0x1A00] =	vst v63  }
0x50: {  	s10 =	simm.s32 $0x1500;
	s9 =	simm.s32 $0x800  }
0x51: {  	[tilespmem:s10], [sflag:$0x1] =	stream.indirect.gather [hbm4b:s5+s6], $0x1, s9, s6, $0xb8;
	[tilespmem:$0x1A00] =	vst v63  }
0x52: {  	s12 =	simm.s32 $0x1580;
	s11 =	simm.s32 $0x880  }
0x53: {  	[tilespmem:s12], [sflag:$0x1] =	stream.indirect.gather [hbm4b:s5+s6], $0x1, s11, s6, $0xb8;
	[tilespmem:$0x1A00] =	vst v63  }
0x54: {  	s14 =	simm.s32 $0x1600;
	s13 =	simm.s32 $0x900  }
0x55: {  	[tilespmem:s14], [sflag:$0x1] =	stream.indirect.gather [hbm4b:s5+s6], $0x1, s13, s6, $0xb8;
	[tilespmem:$0x1A00] =	vst v63  }
0x56: {  	s15 =	simm.s32 $0x980;
	s16 =	simm.s32 $0x1680  }
0x57: {  	[tilespmem:s16], [sflag:$0x1] =	stream.indirect.gather [hbm4b:s5+s6], $0x1, s15, s6, $0xb8;
	[tilespmem:$0x1A00] =	vst v63  }
0x58: {  	s17 =	simm.s32 $0xA00;
	s18 =	simm.s32 $0x1700  }
0x59: {  	[tilespmem:s18], [sflag:$0x1] =	stream.indirect.gather [hbm4b:s5+s6], $0x1, s17, s6, $0xb8;
	[tilespmem:$0x1A00] =	vst v63  }
0x5a: {  	s20 =	simm.s32 $0xA80;
	s21 =	simm.s32 $0x1780  }
0x5b: {  	[tilespmem:s21], [sflag:$0x1] =	stream.indirect.gather [hbm4b:s5+s6], $0x1, s20, s6, $0xb8;
	[tilespmem:$0x1A00] =	vst v63  }
0x5c: {  	s22 =	simm.s32 $0xB00;
	s23 =	simm.s32 $0x1800  }
0x5d: {  	[tilespmem:s23], [sflag:$0x1] =	stream.indirect.gather [hbm4b:s5+s6], $0x1, s22, s6, $0xb8;
	[tilespmem:$0x1A00] =	vst v63  }
0x5e: {  	s25 =	simm.s32 $0xB80;
	s26 =	simm.s32 $0x1880  }
0x5f: {  	[tilespmem:s26], [sflag:$0x1] =	stream.indirect.gather [hbm4b:s5+s6], $0x1, s25, s6, $0xb8;
	[tilespmem:$0x1A00] =	vst v63  }
0x60: {  	s28 =	simm.s32 $0xC00;
	s29 =	simm.s32 $0x1900  }
0x61: {  	[tilespmem:s29], [sflag:$0x1] =	stream.indirect.gather [hbm4b:s5+s6], $0x1, s28, s6, $0xb8;
	[tilespmem:$0x1A00] =	vst v63  }
0x62: {  	s30 =	simm.s32 $0xC80;
	s31 =	simm.s32 $0x1980;
	s24 =	simm.s32 $0x1  }
0x63: {  	[tilespmem:s31], [sflag:$0x1] =	stream.indirect.gather [hbm4b:s5+s6], $0x1, s30, s6, $0xb8;
	[tilespmem:$0x1A00] =	vst v63  }
0x64: {  	_ =	swait.ge [sflag:s24], $0x80  }
0x65: {  	[sflag:s24] =	ssyncset.done $0x0  }
0x66: {  	[sflag:s24] =	ssyncadd.s32 $0xFFFFFF80  }
0x67: {  	_ =	swait.ge [sflag:s24], $0x80  }
0x68: {  	[sflag:s24] =	ssyncset.done $0x0  }
0x69: {  	[sflag:s24] =	ssyncadd.s32 $0xFFFFFF80  }
0x6a: {  	_ =	swait.ge [sflag:s24], $0x80  }
0x6b: {  	[sflag:s24] =	ssyncset.done $0x0  }
0x6c: {  	[sflag:s24] =	ssyncadd.s32 $0xFFFFFF80  }
0x6d: {  	_ =	swait.ge [sflag:s24], $0x80  }
0x6e: {  	[sflag:s24] =	ssyncset.done $0x0  }
0x6f: {  	[sflag:s24] =	ssyncadd.s32 $0xFFFFFF80  }
0x70: {  	_ =	swait.ge [sflag:s24], $0x80  }
0x71: {  	[sflag:s24] =	ssyncset.done $0x0  }
0x72: {  	[sflag:s24] =	ssyncadd.s32 $0xFFFFFF80  }
0x73: {  	_ =	swait.ge [sflag:s24], $0x80  }
0x74: {  	[sflag:s24] =	ssyncset.done $0x0  }
0x75: {  	[sflag:s24] =	ssyncadd.s32 $0xFFFFFF80  }
0x76: {  	_ =	swait.ge [sflag:s24], $0x80  }
0x77: {  	[sflag:s24] =	ssyncset.done $0x0  }
0x78: {  	[sflag:s24] =	ssyncadd.s32 $0xFFFFFF80  }
0x79: {  	_ =	swait.ge [sflag:s24], $0x80  }
0x7a: {  	[sflag:s24] =	ssyncset.done $0x0  }
0x7b: {  	[sflag:s24] =	ssyncadd.s32 $0xFFFFFF80  }
0x7c: {  	_ =	swait.ge [sflag:s24], $0x80  }
0x7d: {  	[sflag:s24] =	ssyncset.done $0x0  }
0x7e: {  	[sflag:s24] =	ssyncadd.s32 $0xFFFFFF80  }
0x7f: {  	_ =	swait.ge [sflag:s24], $0x80  }
0x80: {  	[sflag:s24] =	ssyncset.done $0x0  }
0x81: {  	[sflag:s24] =	ssyncadd.s32 $0xFFFFFF80  }
0x82: {  	_ =	swait.ge [sflag:s24], $0x80  }
0x83: {  	[sflag:s24] =	ssyncset.done $0x0  }
0x84: {  	[sflag:s24] =	ssyncadd.s32 $0xFFFFFF80  }
0x85: {  	_ =	swait.ge [sflag:s24], $0x80  }
0x86: {  	[sflag:s24] =	ssyncset.done $0x0  }
0x87: {  	[sflag:s24] =	ssyncadd.s32 $0xFFFFFF80  }
0x88: {  	_ =	swait.ge [sflag:s24], $0x80  }
0x89: {  	[sflag:s24] =	ssyncset.done $0x0  }
0x8a: {  	[sflag:s24] =	ssyncadd.s32 $0xFFFFFF80  }
0x8b: {  	_ =	swait.ge [sflag:s24], $0x80  }
0x8c: {  	[sflag:s24] =	ssyncset.done $0x0  }
0x8d: {  	[sflag:s24] =	ssyncadd.s32 $0xFFFFFF80  }
0x8e: {  	_ =	swait.ge [sflag:s24], $0x80  }
0x8f: {  	[sflag:s24] =	ssyncset.done $0x0  }
0x90: {  	[sflag:s24] =	ssyncadd.s32 $0xFFFFFF80  }
0x91: {  	_ =	swait.ge [sflag:s24], $0x80  }
0x92: {  	[sflag:s24] =	ssyncset.done $0x0  }
0x93: {  	[sflag:s24] =	ssyncadd.s32 $0xFFFFFF80  }
0x94: {  	_ =	swait.ge [sflag:s24], $0x80  }
0x95: {  	[sflag:s24] =	ssyncset.done $0x0  }
0x96: {  	[sflag:s24] =	ssyncadd.s32 $0xFFFFFF80  }
0x97: {  	_ =	swait.ge [sflag:s24], $0x80  }
0x98: {  	[sflag:s24] =	ssyncset.done $0x0  }
0x99: {  	[sflag:s24] =	ssyncadd.s32 $0xFFFFFF80  }
0x9a: {  	_ =	swait.ge [sflag:s24], $0x80  }
0x9b: {  	[sflag:s24] =	ssyncset.done $0x0  }
0x9c: {  	[sflag:s24] =	ssyncadd.s32 $0xFFFFFF80  }
0x9d: {  	_ =	swait.ge [sflag:s24], $0x80  }
0x9e: {  	[sflag:s24] =	ssyncset.done $0x0  }
0x9f: {  	[sflag:s24] =	ssyncadd.s32 $0xFFFFFF80  }
0xa0: {  	s19 =	ssub.s32 $0x2, s1;
	_ =	swait.ge [sflag:s24], $0x80  }
0xa1: {  	s1 =	sshrl.u32 s19, $0x1;
	[sflag:s24] =	ssyncset.done $0x0  }
0xa2: {  	s0 =	ssub.s32 s19, s1;
	[sflag:s24] =	ssyncadd.s32 $0xFFFFFF80  }
0xa3: {  	s0 =	smax.u32 s0, $0x1;
	_ =	swait.ge [sflag:s24], $0x80  }
0xa4: {  	p0 =	sne.s32 s0, $0x1;
	[sflag:s24] =	ssyncset.done $0x0  }
.Ltmp0:
0xa5: {  	[sflag:s24] =	ssyncadd.s32 $0xFFFFFF80;
	(pc) =	sbr.rel @!p0 .LBB2_2-.Ltmp0, $4  }
0xa6: {  	_ =	swait.ge [sflag:s24], $0x80  }
0xa7: {  	[sflag:s24] =	ssyncset.done $0x0  }
0xa8: {  	[sflag:s24] =	ssyncadd.s32 $0xFFFFFF80  }
0xa9: {  	s1 =	sadd.s32 $0xFFFFFFFF, s0;
	_ =	swait.ge [sflag:s24], $0x80  }
.LBB2_1:
0xaa: {  	[sflag:s24] =	ssyncset.done $0x0  }
0xab: {  	[sflag:s24] =	ssyncadd.s32 $0xFFFFFF80  }
0xac: {  	_ =	swait.ge [sflag:s24], $0x80  }
0xad: {  	[sflag:s24] =	ssyncset.done $0x0  }
0xae: {  	[sflag:s24] =	ssyncadd.s32 $0xFFFFFF80  }
0xaf: {  	_ =	swait.ge [sflag:s24], $0x80  }
0xb0: {  	[sflag:s24] =	ssyncset.done $0x0  }
0xb1: {  	s0 =	rddreg [dreg:$0x3];
	[sflag:s24] =	ssyncadd.s32 $0xFFFFFF80  }
0xb2: {  	[hbm4b:s0+s2] =	stream.linear.scatter [tilespmem:s4], [sflag:$0x2], $0xD00, $0x38;
	[tilespmem:$0x1A00] =	vst v63  }
0xb3: {  	_ =	swait.ge [sflag:s3], $0xD00  }
0xb4: {  	[sflag:s3] =	ssyncset.done $0x0  }
0xb5: {  	s17 =	rddreg [dreg:$0x2];
	[sflag:s3] =	ssyncadd.s32 $0xFFFFF300  }
0xb6: {  	[tilespmem:s2], [sflag:$0x2] =	stream.linear.gather [hbm4b:s17+s2], $0xD00, $0x38;
	[tilespmem:$0x1A00] =	vst v63  }
0xb7: {  	_ =	swait.ge [sflag:s3], $0xD00  }
0xb8: {  	s0 =	rddreg [dreg:$0x1c]  }
0xb9: {  	s7 =	rddreg [dreg:$0x1a]  }
0xba: {  	s8 =	rddreg [dreg:$0x18]  }
0xbb: {  	s9 =	rddreg [dreg:$0x16]  }
0xbc: {  	s10 =	rddreg [dreg:$0x14]  }
0xbd: {  	s11 =	rddreg [dreg:$0x12]  }
0xbe: {  	s12 =	rddreg [dreg:$0x10]  }
0xbf: {  	s13 =	rddreg [dreg:$0xe]  }
0xc0: {  	s14 =	rddreg [dreg:$0xc]  }
0xc1: {  	s15 =	rddreg [dreg:$0xa]  }
0xc2: {  	s16 =	rddreg [dreg:$0x5];
	[sflag:s3] =	ssyncset.done $0x0  }
0xc3: {  	s17 =	rddreg [dreg:$0x4];
	[sflag:s3] =	ssyncadd.s32 $0xFFFFF300  }
0xc4: {  	[tilespmem:s4], [sflag:$0x1] =	stream.indirect.gather [hbm4b:s5+s6], $0x1, s2, s6, $0xb8;
	[tilespmem:$0x1A00] =	vst v63  }
0xc5: {  	s18 =	rddreg [dreg:$0x6]  }
0xc6: {  	[tilespmem:s17], [sflag:$0x1] =	stream.indirect.gather [hbm4b:s5+s6], $0x1, s6, s6, $0xb8;
	[tilespmem:$0x1A00] =	vst v63  }
0xc7: {  	s19 =	rddreg [dreg:$0x8]  }
0xc8: {  	[tilespmem:s18], [sflag:$0x1] =	stream.indirect.gather [hbm4b:s5+s6], $0x1, s16, s6, $0xb8;
	[tilespmem:$0x1A00] =	vst v63  }
0xc9: {  	s17 =	rddreg [dreg:$0x7]  }
0xca: {  	[tilespmem:s19], [sflag:$0x1] =	stream.indirect.gather [hbm4b:s5+s6], $0x1, s17, s6, $0xb8;
	[tilespmem:$0x1A00] =	vst v63  }
0xcb: {  	s18 =	rddreg [dreg:$0x9]  }
0xcc: {  	[tilespmem:s15], [sflag:$0x1] =	stream.indirect.gather [hbm4b:s5+s6], $0x1, s18, s6, $0xb8;
	[tilespmem:$0x1A00] =	vst v63  }
0xcd: {  	s19 =	rddreg [dreg:$0xb]  }
0xce: {  	[tilespmem:s14], [sflag:$0x1] =	stream.indirect.gather [hbm4b:s5+s6], $0x1, s19, s6, $0xb8;
	[tilespmem:$0x1A00] =	vst v63  }
0xcf: {  	s16 =	rddreg [dreg:$0xd]  }
0xd0: {  	[tilespmem:s13], [sflag:$0x1] =	stream.indirect.gather [hbm4b:s5+s6], $0x1, s16, s6, $0xb8;
	[tilespmem:$0x1A00] =	vst v63  }
0xd1: {  	s17 =	rddreg [dreg:$0xf]  }
0xd2: {  	[tilespmem:s12], [sflag:$0x1] =	stream.indirect.gather [hbm4b:s5+s6], $0x1, s17, s6, $0xb8;
	[tilespmem:$0x1A00] =	vst v63  }
0xd3: {  	s18 =	rddreg [dreg:$0x11]  }
0xd4: {  	[tilespmem:s11], [sflag:$0x1] =	stream.indirect.gather [hbm4b:s5+s6], $0x1, s18, s6, $0xb8;
	[tilespmem:$0x1A00] =	vst v63  }
0xd5: {  	s19 =	rddreg [dreg:$0x13]  }
0xd6: {  	[tilespmem:s10], [sflag:$0x1] =	stream.indirect.gather [hbm4b:s5+s6], $0x1, s19, s6, $0xb8;
	[tilespmem:$0x1A00] =	vst v63  }
0xd7: {  	s14 =	rddreg [dreg:$0x15]  }
0xd8: {  	[tilespmem:s9], [sflag:$0x1] =	stream.indirect.gather [hbm4b:s5+s6], $0x1, s14, s6, $0xb8;
	[tilespmem:$0x1A00] =	vst v63  }
0xd9: {  	s15 =	rddreg [dreg:$0x17]  }
0xda: {  	[tilespmem:s8], [sflag:$0x1] =	stream.indirect.gather [hbm4b:s5+s6], $0x1, s15, s6, $0xb8;
	[tilespmem:$0x1A00] =	vst v63  }
0xdb: {  	s16 =	rddreg [dreg:$0x19]  }
0xdc: {  	[tilespmem:s7], [sflag:$0x1] =	stream.indirect.gather [hbm4b:s5+s6], $0x1, s16, s6, $0xb8;
	[tilespmem:$0x1A00] =	vst v63  }
0xdd: {  	s17 =	rddreg [dreg:$0x1b]  }
0xde: {  	[tilespmem:s0], [sflag:$0x1] =	stream.indirect.gather [hbm4b:s5+s6], $0x1, s17, s6, $0xb8;
	[tilespmem:$0x1A00] =	vst v63  }
0xdf: {  	s18 =	rddreg [dreg:$0x1d];
	s19 =	simm.s32 $0x1400  }
0xe0: {  	[tilespmem:s19], [sflag:$0x1] =	stream.indirect.gather [hbm4b:s5+s6], $0x1, s18, s6, $0xb8;
	[tilespmem:$0x1A00] =	vst v63  }
0xe1: {  	s9 =	simm.s32 $0x1480;
	s8 =	simm.s32 $0x780  }
0xe2: {  	[tilespmem:s9], [sflag:$0x1] =	stream.indirect.gather [hbm4b:s5+s6], $0x1, s8, s6, $0xb8;
	[tilespmem:$0x1A00] =	vst v63  }
0xe3: {  	s11 =	simm.s32 $0x1500;
	s10 =	simm.s32 $0x800  }
0xe4: {  	[tilespmem:s11], [sflag:$0x1] =	stream.indirect.gather [hbm4b:s5+s6], $0x1, s10, s6, $0xb8;
	[tilespmem:$0x1A00] =	vst v63  }
0xe5: {  	s13 =	simm.s32 $0x1580;
	s12 =	simm.s32 $0x880  }
0xe6: {  	[tilespmem:s13], [sflag:$0x1] =	stream.indirect.gather [hbm4b:s5+s6], $0x1, s12, s6, $0xb8;
	[tilespmem:$0x1A00] =	vst v63  }
0xe7: {  	s14 =	simm.s32 $0x900;
	s15 =	simm.s32 $0x1600  }
0xe8: {  	[tilespmem:s15], [sflag:$0x1] =	stream.indirect.gather [hbm4b:s5+s6], $0x1, s14, s6, $0xb8;
	[tilespmem:$0x1A00] =	vst v63  }
0xe9: {  	s16 =	simm.s32 $0x980;
	s17 =	simm.s32 $0x1680  }
0xea: {  	[tilespmem:s17], [sflag:$0x1] =	stream.indirect.gather [hbm4b:s5+s6], $0x1, s16, s6, $0xb8;
	[tilespmem:$0x1A00] =	vst v63  }
0xeb: {  	s18 =	simm.s32 $0xA00;
	s19 =	simm.s32 $0x1700  }
0xec: {  	[tilespmem:s19], [sflag:$0x1] =	stream.indirect.gather [hbm4b:s5+s6], $0x1, s18, s6, $0xb8;
	[tilespmem:$0x1A00] =	vst v63  }
0xed: {  	_ = 	snop  }
0xee: {  	[tilespmem:s21], [sflag:$0x1] =	stream.indirect.gather [hbm4b:s5+s6], $0x1, s20, s6, $0xb8;
	[tilespmem:$0x1A00] =	vst v63  }
0xef: {  	_ = 	snop  }
0xf0: {  	[tilespmem:s23], [sflag:$0x1] =	stream.indirect.gather [hbm4b:s5+s6], $0x1, s22, s6, $0xb8;
	[tilespmem:$0x1A00] =	vst v63  }
0xf1: {  	_ = 	snop  }
0xf2: {  	[tilespmem:s26], [sflag:$0x1] =	stream.indirect.gather [hbm4b:s5+s6], $0x1, s25, s6, $0xb8;
	[tilespmem:$0x1A00] =	vst v63  }
0xf3: {  	_ = 	snop  }
0xf4: {  	[tilespmem:s29], [sflag:$0x1] =	stream.indirect.gather [hbm4b:s5+s6], $0x1, s28, s6, $0xb8;
	[tilespmem:$0x1A00] =	vst v63  }
0xf5: {  	_ = 	snop  }
0xf6: {  	[tilespmem:s31], [sflag:$0x1] =	stream.indirect.gather [hbm4b:s5+s6], $0x1, s30, s6, $0xb8;
	[tilespmem:$0x1A00] =	vst v63  }
0xf7: {  	_ =	swait.ge [sflag:s24], $0x80  }
0xf8: {  	[sflag:s24] =	ssyncset.done $0x0  }
0xf9: {  	[sflag:s24] =	ssyncadd.s32 $0xFFFFFF80  }
0xfa: {  	_ =	swait.ge [sflag:s24], $0x80  }
0xfb: {  	[sflag:s24] =	ssyncset.done $0x0  }
0xfc: {  	[sflag:s24] =	ssyncadd.s32 $0xFFFFFF80  }
0xfd: {  	_ =	swait.ge [sflag:s24], $0x80  }
0xfe: {  	[sflag:s24] =	ssyncset.done $0x0  }
0xff: {  	[sflag:s24] =	ssyncadd.s32 $0xFFFFFF80  }
0x100: {  	_ =	swait.ge [sflag:s24], $0x80  }
0x101: {  	[sflag:s24] =	ssyncset.done $0x0  }
0x102: {  	[sflag:s24] =	ssyncadd.s32 $0xFFFFFF80  }
0x103: {  	_ =	swait.ge [sflag:s24], $0x80  }
0x104: {  	[sflag:s24] =	ssyncset.done $0x0  }
0x105: {  	[sflag:s24] =	ssyncadd.s32 $0xFFFFFF80  }
0x106: {  	_ =	swait.ge [sflag:s24], $0x80  }
0x107: {  	[sflag:s24] =	ssyncset.done $0x0  }
0x108: {  	[sflag:s24] =	ssyncadd.s32 $0xFFFFFF80  }
0x109: {  	_ =	swait.ge [sflag:s24], $0x80  }
0x10a: {  	[sflag:s24] =	ssyncset.done $0x0  }
0x10b: {  	[sflag:s24] =	ssyncadd.s32 $0xFFFFFF80  }
0x10c: {  	_ =	swait.ge [sflag:s24], $0x80  }
0x10d: {  	[sflag:s24] =	ssyncset.done $0x0  }
0x10e: {  	[sflag:s24] =	ssyncadd.s32 $0xFFFFFF80  }
0x10f: {  	_ =	swait.ge [sflag:s24], $0x80  }
0x110: {  	[sflag:s24] =	ssyncset.done $0x0  }
0x111: {  	[sflag:s24] =	ssyncadd.s32 $0xFFFFFF80  }
0x112: {  	_ =	swait.ge [sflag:s24], $0x80  }
0x113: {  	[sflag:s24] =	ssyncset.done $0x0  }
0x114: {  	[sflag:s24] =	ssyncadd.s32 $0xFFFFFF80  }
0x115: {  	_ =	swait.ge [sflag:s24], $0x80  }
0x116: {  	[sflag:s24] =	ssyncset.done $0x0  }
0x117: {  	[sflag:s24] =	ssyncadd.s32 $0xFFFFFF80  }
0x118: {  	_ =	swait.ge [sflag:s24], $0x80  }
0x119: {  	[sflag:s24] =	ssyncset.done $0x0  }
0x11a: {  	[sflag:s24] =	ssyncadd.s32 $0xFFFFFF80  }
0x11b: {  	_ =	swait.ge [sflag:s24], $0x80  }
0x11c: {  	[sflag:s24] =	ssyncset.done $0x0  }
0x11d: {  	[sflag:s24] =	ssyncadd.s32 $0xFFFFFF80  }
0x11e: {  	_ =	swait.ge [sflag:s24], $0x80  }
0x11f: {  	[sflag:s24] =	ssyncset.done $0x0  }
0x120: {  	[sflag:s24] =	ssyncadd.s32 $0xFFFFFF80  }
0x121: {  	_ =	swait.ge [sflag:s24], $0x80  }
0x122: {  	[sflag:s24] =	ssyncset.done $0x0  }
0x123: {  	[sflag:s24] =	ssyncadd.s32 $0xFFFFFF80  }
0x124: {  	_ =	swait.ge [sflag:s24], $0x80  }
0x125: {  	[sflag:s24] =	ssyncset.done $0x0  }
0x126: {  	[sflag:s24] =	ssyncadd.s32 $0xFFFFFF80  }
0x127: {  	_ =	swait.ge [sflag:s24], $0x80  }
0x128: {  	[sflag:s24] =	ssyncset.done $0x0  }
0x129: {  	[sflag:s24] =	ssyncadd.s32 $0xFFFFFF80  }
0x12a: {  	_ =	swait.ge [sflag:s24], $0x80  }
0x12b: {  	[sflag:s24] =	ssyncset.done $0x0  }
0x12c: {  	[sflag:s24] =	ssyncadd.s32 $0xFFFFFF80  }
0x12d: {  	_ =	swait.ge [sflag:s24], $0x80  }
0x12e: {  	[sflag:s24] =	ssyncset.done $0x0  }
0x12f: {  	[sflag:s24] =	ssyncadd.s32 $0xFFFFFF80  }
0x130: {  	_ =	swait.ge [sflag:s24], $0x80  }
0x131: {  	[sflag:s24] =	ssyncset.done $0x0  }
0x132: {  	[sflag:s24] =	ssyncadd.s32 $0xFFFFFF80  }
0x133: {  	_ =	swait.ge [sflag:s24], $0x80  }
0x134: {  	[sflag:s24] =	ssyncset.done $0x0  }
0x135: {  	[sflag:s24] =	ssyncadd.s32 $0xFFFFFF80  }
0x136: {  	_ =	swait.ge [sflag:s24], $0x80  }
0x137: {  	p0 =	sne.s32 s1, $0x1;
	[sflag:s24] =	ssyncset.done $0x0  }
.Ltmp1:
0x138: {  	[sflag:s24] =	ssyncadd.s32 $0xFFFFFF80;
	(pc) =	sbr.rel @p0 .LBB2_1-.Ltmp1, $4  }
0x139: {  	_ =	swait.ge [sflag:s24], $0x80  }
0x13a: {  	[sflag:s24] =	ssyncset.done $0x0  }
0x13b: {  	[sflag:s24] =	ssyncadd.s32 $0xFFFFFF80  }
0x13c: {  	s1 =	sadd.s32 $0xFFFFFFFF, s1;
	_ =	swait.ge [sflag:s24], $0x80  }
.LBB2_2:
0x13d: {  	[sflag:s24] =	ssyncset.done $0x0  }
0x13e: {  	[sflag:s24] =	ssyncadd.s32 $0xFFFFFF80  }
0x13f: {  	_ =	swait.ge [sflag:s24], $0x80  }
0x140: {  	[sflag:s24] =	ssyncset.done $0x0  }
0x141: {  	[sflag:s24] =	ssyncadd.s32 $0xFFFFFF80  }
0x142: {  	_ =	swait.ge [sflag:s24], $0x80  }
0x143: {  	[sflag:s24] =	ssyncset.done $0x0  }
0x144: {  	s0 =	rddreg [dreg:$0x3];
	[sflag:s24] =	ssyncadd.s32 $0xFFFFFF80  }
0x145: {  	[hbm4b:s0+s2] =	stream.linear.scatter [tilespmem:s4], [sflag:$0x2], $0xD00, $0x38;
	[tilespmem:$0x1A00] =	vst v63  }
0x146: {  	_ =	swait.ge [sflag:s3], $0xD00  }
0x147: {  	[sflag:s3] =	ssyncset.done $0x0  }
0x148: {  	[sflag:s3] =	ssyncadd.s32 $0xFFFFF300  }
0x149: {  	_ =	sfence.sel $0x180000  }
0x14a: {  	[bflag:$0x0] =	sbarrier.arrive $0xFFFF  }
0x14b: {  	_ =	strace $0x9000004A  }
0x14c: {  	s31 =	stileid.u32;
	[bflag:$0x2] =	sbarrier.arrive $0xFFFF  }
0x14d: {  	p0 =	sne.s32 s31, $0x0;
	s0 =	rddreg [dreg:$0x1]  }
0x14e: {  	s0 =	sadd.s32 @!p0 $0x100000, s0  }
0x14f: {  	[sflag:s0] =	ssyncadd.tile.s32 @!p0 $0x1;
	_ =	shalt  }
.Lfunc_end2:
_tile_overlayer_lowered:
.L_overlay_start_2:
0x150: {  	(tag) =	ssettag $0x2  }
0x151: {  	s0 =	rddreg [dreg:$0x0];
	s2 =	stileid.u32  }
0x152: {  	s1 =	rddreg [dreg:$0x1];
	p0 =	sne.s32 s2, $0x0  }
0x153: {  	s3 =	rddreg [dreg:$0x2];
	[bflag:$0x3] =	sbarrier.arrive $0xFFFF;
	s2 =	simm.s32 @!p0 $0x1C02  }
0x154: {  	[timem:s3], [sflag:s2] =	dma.local @!p0 [hbm:s0], s1  }
0x155: {  	s0 =	simm.s32 @!p0 $0x2  }
0x156: {  	_ =	swait.ge @!p0 [sflag:s0], s1  }
0x157: {  	s1 =	ssub.s32 @!p0 $0x0, s1;
	[sflag:s0] =	ssyncset.done @!p0 $0x0  }
0x158: {  	[sflag:s0] =	ssyncadd.s32 @!p0 s1  }
0x159: {  	[bflag:$0x3] =	sbarrier.arrive $0xFFFF  }
0x15a: {  	_ =	shalt  }

</sc_bundles>
